<compile_context>
chip_gen: v7x
topology: tpu7x:2x2x1
jax: 0.10.2.dev20260603
libtpu: 0.0.44.dev20260713+nightly
codegen_flags: <defaults>
</compile_context>

<pallas_src>
import functools

import jax
import jax.numpy as jnp
from jax import lax
from jax.experimental import pallas as pl
from jax.experimental.pallas import tpu as pltpu
from jax.experimental.pallas import tpu_sc as plsc

_B = 16384
_D = 16
_NC = 2
_NS = 16
_NW = _NC * _NS
_BPW = _B // _NW
_NCHUNK = _BPW // 128
_NBLK = _BPW // _D
_WV = 8


def _dot_kernel(users_hbm, items_hbm, ut_hbm, vt_hbm, out_hbm,
                uidx, vidx, bu0, bv0, bu1, bv1, outv, sem0, sem1):
    wid = lax.axis_index("s") * _NC + lax.axis_index("c")
    base = wid * _BPW

    pltpu.sync_copy(users_hbm.at[pl.ds(wid * _NCHUNK, _NCHUNK)], uidx)
    pltpu.sync_copy(items_hbm.at[pl.ds(wid * _NCHUNK, _NCHUNK)], vidx)

    lane = lax.iota(jnp.int32, 16)
    dn = lax.GatherDimensionNumbers(
        offset_dims=(), collapsed_slice_dims=(0,), start_index_map=(0,))

    def perm(a, idx):
        return lax.gather(a, idx[:, None], dn, (1,),
                          mode=lax.GatherScatterMode.PROMISE_IN_BOUNDS)

    def chunk_vecs(c):
        iu = uidx[lax.div(c, 8), pl.ds(lax.rem(c, 8) * 16, 16)]
        iv = vidx[lax.div(c, 8), pl.ds(lax.rem(c, 8) * 16, 16)]
        return iu, iv

    def fire(c, hw, bufu, bufv, sem):
        iu, iv = chunk_vecs(c)
        cu = lax.shift_right_logical(iu, 7)
        cv = lax.shift_right_logical(iv, 7)
        for j in range(_WV):
            ou = pl.multiple_of(cu[hw * _WV + j] * 128, 128)
            ov = pl.multiple_of(cv[hw * _WV + j] * 128, 128)
            pltpu.async_copy(ut_hbm.at[:, pl.ds(ou, 128)],
                             bufu.at[pl.ds(j * _D, _D), :], sem)
            pltpu.async_copy(vt_hbm.at[:, pl.ds(ov, 128)],
                             bufv.at[pl.ds(j * _D, _D), :], sem)

    def drain(bufu, bufv, sem):
        for j in range(_WV):
            pltpu.make_async_copy(ut_hbm.at[:, pl.ds(0, 128)],
                                  bufu.at[pl.ds(j * _D, _D), :], sem).wait()
            pltpu.make_async_copy(vt_hbm.at[:, pl.ds(0, 128)],
                                  bufv.at[pl.ds(j * _D, _D), :], sem).wait()

    def compute(c, hw, bufu, bufv):
        iu, iv = chunk_vecs(c)
        lu = lax.bitwise_and(iu, 127)
        lv = lax.bitwise_and(iv, 127)
        part = jnp.zeros((16,), jnp.float32)
        for j in range(_WV):
            lsu = jnp.full((16,), lu[hw * _WV + j], jnp.int32)
            lsv = jnp.full((16,), lv[hw * _WV + j], jnp.int32)
            ru = plsc.load_gather(bufu, [lane + j * _D, lsu])
            rv = plsc.load_gather(bufv, [lane + j * _D, lsv])
            p = ru * rv
            for d in (8, 4, 2, 1):
                p = p + perm(p, lane ^ d)
            part = jnp.where(lane == hw * _WV + j, p, part)
        return part

    fire(0, 0, bu0, bv0, sem0)

    def body(t, carry):
        fire(t, 1, bu1, bv1, sem1)
        drain(bu0, bv0, sem0)
        acc0 = compute(t, 0, bu0, bv0)

        @pl.when(t < _NBLK - 1)
        def _():
            fire(t + 1, 0, bu0, bv0, sem0)

        drain(bu1, bv1, sem1)
        acc1 = compute(t, 1, bu1, bv1)
        outv[pl.ds(t * _D, _D)] = acc0 + acc1
        return carry

    lax.fori_loop(0, _NBLK, body, 0)

    pltpu.sync_copy(outv, out_hbm.at[pl.ds(base, _BPW)])


@jax.jit
def _hete_mf(users2d, items2d, ut, vt):
    mesh = plsc.VectorSubcoreMesh(core_axis_name="c", subcore_axis_name="s")
    run = functools.partial(
        pl.kernel,
        mesh=mesh,
        compiler_params=pltpu.CompilerParams(
            use_tc_tiling_on_sc=True, needs_layout_passes=False),
        out_type=jax.ShapeDtypeStruct((_B,), jnp.float32),
        scratch_types=[
            pltpu.VMEM((_NCHUNK, 128), jnp.int32),
            pltpu.VMEM((_NCHUNK, 128), jnp.int32),
            pltpu.VMEM((_WV * _D, 128), jnp.float32),
            pltpu.VMEM((_WV * _D, 128), jnp.float32),
            pltpu.VMEM((_WV * _D, 128), jnp.float32),
            pltpu.VMEM((_WV * _D, 128), jnp.float32),
            pltpu.VMEM((_BPW,), jnp.float32),
            pltpu.SemaphoreType.DMA,
            pltpu.SemaphoreType.DMA,
        ],
    )(_dot_kernel)
    return run(users2d, items2d, ut, vt)


def kernel(users, items, U, V):
    users2d = users.reshape(_NW * _NCHUNK, 128)
    items2d = items.reshape(_NW * _NCHUNK, 128)
    return _hete_mf(users2d, items2d, U.T, V.T)

# --- scband reference (transcript-rebuilt; emitter-appended) ---
"""Pipeline reference for scband-hete-mf-5866925326542 (READ-ONLY COPY).

The authoritative reference and input builder live on the scoring server;
editing this copy changes nothing except your own understanding.
"""

import jax, jax.numpy as jnp
import numpy as np

N_USERS = 1000000 + 1
N_ITEMS = 1000000 + 1
N_FACTORS = 16
BATCH = 16384


def setup_inputs(seed: int = 0) -> dict:
    key = jax.random.key(seed)
    k1, k2, k3, k4 = jax.random.split(key, 4)
    users = jax.random.randint(k1, (BATCH,), 0, 1000000, dtype=jnp.int64 if jax.config.jax_enable_x64 else jnp.int32).astype(jnp.int32)
    items = jax.random.randint(k2, (BATCH,), 0, 1000000, dtype=jnp.int64 if jax.config.jax_enable_x64 else jnp.int32).astype(jnp.int32)
    U = jax.random.normal(k3, (N_USERS, N_FACTORS), dtype=jnp.float32) * 0.02
    V = jax.random.normal(k4, (N_ITEMS, N_FACTORS), dtype=jnp.float32) * 0.02
    return {"users": users, "items": items, "U": U, "V": V}


def reference(users, items, U, V):
    # heteMF.forward: preds = (U(users) * V(items)).sum(dim=-1)
    ues = jnp.take(U, users, axis=0)
    uis = jnp.take(V, items, axis=0)
    preds = (ues * uis).sum(axis=-1)
    return preds

if __name__ == "__main__":
    import jax
    _d = setup_inputs()
    print(jax.jit(kernel)(*tuple(_d.values())))

</pallas_src>

<mosaic_0001>
#map = affine_map<(d0, d1) -> (0, 0)>
#map1 = affine_map<(d0, d1) -> (0)>
module attributes {stable_mosaic.version = 14 : i64} {
  func.func @_dot_kernel(%arg0: i32, %arg1: i32, %arg2: memref<128x128xi32, #tpu.memory_space<hbm>>, %arg3: memref<128x128xi32, #tpu.memory_space<hbm>>, %arg4: memref<16x1000001xf32, #tpu.memory_space<hbm>>, %arg5: memref<16x1000001xf32, #tpu.memory_space<hbm>>, %arg6: memref<16384xf32, #tpu.memory_space<hbm>>, %arg7: memref<4x128xi32, #tpu.memory_space<vmem>>, %arg8: memref<4x128xi32, #tpu.memory_space<vmem>>, %arg9: memref<128x128xf32, #tpu.memory_space<vmem>>, %arg10: memref<128x128xf32, #tpu.memory_space<vmem>>, %arg11: memref<128x128xf32, #tpu.memory_space<vmem>>, %arg12: memref<128x128xf32, #tpu.memory_space<vmem>>, %arg13: memref<512xf32, #tpu.memory_space<vmem>>, %arg14: memref<!tpu.dma_semaphore, #tpu.memory_space<semaphore_mem>>, %arg15: memref<!tpu.dma_semaphore, #tpu.memory_space<semaphore_mem>>) attributes {dimension_semantics = [#tpu.dimension_semantics<core_parallel>, #tpu.dimension_semantics<subcore_parallel>], iteration_bounds = array<i64: 2, 16>, scalar_prefetch = 0 : i64, scratch_operands = 9 : i64, tpu.core_type = #tpu.core_type<sc_vector_subcore>, window_params = [{transform_indices = #map}, {transform_indices = #map}, {transform_indices = #map}, {transform_indices = #map}, {transform_indices = #map1}]} {
    %mul3A = arith.constant 2 : i32
    %mul3A_0 = arith.muli %arg1, %mul3A : i32
    %add3A = arith.addi %mul3A_0, %arg0 : i32
    %mul3A_1 = arith.constant 512 : i32
    %mul3A_2 = arith.muli %add3A, %mul3A_1 : i32
    %mul3A_3 = arith.constant 4 : i32
    %mul3A_4 = arith.muli %add3A, %mul3A_3 : i32
    "tpu.region"() ({
      %run_scoped3A = tpu.sem_alloc : memref<!tpu.dma_semaphore, #tpu.memory_space<semaphore_mem>>
      %dma_start3A_272 = arith.constant 0 : i32
      %dma_start3A_273 = tpu.memref_slice %arg2[%mul3A_4, %dma_start3A_272] : memref<128x128xi32, #tpu.memory_space<hbm>> -> memref<4x128xi32, #tpu.memory_space<hbm>>
      %dma_start3A_274 = arith.constant 0 : i32
      %dma_start3A_275 = tpu.memref_slice %arg2[%mul3A_4, %dma_start3A_274] : memref<128x128xi32, #tpu.memory_space<hbm>> -> memref<4x128xi32, #tpu.memory_space<hbm>>
      tpu.enqueue_dma source(%dma_start3A_275 : memref<4x128xi32, #tpu.memory_space<hbm>>) target(%arg7 : memref<4x128xi32, #tpu.memory_space<vmem>>) target_semaphore(%run_scoped3A : memref<!tpu.dma_semaphore, #tpu.memory_space<semaphore_mem>>)
      %dma_wait3A = arith.constant 0 : i32
      %dma_wait3A_276 = tpu.memref_slice %arg2[%mul3A_4, %dma_wait3A] : memref<128x128xi32, #tpu.memory_space<hbm>> -> memref<4x128xi32, #tpu.memory_space<hbm>>
      %dma_wait3A_277 = arith.constant 0 : i32
      %dma_wait3A_278 = tpu.memref_slice %arg2[%mul3A_4, %dma_wait3A_277] : memref<128x128xi32, #tpu.memory_space<hbm>> -> memref<4x128xi32, #tpu.memory_space<hbm>>
      tpu.wait_dma2 semaphore(%run_scoped3A : memref<!tpu.dma_semaphore, #tpu.memory_space<semaphore_mem>>) src(%dma_wait3A_278 : memref<4x128xi32, #tpu.memory_space<hbm>>) dst(%arg7 : memref<4x128xi32, #tpu.memory_space<vmem>>)
      tpu.yield
    }) : () -> ()
    %mul3A_5 = arith.constant 4 : i32
    %mul3A_6 = arith.muli %add3A, %mul3A_5 : i32
    "tpu.region"() ({
      %run_scoped3A = tpu.sem_alloc : memref<!tpu.dma_semaphore, #tpu.memory_space<semaphore_mem>>
      %dma_start3A_272 = arith.constant 0 : i32
      %dma_start3A_273 = tpu.memref_slice %arg3[%mul3A_6, %dma_start3A_272] : memref<128x128xi32, #tpu.memory_space<hbm>> -> memref<4x128xi32, #tpu.memory_space<hbm>>
      %dma_start3A_274 = arith.constant 0 : i32
      %dma_start3A_275 = tpu.memref_slice %arg3[%mul3A_6, %dma_start3A_274] : memref<128x128xi32, #tpu.memory_space<hbm>> -> memref<4x128xi32, #tpu.memory_space<hbm>>
      tpu.enqueue_dma source(%dma_start3A_275 : memref<4x128xi32, #tpu.memory_space<hbm>>) target(%arg8 : memref<4x128xi32, #tpu.memory_space<vmem>>) target_semaphore(%run_scoped3A : memref<!tpu.dma_semaphore, #tpu.memory_space<semaphore_mem>>)
      %dma_wait3A = arith.constant 0 : i32
      %dma_wait3A_276 = tpu.memref_slice %arg3[%mul3A_6, %dma_wait3A] : memref<128x128xi32, #tpu.memory_space<hbm>> -> memref<4x128xi32, #tpu.memory_space<hbm>>
      %dma_wait3A_277 = arith.constant 0 : i32
      %dma_wait3A_278 = tpu.memref_slice %arg3[%mul3A_6, %dma_wait3A_277] : memref<128x128xi32, #tpu.memory_space<hbm>> -> memref<4x128xi32, #tpu.memory_space<hbm>>
      tpu.wait_dma2 semaphore(%run_scoped3A : memref<!tpu.dma_semaphore, #tpu.memory_space<semaphore_mem>>) src(%dma_wait3A_278 : memref<4x128xi32, #tpu.memory_space<hbm>>) dst(%arg8 : memref<4x128xi32, #tpu.memory_space<vmem>>)
      tpu.yield
    }) : () -> ()
    %iota3A = tpu.iota {dimensions = array<i32: 0>} : vector<16xi32>
    %div3A = arith.constant 0 : i32
    %div3A_7 = arith.constant 8 : i32
    %div3A_8 = arith.divsi %div3A, %div3A_7 : i32
    %rem3A = arith.constant 0 : i32
    %rem3A_9 = arith.constant 8 : i32
    %rem3A_10 = arith.remsi %rem3A, %rem3A_9 : i32
    %mul3A_11 = arith.constant 16 : i32
    %mul3A_12 = arith.muli %rem3A_10, %mul3A_11 : i32
    %get3A = arith.index_cast %div3A_8 : i32 to index
    %get3A_13 = arith.index_cast %mul3A_12 : i32 to index
    %get3A_14 = tpu.vector_load %arg7[%get3A, %get3A_13] {strides = array<i32>} : memref<4x128xi32, #tpu.memory_space<vmem>>, vector<16xi32>,
    %div3A_15 = arith.constant 0 : i32
    %div3A_16 = arith.constant 8 : i32
    %div3A_17 = arith.divsi %div3A_15, %div3A_16 : i32
    %rem3A_18 = arith.constant 0 : i32
    %rem3A_19 = arith.constant 8 : i32
    %rem3A_20 = arith.remsi %rem3A_18, %rem3A_19 : i32
    %mul3A_21 = arith.constant 16 : i32
    %mul3A_22 = arith.muli %rem3A_20, %mul3A_21 : i32
    %get3A_23 = arith.index_cast %div3A_17 : i32 to index
    %get3A_24 = arith.index_cast %mul3A_22 : i32 to index
    %get3A_25 = tpu.vector_load %arg8[%get3A_23, %get3A_24] {strides = array<i32>} : memref<4x128xi32, #tpu.memory_space<vmem>>, vector<16xi32>,
    %shift_right_logical3A = arith.constant 7 : i32
    %shift_right_logical3A_26 = vector.broadcast %shift_right_logical3A : i32 to vector<16xi32>
    %shift_right_logical3A_27 = arith.shrui %get3A_14, %shift_right_logical3A_26 : vector<16xi32>
    %shift_right_logical3A_28 = arith.constant 7 : i32
    %shift_right_logical3A_29 = vector.broadcast %shift_right_logical3A_28 : i32 to vector<16xi32>
    %shift_right_logical3A_30 = arith.shrui %get3A_25, %shift_right_logical3A_29 : vector<16xi32>
    %slice3A = vector.extract_strided_slice %shift_right_logical3A_27 {offsets = [0], sizes = [1], strides = [1]} : vector<16xi32> to vector<1xi32>
    %squeeze3A = vector.extract %slice3A[0] : i32 from vector<1xi32>
    %mul3A_31 = arith.constant 128 : i32
    %mul3A_32 = arith.muli %squeeze3A, %mul3A_31 : i32
    %multiple_of3A = tpu.assume_multiple %mul3A_32, 128 : i32
    %slice3A_33 = vector.extract_strided_slice %shift_right_logical3A_30 {offsets = [0], sizes = [1], strides = [1]} : vector<16xi32> to vector<1xi32>
    %squeeze3A_34 = vector.extract %slice3A_33[0] : i32 from vector<1xi32>
    %mul3A_35 = arith.constant 128 : i32
    %mul3A_36 = arith.muli %squeeze3A_34, %mul3A_35 : i32
    %multiple_of3A_37 = tpu.assume_multiple %mul3A_36, 128 : i32
    %dma_start3A = arith.constant 0 : i32
    %dma_start3A_38 = arith.constant 0 : i32
    %dma_start3A_39 = tpu.memref_slice %arg9[%dma_start3A, %dma_start3A_38] : memref<128x128xf32, #tpu.memory_space<vmem>> -> memref<16x128xf32, #tpu.memory_space<vmem>>
    %dma_start3A_40 = arith.constant 0 : i32
    %dma_start3A_41 = tpu.memref_slice %arg4[%dma_start3A_40, %multiple_of3A] : memref<16x1000001xf32, #tpu.memory_space<hbm>> -> memref<16x128xf32, #tpu.memory_space<hbm>>
    %dma_start3A_42 = arith.constant 0 : i32
    %dma_start3A_43 = arith.constant 0 : i32
    %dma_start3A_44 = tpu.memref_slice %arg9[%dma_start3A_42, %dma_start3A_43] : memref<128x128xf32, #tpu.memory_space<vmem>> -> memref<16x128xf32, #tpu.memory_space<vmem>>
    %dma_start3A_45 = arith.constant 0 : i32
    %dma_start3A_46 = tpu.memref_slice %arg4[%dma_start3A_45, %multiple_of3A] : memref<16x1000001xf32, #tpu.memory_space<hbm>> -> memref<16x128xf32, #tpu.memory_space<hbm>>
    tpu.enqueue_dma source(%dma_start3A_46 : memref<16x128xf32, #tpu.memory_space<hbm>>) target(%dma_start3A_44 : memref<16x128xf32, #tpu.memory_space<vmem>>) target_semaphore(%arg14 : memref<!tpu.dma_semaphore, #tpu.memory_space<semaphore_mem>>)
    %dma_start3A_47 = arith.constant 0 : i32
    %dma_start3A_48 = arith.constant 0 : i32
    %dma_start3A_49 = tpu.memref_slice %arg10[%dma_start3A_47, %dma_start3A_48] : memref<128x128xf32, #tpu.memory_space<vmem>> -> memref<16x128xf32, #tpu.memory_space<vmem>>
    %dma_start3A_50 = arith.constant 0 : i32
    %dma_start3A_51 = tpu.memref_slice %arg5[%dma_start3A_50, %multiple_of3A_37] : memref<16x1000001xf32, #tpu.memory_space<hbm>> -> memref<16x128xf32, #tpu.memory_space<hbm>>
    %dma_start3A_52 = arith.constant 0 : i32
    %dma_start3A_53 = arith.constant 0 : i32
    %dma_start3A_54 = tpu.memref_slice %arg10[%dma_start3A_52, %dma_start3A_53] : memref<128x128xf32, #tpu.memory_space<vmem>> -> memref<16x128xf32, #tpu.memory_space<vmem>>
    %dma_start3A_55 = arith.constant 0 : i32
    %dma_start3A_56 = tpu.memref_slice %arg5[%dma_start3A_55, %multiple_of3A_37] : memref<16x1000001xf32, #tpu.memory_space<hbm>> -> memref<16x128xf32, #tpu.memory_space<hbm>>
    tpu.enqueue_dma source(%dma_start3A_56 : memref<16x128xf32, #tpu.memory_space<hbm>>) target(%dma_start3A_54 : memref<16x128xf32, #tpu.memory_space<vmem>>) target_semaphore(%arg14 : memref<!tpu.dma_semaphore, #tpu.memory_space<semaphore_mem>>)
    %slice3A_57 = vector.extract_strided_slice %shift_right_logical3A_27 {offsets = [1], sizes = [1], strides = [1]} : vector<16xi32> to vector<1xi32>
    %squeeze3A_58 = vector.extract %slice3A_57[0] : i32 from vector<1xi32>
    %mul3A_59 = arith.constant 128 : i32
    %mul3A_60 = arith.muli %squeeze3A_58, %mul3A_59 : i32
    %multiple_of3A_61 = tpu.assume_multiple %mul3A_60, 128 : i32
    %slice3A_62 = vector.extract_strided_slice %shift_right_logical3A_30 {offsets = [1], sizes = [1], strides = [1]} : vector<16xi32> to vector<1xi32>
    %squeeze3A_63 = vector.extract %slice3A_62[0] : i32 from vector<1xi32>
    %mul3A_64 = arith.constant 128 : i32
    %mul3A_65 = arith.muli %squeeze3A_63, %mul3A_64 : i32
    %multiple_of3A_66 = tpu.assume_multiple %mul3A_65, 128 : i32
    %dma_start3A_67 = arith.constant 16 : i32
    %dma_start3A_68 = arith.constant 0 : i32
    %dma_start3A_69 = tpu.memref_slice %arg9[%dma_start3A_67, %dma_start3A_68] : memref<128x128xf32, #tpu.memory_space<vmem>> -> memref<16x128xf32, #tpu.memory_space<vmem>>
    %dma_start3A_70 = arith.constant 0 : i32
    %dma_start3A_71 = tpu.memref_slice %arg4[%dma_start3A_70, %multiple_of3A_61] : memref<16x1000001xf32, #tpu.memory_space<hbm>> -> memref<16x128xf32, #tpu.memory_space<hbm>>
    %dma_start3A_72 = arith.constant 16 : i32
    %dma_start3A_73 = arith.constant 0 : i32
    %dma_start3A_74 = tpu.memref_slice %arg9[%dma_start3A_72, %dma_start3A_73] : memref<128x128xf32, #tpu.memory_space<vmem>> -> memref<16x128xf32, #tpu.memory_space<vmem>>
    %dma_start3A_75 = arith.constant 0 : i32
    %dma_start3A_76 = tpu.memref_slice %arg4[%dma_start3A_75, %multiple_of3A_61] : memref<16x1000001xf32, #tpu.memory_space<hbm>> -> memref<16x128xf32, #tpu.memory_space<hbm>>
    tpu.enqueue_dma source(%dma_start3A_76 : memref<16x128xf32, #tpu.memory_space<hbm>>) target(%dma_start3A_74 : memref<16x128xf32, #tpu.memory_space<vmem>>) target_semaphore(%arg14 : memref<!tpu.dma_semaphore, #tpu.memory_space<semaphore_mem>>)
    %dma_start3A_77 = arith.constant 16 : i32
    %dma_start3A_78 = arith.constant 0 : i32
    %dma_start3A_79 = tpu.memref_slice %arg10[%dma_start3A_77, %dma_start3A_78] : memref<128x128xf32, #tpu.memory_space<vmem>> -> memref<16x128xf32, #tpu.memory_space<vmem>>
    %dma_start3A_80 = arith.constant 0 : i32
    %dma_start3A_81 = tpu.memref_slice %arg5[%dma_start3A_80, %multiple_of3A_66] : memref<16x1000001xf32, #tpu.memory_space<hbm>> -> memref<16x128xf32, #tpu.memory_space<hbm>>
    %dma_start3A_82 = arith.constant 16 : i32
    %dma_start3A_83 = arith.constant 0 : i32
    %dma_start3A_84 = tpu.memref_slice %arg10[%dma_start3A_82, %dma_start3A_83] : memref<128x128xf32, #tpu.memory_space<vmem>> -> memref<16x128xf32, #tpu.memory_space<vmem>>
    %dma_start3A_85 = arith.constant 0 : i32
    %dma_start3A_86 = tpu.memref_slice %arg5[%dma_start3A_85, %multiple_of3A_66] : memref<16x1000001xf32, #tpu.memory_space<hbm>> -> memref<16x128xf32, #tpu.memory_space<hbm>>
    tpu.enqueue_dma source(%dma_start3A_86 : memref<16x128xf32, #tpu.memory_space<hbm>>) target(%dma_start3A_84 : memref<16x128xf32, #tpu.memory_space<vmem>>) target_semaphore(%arg14 : memref<!tpu.dma_semaphore, #tpu.memory_space<semaphore_mem>>)
    %slice3A_87 = vector.extract_strided_slice %shift_right_logical3A_27 {offsets = [2], sizes = [1], strides = [1]} : vector<16xi32> to vector<1xi32>
    %squeeze3A_88 = vector.extract %slice3A_87[0] : i32 from vector<1xi32>
    %mul3A_89 = arith.constant 128 : i32
    %mul3A_90 = arith.muli %squeeze3A_88, %mul3A_89 : i32
    %multiple_of3A_91 = tpu.assume_multiple %mul3A_90, 128 : i32
    %slice3A_92 = vector.extract_strided_slice %shift_right_logical3A_30 {offsets = [2], sizes = [1], strides = [1]} : vector<16xi32> to vector<1xi32>
    %squeeze3A_93 = vector.extract %slice3A_92[0] : i32 from vector<1xi32>
    %mul3A_94 = arith.constant 128 : i32
    %mul3A_95 = arith.muli %squeeze3A_93, %mul3A_94 : i32
    %multiple_of3A_96 = tpu.assume_multiple %mul3A_95, 128 : i32
    %dma_start3A_97 = arith.constant 32 : i32
    %dma_start3A_98 = arith.constant 0 : i32
    %dma_start3A_99 = tpu.memref_slice %arg9[%dma_start3A_97, %dma_start3A_98] : memref<128x128xf32, #tpu.memory_space<vmem>> -> memref<16x128xf32, #tpu.memory_space<vmem>>
    %dma_start3A_100 = arith.constant 0 : i32
    %dma_start3A_101 = tpu.memref_slice %arg4[%dma_start3A_100, %multiple_of3A_91] : memref<16x1000001xf32, #tpu.memory_space<hbm>> -> memref<16x128xf32, #tpu.memory_space<hbm>>
    %dma_start3A_102 = arith.constant 32 : i32
    %dma_start3A_103 = arith.constant 0 : i32
    %dma_start3A_104 = tpu.memref_slice %arg9[%dma_start3A_102, %dma_start3A_103] : memref<128x128xf32, #tpu.memory_space<vmem>> -> memref<16x128xf32, #tpu.memory_space<vmem>>
    %dma_start3A_105 = arith.constant 0 : i32
    %dma_start3A_106 = tpu.memref_slice %arg4[%dma_start3A_105, %multiple_of3A_91] : memref<16x1000001xf32, #tpu.memory_space<hbm>> -> memref<16x128xf32, #tpu.memory_space<hbm>>
    tpu.enqueue_dma source(%dma_start3A_106 : memref<16x128xf32, #tpu.memory_space<hbm>>) target(%dma_start3A_104 : memref<16x128xf32, #tpu.memory_space<vmem>>) target_semaphore(%arg14 : memref<!tpu.dma_semaphore, #tpu.memory_space<semaphore_mem>>)
    %dma_start3A_107 = arith.constant 32 : i32
    %dma_start3A_108 = arith.constant 0 : i32
    %dma_start3A_109 = tpu.memref_slice %arg10[%dma_start3A_107, %dma_start3A_108] : memref<128x128xf32, #tpu.memory_space<vmem>> -> memref<16x128xf32, #tpu.memory_space<vmem>>
    %dma_start3A_110 = arith.constant 0 : i32
    %dma_start3A_111 = tpu.memref_slice %arg5[%dma_start3A_110, %multiple_of3A_96] : memref<16x1000001xf32, #tpu.memory_space<hbm>> -> memref<16x128xf32, #tpu.memory_space<hbm>>
    %dma_start3A_112 = arith.constant 32 : i32
    %dma_start3A_113 = arith.constant 0 : i32
    %dma_start3A_114 = tpu.memref_slice %arg10[%dma_start3A_112, %dma_start3A_113] : memref<128x128xf32, #tpu.memory_space<vmem>> -> memref<16x128xf32, #tpu.memory_space<vmem>>
    %dma_start3A_115 = arith.constant 0 : i32
    %dma_start3A_116 = tpu.memref_slice %arg5[%dma_start3A_115, %multiple_of3A_96] : memref<16x1000001xf32, #tpu.memory_space<hbm>> -> memref<16x128xf32, #tpu.memory_space<hbm>>
    tpu.enqueue_dma source(%dma_start3A_116 : memref<16x128xf32, #tpu.memory_space<hbm>>) target(%dma_start3A_114 : memref<16x128xf32, #tpu.memory_space<vmem>>) target_semaphore(%arg14 : memref<!tpu.dma_semaphore, #tpu.memory_space<semaphore_mem>>)
    %slice3A_117 = vector.extract_strided_slice %shift_right_logical3A_27 {offsets = [3], sizes = [1], strides = [1]} : vector<16xi32> to vector<1xi32>
    %squeeze3A_118 = vector.extract %slice3A_117[0] : i32 from vector<1xi32>
    %mul3A_119 = arith.constant 128 : i32
    %mul3A_120 = arith.muli %squeeze3A_118, %mul3A_119 : i32
    %multiple_of3A_121 = tpu.assume_multiple %mul3A_120, 128 : i32
    %slice3A_122 = vector.extract_strided_slice %shift_right_logical3A_30 {offsets = [3], sizes = [1], strides = [1]} : vector<16xi32> to vector<1xi32>
    %squeeze3A_123 = vector.extract %slice3A_122[0] : i32 from vector<1xi32>
    %mul3A_124 = arith.constant 128 : i32
    %mul3A_125 = arith.muli %squeeze3A_123, %mul3A_124 : i32
    %multiple_of3A_126 = tpu.assume_multiple %mul3A_125, 128 : i32
    %dma_start3A_127 = arith.constant 48 : i32
    %dma_start3A_128 = arith.constant 0 : i32
    %dma_start3A_129 = tpu.memref_slice %arg9[%dma_start3A_127, %dma_start3A_128] : memref<128x128xf32, #tpu.memory_space<vmem>> -> memref<16x128xf32, #tpu.memory_space<vmem>>
    %dma_start3A_130 = arith.constant 0 : i32
    %dma_start3A_131 = tpu.memref_slice %arg4[%dma_start3A_130, %multiple_of3A_121] : memref<16x1000001xf32, #tpu.memory_space<hbm>> -> memref<16x128xf32, #tpu.memory_space<hbm>>
    %dma_start3A_132 = arith.constant 48 : i32
    %dma_start3A_133 = arith.constant 0 : i32
    %dma_start3A_134 = tpu.memref_slice %arg9[%dma_start3A_132, %dma_start3A_133] : memref<128x128xf32, #tpu.memory_space<vmem>> -> memref<16x128xf32, #tpu.memory_space<vmem>>
    %dma_start3A_135 = arith.constant 0 : i32
    %dma_start3A_136 = tpu.memref_slice %arg4[%dma_start3A_135, %multiple_of3A_121] : memref<16x1000001xf32, #tpu.memory_space<hbm>> -> memref<16x128xf32, #tpu.memory_space<hbm>>
    tpu.enqueue_dma source(%dma_start3A_136 : memref<16x128xf32, #tpu.memory_space<hbm>>) target(%dma_start3A_134 : memref<16x128xf32, #tpu.memory_space<vmem>>) target_semaphore(%arg14 : memref<!tpu.dma_semaphore, #tpu.memory_space<semaphore_mem>>)
    %dma_start3A_137 = arith.constant 48 : i32
    %dma_start3A_138 = arith.constant 0 : i32
    %dma_start3A_139 = tpu.memref_slice %arg10[%dma_start3A_137, %dma_start3A_138] : memref<128x128xf32, #tpu.memory_space<vmem>> -> memref<16x128xf32, #tpu.memory_space<vmem>>
    %dma_start3A_140 = arith.constant 0 : i32
    %dma_start3A_141 = tpu.memref_slice %arg5[%dma_start3A_140, %multiple_of3A_126] : memref<16x1000001xf32, #tpu.memory_space<hbm>> -> memref<16x128xf32, #tpu.memory_space<hbm>>
    %dma_start3A_142 = arith.constant 48 : i32
    %dma_start3A_143 = arith.constant 0 : i32
    %dma_start3A_144 = tpu.memref_slice %arg10[%dma_start3A_142, %dma_start3A_143] : memref<128x128xf32, #tpu.memory_space<vmem>> -> memref<16x128xf32, #tpu.memory_space<vmem>>
    %dma_start3A_145 = arith.constant 0 : i32
    %dma_start3A_146 = tpu.memref_slice %arg5[%dma_start3A_145, %multiple_of3A_126] : memref<16x1000001xf32, #tpu.memory_space<hbm>> -> memref<16x128xf32, #tpu.memory_space<hbm>>
    tpu.enqueue_dma source(%dma_start3A_146 : memref<16x128xf32, #tpu.memory_space<hbm>>) target(%dma_start3A_144 : memref<16x128xf32, #tpu.memory_space<vmem>>) target_semaphore(%arg14 : memref<!tpu.dma_semaphore, #tpu.memory_space<semaphore_mem>>)
    %slice3A_147 = vector.extract_strided_slice %shift_right_logical3A_27 {offsets = [4], sizes = [1], strides = [1]} : vector<16xi32> to vector<1xi32>
    %squeeze3A_148 = vector.extract %slice3A_147[0] : i32 from vector<1xi32>
    %mul3A_149 = arith.constant 128 : i32
    %mul3A_150 = arith.muli %squeeze3A_148, %mul3A_149 : i32
    %multiple_of3A_151 = tpu.assume_multiple %mul3A_150, 128 : i32
    %slice3A_152 = vector.extract_strided_slice %shift_right_logical3A_30 {offsets = [4], sizes = [1], strides = [1]} : vector<16xi32> to vector<1xi32>
    %squeeze3A_153 = vector.extract %slice3A_152[0] : i32 from vector<1xi32>
    %mul3A_154 = arith.constant 128 : i32
    %mul3A_155 = arith.muli %squeeze3A_153, %mul3A_154 : i32
    %multiple_of3A_156 = tpu.assume_multiple %mul3A_155, 128 : i32
    %dma_start3A_157 = arith.constant 64 : i32
    %dma_start3A_158 = arith.constant 0 : i32
    %dma_start3A_159 = tpu.memref_slice %arg9[%dma_start3A_157, %dma_start3A_158] : memref<128x128xf32, #tpu.memory_space<vmem>> -> memref<16x128xf32, #tpu.memory_space<vmem>>
    %dma_start3A_160 = arith.constant 0 : i32
    %dma_start3A_161 = tpu.memref_slice %arg4[%dma_start3A_160, %multiple_of3A_151] : memref<16x1000001xf32, #tpu.memory_space<hbm>> -> memref<16x128xf32, #tpu.memory_space<hbm>>
    %dma_start3A_162 = arith.constant 64 : i32
    %dma_start3A_163 = arith.constant 0 : i32
    %dma_start3A_164 = tpu.memref_slice %arg9[%dma_start3A_162, %dma_start3A_163] : memref<128x128xf32, #tpu.memory_space<vmem>> -> memref<16x128xf32, #tpu.memory_space<vmem>>
    %dma_start3A_165 = arith.constant 0 : i32
    %dma_start3A_166 = tpu.memref_slice %arg4[%dma_start3A_165, %multiple_of3A_151] : memref<16x1000001xf32, #tpu.memory_space<hbm>> -> memref<16x128xf32, #tpu.memory_space<hbm>>
    tpu.enqueue_dma source(%dma_start3A_166 : memref<16x128xf32, #tpu.memory_space<hbm>>) target(%dma_start3A_164 : memref<16x128xf32, #tpu.memory_space<vmem>>) target_semaphore(%arg14 : memref<!tpu.dma_semaphore, #tpu.memory_space<semaphore_mem>>)
    %dma_start3A_167 = arith.constant 64 : i32
    %dma_start3A_168 = arith.constant 0 : i32
    %dma_start3A_169 = tpu.memref_slice %arg10[%dma_start3A_167, %dma_start3A_168] : memref<128x128xf32, #tpu.memory_space<vmem>> -> memref<16x128xf32, #tpu.memory_space<vmem>>
    %dma_start3A_170 = arith.constant 0 : i32
    %dma_start3A_171 = tpu.memref_slice %arg5[%dma_start3A_170, %multiple_of3A_156] : memref<16x1000001xf32, #tpu.memory_space<hbm>> -> memref<16x128xf32, #tpu.memory_space<hbm>>
    %dma_start3A_172 = arith.constant 64 : i32
    %dma_start3A_173 = arith.constant 0 : i32
    %dma_start3A_174 = tpu.memref_slice %arg10[%dma_start3A_172, %dma_start3A_173] : memref<128x128xf32, #tpu.memory_space<vmem>> -> memref<16x128xf32, #tpu.memory_space<vmem>>
    %dma_start3A_175 = arith.constant 0 : i32
    %dma_start3A_176 = tpu.memref_slice %arg5[%dma_start3A_175, %multiple_of3A_156] : memref<16x1000001xf32, #tpu.memory_space<hbm>> -> memref<16x128xf32, #tpu.memory_space<hbm>>
    tpu.enqueue_dma source(%dma_start3A_176 : memref<16x128xf32, #tpu.memory_space<hbm>>) target(%dma_start3A_174 : memref<16x128xf32, #tpu.memory_space<vmem>>) target_semaphore(%arg14 : memref<!tpu.dma_semaphore, #tpu.memory_space<semaphore_mem>>)
    %slice3A_177 = vector.extract_strided_slice %shift_right_logical3A_27 {offsets = [5], sizes = [1], strides = [1]} : vector<16xi32> to vector<1xi32>
    %squeeze3A_178 = vector.extract %slice3A_177[0] : i32 from vector<1xi32>
    %mul3A_179 = arith.constant 128 : i32
    %mul3A_180 = arith.muli %squeeze3A_178, %mul3A_179 : i32
    %multiple_of3A_181 = tpu.assume_multiple %mul3A_180, 128 : i32
    %slice3A_182 = vector.extract_strided_slice %shift_right_logical3A_30 {offsets = [5], sizes = [1], strides = [1]} : vector<16xi32> to vector<1xi32>
    %squeeze3A_183 = vector.extract %slice3A_182[0] : i32 from vector<1xi32>
    %mul3A_184 = arith.constant 128 : i32
    %mul3A_185 = arith.muli %squeeze3A_183, %mul3A_184 : i32
    %multiple_of3A_186 = tpu.assume_multiple %mul3A_185, 128 : i32
    %dma_start3A_187 = arith.constant 80 : i32
    %dma_start3A_188 = arith.constant 0 : i32
    %dma_start3A_189 = tpu.memref_slice %arg9[%dma_start3A_187, %dma_start3A_188] : memref<128x128xf32, #tpu.memory_space<vmem>> -> memref<16x128xf32, #tpu.memory_space<vmem>>
    %dma_start3A_190 = arith.constant 0 : i32
    %dma_start3A_191 = tpu.memref_slice %arg4[%dma_start3A_190, %multiple_of3A_181] : memref<16x1000001xf32, #tpu.memory_space<hbm>> -> memref<16x128xf32, #tpu.memory_space<hbm>>
    %dma_start3A_192 = arith.constant 80 : i32
    %dma_start3A_193 = arith.constant 0 : i32
    %dma_start3A_194 = tpu.memref_slice %arg9[%dma_start3A_192, %dma_start3A_193] : memref<128x128xf32, #tpu.memory_space<vmem>> -> memref<16x128xf32, #tpu.memory_space<vmem>>
    %dma_start3A_195 = arith.constant 0 : i32
    %dma_start3A_196 = tpu.memref_slice %arg4[%dma_start3A_195, %multiple_of3A_181] : memref<16x1000001xf32, #tpu.memory_space<hbm>> -> memref<16x128xf32, #tpu.memory_space<hbm>>
    tpu.enqueue_dma source(%dma_start3A_196 : memref<16x128xf32, #tpu.memory_space<hbm>>) target(%dma_start3A_194 : memref<16x128xf32, #tpu.memory_space<vmem>>) target_semaphore(%arg14 : memref<!tpu.dma_semaphore, #tpu.memory_space<semaphore_mem>>)
    %dma_start3A_197 = arith.constant 80 : i32
    %dma_start3A_198 = arith.constant 0 : i32
    %dma_start3A_199 = tpu.memref_slice %arg10[%dma_start3A_197, %dma_start3A_198] : memref<128x128xf32, #tpu.memory_space<vmem>> -> memref<16x128xf32, #tpu.memory_space<vmem>>
    %dma_start3A_200 = arith.constant 0 : i32
    %dma_start3A_201 = tpu.memref_slice %arg5[%dma_start3A_200, %multiple_of3A_186] : memref<16x1000001xf32, #tpu.memory_space<hbm>> -> memref<16x128xf32, #tpu.memory_space<hbm>>
    %dma_start3A_202 = arith.constant 80 : i32
    %dma_start3A_203 = arith.constant 0 : i32
    %dma_start3A_204 = tpu.memref_slice %arg10[%dma_start3A_202, %dma_start3A_203] : memref<128x128xf32, #tpu.memory_space<vmem>> -> memref<16x128xf32, #tpu.memory_space<vmem>>
    %dma_start3A_205 = arith.constant 0 : i32
    %dma_start3A_206 = tpu.memref_slice %arg5[%dma_start3A_205, %multiple_of3A_186] : memref<16x1000001xf32, #tpu.memory_space<hbm>> -> memref<16x128xf32, #tpu.memory_space<hbm>>
    tpu.enqueue_dma source(%dma_start3A_206 : memref<16x128xf32, #tpu.memory_space<hbm>>) target(%dma_start3A_204 : memref<16x128xf32, #tpu.memory_space<vmem>>) target_semaphore(%arg14 : memref<!tpu.dma_semaphore, #tpu.memory_space<semaphore_mem>>)
    %slice3A_207 = vector.extract_strided_slice %shift_right_logical3A_27 {offsets = [6], sizes = [1], strides = [1]} : vector<16xi32> to vector<1xi32>
    %squeeze3A_208 = vector.extract %slice3A_207[0] : i32 from vector<1xi32>
    %mul3A_209 = arith.constant 128 : i32
    %mul3A_210 = arith.muli %squeeze3A_208, %mul3A_209 : i32
    %multiple_of3A_211 = tpu.assume_multiple %mul3A_210, 128 : i32
    %slice3A_212 = vector.extract_strided_slice %shift_right_logical3A_30 {offsets = [6], sizes = [1], strides = [1]} : vector<16xi32> to vector<1xi32>
    %squeeze3A_213 = vector.extract %slice3A_212[0] : i32 from vector<1xi32>
    %mul3A_214 = arith.constant 128 : i32
    %mul3A_215 = arith.muli %squeeze3A_213, %mul3A_214 : i32
    %multiple_of3A_216 = tpu.assume_multiple %mul3A_215, 128 : i32
    %dma_start3A_217 = arith.constant 96 : i32
    %dma_start3A_218 = arith.constant 0 : i32
    %dma_start3A_219 = tpu.memref_slice %arg9[%dma_start3A_217, %dma_start3A_218] : memref<128x128xf32, #tpu.memory_space<vmem>> -> memref<16x128xf32, #tpu.memory_space<vmem>>
    %dma_start3A_220 = arith.constant 0 : i32
    %dma_start3A_221 = tpu.memref_slice %arg4[%dma_start3A_220, %multiple_of3A_211] : memref<16x1000001xf32, #tpu.memory_space<hbm>> -> memref<16x128xf32, #tpu.memory_space<hbm>>
    %dma_start3A_222 = arith.constant 96 : i32
    %dma_start3A_223 = arith.constant 0 : i32
    %dma_start3A_224 = tpu.memref_slice %arg9[%dma_start3A_222, %dma_start3A_223] : memref<128x128xf32, #tpu.memory_space<vmem>> -> memref<16x128xf32, #tpu.memory_space<vmem>>
    %dma_start3A_225 = arith.constant 0 : i32
    %dma_start3A_226 = tpu.memref_slice %arg4[%dma_start3A_225, %multiple_of3A_211] : memref<16x1000001xf32, #tpu.memory_space<hbm>> -> memref<16x128xf32, #tpu.memory_space<hbm>>
    tpu.enqueue_dma source(%dma_start3A_226 : memref<16x128xf32, #tpu.memory_space<hbm>>) target(%dma_start3A_224 : memref<16x128xf32, #tpu.memory_space<vmem>>) target_semaphore(%arg14 : memref<!tpu.dma_semaphore, #tpu.memory_space<semaphore_mem>>)
    %dma_start3A_227 = arith.constant 96 : i32
    %dma_start3A_228 = arith.constant 0 : i32
    %dma_start3A_229 = tpu.memref_slice %arg10[%dma_start3A_227, %dma_start3A_228] : memref<128x128xf32, #tpu.memory_space<vmem>> -> memref<16x128xf32, #tpu.memory_space<vmem>>
    %dma_start3A_230 = arith.constant 0 : i32
    %dma_start3A_231 = tpu.memref_slice %arg5[%dma_start3A_230, %multiple_of3A_216] : memref<16x1000001xf32, #tpu.memory_space<hbm>> -> memref<16x128xf32, #tpu.memory_space<hbm>>
    %dma_start3A_232 = arith.constant 96 : i32
    %dma_start3A_233 = arith.constant 0 : i32
    %dma_start3A_234 = tpu.memref_slice %arg10[%dma_start3A_232, %dma_start3A_233] : memref<128x128xf32, #tpu.memory_space<vmem>> -> memref<16x128xf32, #tpu.memory_space<vmem>>
    %dma_start3A_235 = arith.constant 0 : i32
    %dma_start3A_236 = tpu.memref_slice %arg5[%dma_start3A_235, %multiple_of3A_216] : memref<16x1000001xf32, #tpu.memory_space<hbm>> -> memref<16x128xf32, #tpu.memory_space<hbm>>
    tpu.enqueue_dma source(%dma_start3A_236 : memref<16x128xf32, #tpu.memory_space<hbm>>) target(%dma_start3A_234 : memref<16x128xf32, #tpu.memory_space<vmem>>) target_semaphore(%arg14 : memref<!tpu.dma_semaphore, #tpu.memory_space<semaphore_mem>>)
    %slice3A_237 = vector.extract_strided_slice %shift_right_logical3A_27 {offsets = [7], sizes = [1], strides = [1]} : vector<16xi32> to vector<1xi32>
    %squeeze3A_238 = vector.extract %slice3A_237[0] : i32 from vector<1xi32>
    %mul3A_239 = arith.constant 128 : i32
    %mul3A_240 = arith.muli %squeeze3A_238, %mul3A_239 : i32
    %multiple_of3A_241 = tpu.assume_multiple %mul3A_240, 128 : i32
    %slice3A_242 = vector.extract_strided_slice %shift_right_logical3A_30 {offsets = [7], sizes = [1], strides = [1]} : vector<16xi32> to vector<1xi32>
    %squeeze3A_243 = vector.extract %slice3A_242[0] : i32 from vector<1xi32>
    %mul3A_244 = arith.constant 128 : i32
    %mul3A_245 = arith.muli %squeeze3A_243, %mul3A_244 : i32
    %multiple_of3A_246 = tpu.assume_multiple %mul3A_245, 128 : i32
    %dma_start3A_247 = arith.constant 112 : i32
    %dma_start3A_248 = arith.constant 0 : i32
    %dma_start3A_249 = tpu.memref_slice %arg9[%dma_start3A_247, %dma_start3A_248] : memref<128x128xf32, #tpu.memory_space<vmem>> -> memref<16x128xf32, #tpu.memory_space<vmem>>
    %dma_start3A_250 = arith.constant 0 : i32
    %dma_start3A_251 = tpu.memref_slice %arg4[%dma_start3A_250, %multiple_of3A_241] : memref<16x1000001xf32, #tpu.memory_space<hbm>> -> memref<16x128xf32, #tpu.memory_space<hbm>>
    %dma_start3A_252 = arith.constant 112 : i32
    %dma_start3A_253 = arith.constant 0 : i32
    %dma_start3A_254 = tpu.memref_slice %arg9[%dma_start3A_252, %dma_start3A_253] : memref<128x128xf32, #tpu.memory_space<vmem>> -> memref<16x128xf32, #tpu.memory_space<vmem>>
    %dma_start3A_255 = arith.constant 0 : i32
    %dma_start3A_256 = tpu.memref_slice %arg4[%dma_start3A_255, %multiple_of3A_241] : memref<16x1000001xf32, #tpu.memory_space<hbm>> -> memref<16x128xf32, #tpu.memory_space<hbm>>
    tpu.enqueue_dma source(%dma_start3A_256 : memref<16x128xf32, #tpu.memory_space<hbm>>) target(%dma_start3A_254 : memref<16x128xf32, #tpu.memory_space<vmem>>) target_semaphore(%arg14 : memref<!tpu.dma_semaphore, #tpu.memory_space<semaphore_mem>>)
    %dma_start3A_257 = arith.constant 112 : i32
    %dma_start3A_258 = arith.constant 0 : i32
    %dma_start3A_259 = tpu.memref_slice %arg10[%dma_start3A_257, %dma_start3A_258] : memref<128x128xf32, #tpu.memory_space<vmem>> -> memref<16x128xf32, #tpu.memory_space<vmem>>
    %dma_start3A_260 = arith.constant 0 : i32
    %dma_start3A_261 = tpu.memref_slice %arg5[%dma_start3A_260, %multiple_of3A_246] : memref<16x1000001xf32, #tpu.memory_space<hbm>> -> memref<16x128xf32, #tpu.memory_space<hbm>>
    %dma_start3A_262 = arith.constant 112 : i32
    %dma_start3A_263 = arith.constant 0 : i32
    %dma_start3A_264 = tpu.memref_slice %arg10[%dma_start3A_262, %dma_start3A_263] : memref<128x128xf32, #tpu.memory_space<vmem>> -> memref<16x128xf32, #tpu.memory_space<vmem>>
    %dma_start3A_265 = arith.constant 0 : i32
    %dma_start3A_266 = tpu.memref_slice %arg5[%dma_start3A_265, %multiple_of3A_246] : memref<16x1000001xf32, #tpu.memory_space<hbm>> -> memref<16x128xf32, #tpu.memory_space<hbm>>
    tpu.enqueue_dma source(%dma_start3A_266 : memref<16x128xf32, #tpu.memory_space<hbm>>) target(%dma_start3A_264 : memref<16x128xf32, #tpu.memory_space<vmem>>) target_semaphore(%arg14 : memref<!tpu.dma_semaphore, #tpu.memory_space<semaphore_mem>>)
    %scan3A = arith.constant 0 : i32
    %scan3A_267 = arith.constant 0 : i32
    %scan3A_268 = arith.constant 32 : i32
    %scan3A_269 = arith.addi %scan3A_267, %scan3A_268 : i32
    %scan3A_270 = arith.constant 1 : i32
    scf.for %scan3A_272 = %scan3A_267 to %scan3A_269 step %scan3A_270  : i32 {
      %div3A_273 = arith.constant 8 : i32
      %div3A_274 = arith.divsi %scan3A_272, %div3A_273 : i32
      %rem3A_275 = arith.constant 8 : i32
      %rem3A_276 = arith.remsi %scan3A_272, %rem3A_275 : i32
      %mul3A_277 = arith.constant 16 : i32
      %mul3A_278 = arith.muli %rem3A_276, %mul3A_277 : i32
      %get3A_279 = arith.index_cast %div3A_274 : i32 to index
      %get3A_280 = arith.index_cast %mul3A_278 : i32 to index
      %get3A_281 = tpu.vector_load %arg7[%get3A_279, %get3A_280] {strides = array<i32>} : memref<4x128xi32, #tpu.memory_space<vmem>>, vector<16xi32>,
      %div3A_282 = arith.constant 8 : i32
      %div3A_283 = arith.divsi %scan3A_272, %div3A_282 : i32
      %rem3A_284 = arith.constant 8 : i32
      %rem3A_285 = arith.remsi %scan3A_272, %rem3A_284 : i32
      %mul3A_286 = arith.constant 16 : i32
      %mul3A_287 = arith.muli %rem3A_285, %mul3A_286 : i32
      %get3A_288 = arith.index_cast %div3A_283 : i32 to index
      %get3A_289 = arith.index_cast %mul3A_287 : i32 to index
      %get3A_290 = tpu.vector_load %arg8[%get3A_288, %get3A_289] {strides = array<i32>} : memref<4x128xi32, #tpu.memory_space<vmem>>, vector<16xi32>,
      %shift_right_logical3A_291 = arith.constant 7 : i32
      %shift_right_logical3A_292 = vector.broadcast %shift_right_logical3A_291 : i32 to vector<16xi32>
      %shift_right_logical3A_293 = arith.shrui %get3A_281, %shift_right_logical3A_292 : vector<16xi32>
      %shift_right_logical3A_294 = arith.constant 7 : i32
      %shift_right_logical3A_295 = vector.broadcast %shift_right_logical3A_294 : i32 to vector<16xi32>
      %shift_right_logical3A_296 = arith.shrui %get3A_290, %shift_right_logical3A_295 : vector<16xi32>
      %slice3A_297 = vector.extract_strided_slice %shift_right_logical3A_293 {offsets = [8], sizes = [1], strides = [1]} : vector<16xi32> to vector<1xi32>
      %squeeze3A_298 = vector.extract %slice3A_297[0] : i32 from vector<1xi32>
      %mul3A_299 = arith.constant 128 : i32
      %mul3A_300 = arith.muli %squeeze3A_298, %mul3A_299 : i32
      %multiple_of3A_301 = tpu.assume_multiple %mul3A_300, 128 : i32
      %slice3A_302 = vector.extract_strided_slice %shift_right_logical3A_296 {offsets = [8], sizes = [1], strides = [1]} : vector<16xi32> to vector<1xi32>
      %squeeze3A_303 = vector.extract %slice3A_302[0] : i32 from vector<1xi32>
      %mul3A_304 = arith.constant 128 : i32
      %mul3A_305 = arith.muli %squeeze3A_303, %mul3A_304 : i32
      %multiple_of3A_306 = tpu.assume_multiple %mul3A_305, 128 : i32
      %dma_start3A_307 = arith.constant 0 : i32
      %dma_start3A_308 = arith.constant 0 : i32
      %dma_start3A_309 = tpu.memref_slice %arg11[%dma_start3A_307, %dma_start3A_308] : memref<128x128xf32, #tpu.memory_space<vmem>> -> memref<16x128xf32, #tpu.memory_space<vmem>>
      %dma_start3A_310 = arith.constant 0 : i32
      %dma_start3A_311 = tpu.memref_slice %arg4[%dma_start3A_310, %multiple_of3A_301] : memref<16x1000001xf32, #tpu.memory_space<hbm>> -> memref<16x128xf32, #tpu.memory_space<hbm>>
      %dma_start3A_312 = arith.constant 0 : i32
      %dma_start3A_313 = arith.constant 0 : i32
      %dma_start3A_314 = tpu.memref_slice %arg11[%dma_start3A_312, %dma_start3A_313] : memref<128x128xf32, #tpu.memory_space<vmem>> -> memref<16x128xf32, #tpu.memory_space<vmem>>
      %dma_start3A_315 = arith.constant 0 : i32
      %dma_start3A_316 = tpu.memref_slice %arg4[%dma_start3A_315, %multiple_of3A_301] : memref<16x1000001xf32, #tpu.memory_space<hbm>> -> memref<16x128xf32, #tpu.memory_space<hbm>>
      tpu.enqueue_dma source(%dma_start3A_316 : memref<16x128xf32, #tpu.memory_space<hbm>>) target(%dma_start3A_314 : memref<16x128xf32, #tpu.memory_space<vmem>>) target_semaphore(%arg15 : memref<!tpu.dma_semaphore, #tpu.memory_space<semaphore_mem>>)
      %dma_start3A_317 = arith.constant 0 : i32
      %dma_start3A_318 = arith.constant 0 : i32
      %dma_start3A_319 = tpu.memref_slice %arg12[%dma_start3A_317, %dma_start3A_318] : memref<128x128xf32, #tpu.memory_space<vmem>> -> memref<16x128xf32, #tpu.memory_space<vmem>>
      %dma_start3A_320 = arith.constant 0 : i32
      %dma_start3A_321 = tpu.memref_slice %arg5[%dma_start3A_320, %multiple_of3A_306] : memref<16x1000001xf32, #tpu.memory_space<hbm>> -> memref<16x128xf32, #tpu.memory_space<hbm>>
      %dma_start3A_322 = arith.constant 0 : i32
      %dma_start3A_323 = arith.constant 0 : i32
      %dma_start3A_324 = tpu.memref_slice %arg12[%dma_start3A_322, %dma_start3A_323] : memref<128x128xf32, #tpu.memory_space<vmem>> -> memref<16x128xf32, #tpu.memory_space<vmem>>
      %dma_start3A_325 = arith.constant 0 : i32
      %dma_start3A_326 = tpu.memref_slice %arg5[%dma_start3A_325, %multiple_of3A_306] : memref<16x1000001xf32, #tpu.memory_space<hbm>> -> memref<16x128xf32, #tpu.memory_space<hbm>>
      tpu.enqueue_dma source(%dma_start3A_326 : memref<16x128xf32, #tpu.memory_space<hbm>>) target(%dma_start3A_324 : memref<16x128xf32, #tpu.memory_space<vmem>>) target_semaphore(%arg15 : memref<!tpu.dma_semaphore, #tpu.memory_space<semaphore_mem>>)
      %slice3A_327 = vector.extract_strided_slice %shift_right_logical3A_293 {offsets = [9], sizes = [1], strides = [1]} : vector<16xi32> to vector<1xi32>
      %squeeze3A_328 = vector.extract %slice3A_327[0] : i32 from vector<1xi32>
      %mul3A_329 = arith.constant 128 : i32
      %mul3A_330 = arith.muli %squeeze3A_328, %mul3A_329 : i32
      %multiple_of3A_331 = tpu.assume_multiple %mul3A_330, 128 : i32
      %slice3A_332 = vector.extract_strided_slice %shift_right_logical3A_296 {offsets = [9], sizes = [1], strides = [1]} : vector<16xi32> to vector<1xi32>
      %squeeze3A_333 = vector.extract %slice3A_332[0] : i32 from vector<1xi32>
      %mul3A_334 = arith.constant 128 : i32
      %mul3A_335 = arith.muli %squeeze3A_333, %mul3A_334 : i32
      %multiple_of3A_336 = tpu.assume_multiple %mul3A_335, 128 : i32
      %dma_start3A_337 = arith.constant 16 : i32
      %dma_start3A_338 = arith.constant 0 : i32
      %dma_start3A_339 = tpu.memref_slice %arg11[%dma_start3A_337, %dma_start3A_338] : memref<128x128xf32, #tpu.memory_space<vmem>> -> memref<16x128xf32, #tpu.memory_space<vmem>>
      %dma_start3A_340 = arith.constant 0 : i32
      %dma_start3A_341 = tpu.memref_slice %arg4[%dma_start3A_340, %multiple_of3A_331] : memref<16x1000001xf32, #tpu.memory_space<hbm>> -> memref<16x128xf32, #tpu.memory_space<hbm>>
      %dma_start3A_342 = arith.constant 16 : i32
      %dma_start3A_343 = arith.constant 0 : i32
      %dma_start3A_344 = tpu.memref_slice %arg11[%dma_start3A_342, %dma_start3A_343] : memref<128x128xf32, #tpu.memory_space<vmem>> -> memref<16x128xf32, #tpu.memory_space<vmem>>
      %dma_start3A_345 = arith.constant 0 : i32
      %dma_start3A_346 = tpu.memref_slice %arg4[%dma_start3A_345, %multiple_of3A_331] : memref<16x1000001xf32, #tpu.memory_space<hbm>> -> memref<16x128xf32, #tpu.memory_space<hbm>>
      tpu.enqueue_dma source(%dma_start3A_346 : memref<16x128xf32, #tpu.memory_space<hbm>>) target(%dma_start3A_344 : memref<16x128xf32, #tpu.memory_space<vmem>>) target_semaphore(%arg15 : memref<!tpu.dma_semaphore, #tpu.memory_space<semaphore_mem>>)
      %dma_start3A_347 = arith.constant 16 : i32
      %dma_start3A_348 = arith.constant 0 : i32
      %dma_start3A_349 = tpu.memref_slice %arg12[%dma_start3A_347, %dma_start3A_348] : memref<128x128xf32, #tpu.memory_space<vmem>> -> memref<16x128xf32, #tpu.memory_space<vmem>>
      %dma_start3A_350 = arith.constant 0 : i32
      %dma_start3A_351 = tpu.memref_slice %arg5[%dma_start3A_350, %multiple_of3A_336] : memref<16x1000001xf32, #tpu.memory_space<hbm>> -> memref<16x128xf32, #tpu.memory_space<hbm>>
      %dma_start3A_352 = arith.constant 16 : i32
      %dma_start3A_353 = arith.constant 0 : i32
      %dma_start3A_354 = tpu.memref_slice %arg12[%dma_start3A_352, %dma_start3A_353] : memref<128x128xf32, #tpu.memory_space<vmem>> -> memref<16x128xf32, #tpu.memory_space<vmem>>
      %dma_start3A_355 = arith.constant 0 : i32
      %dma_start3A_356 = tpu.memref_slice %arg5[%dma_start3A_355, %multiple_of3A_336] : memref<16x1000001xf32, #tpu.memory_space<hbm>> -> memref<16x128xf32, #tpu.memory_space<hbm>>
      tpu.enqueue_dma source(%dma_start3A_356 : memref<16x128xf32, #tpu.memory_space<hbm>>) target(%dma_start3A_354 : memref<16x128xf32, #tpu.memory_space<vmem>>) target_semaphore(%arg15 : memref<!tpu.dma_semaphore, #tpu.memory_space<semaphore_mem>>)
      %slice3A_357 = vector.extract_strided_slice %shift_right_logical3A_293 {offsets = [10], sizes = [1], strides = [1]} : vector<16xi32> to vector<1xi32>
      %squeeze3A_358 = vector.extract %slice3A_357[0] : i32 from vector<1xi32>
      %mul3A_359 = arith.constant 128 : i32
      %mul3A_360 = arith.muli %squeeze3A_358, %mul3A_359 : i32
      %multiple_of3A_361 = tpu.assume_multiple %mul3A_360, 128 : i32
      %slice3A_362 = vector.extract_strided_slice %shift_right_logical3A_296 {offsets = [10], sizes = [1], strides = [1]} : vector<16xi32> to vector<1xi32>
      %squeeze3A_363 = vector.extract %slice3A_362[0] : i32 from vector<1xi32>
      %mul3A_364 = arith.constant 128 : i32
      %mul3A_365 = arith.muli %squeeze3A_363, %mul3A_364 : i32
      %multiple_of3A_366 = tpu.assume_multiple %mul3A_365, 128 : i32
      %dma_start3A_367 = arith.constant 32 : i32
      %dma_start3A_368 = arith.constant 0 : i32
      %dma_start3A_369 = tpu.memref_slice %arg11[%dma_start3A_367, %dma_start3A_368] : memref<128x128xf32, #tpu.memory_space<vmem>> -> memref<16x128xf32, #tpu.memory_space<vmem>>
      %dma_start3A_370 = arith.constant 0 : i32
      %dma_start3A_371 = tpu.memref_slice %arg4[%dma_start3A_370, %multiple_of3A_361] : memref<16x1000001xf32, #tpu.memory_space<hbm>> -> memref<16x128xf32, #tpu.memory_space<hbm>>
      %dma_start3A_372 = arith.constant 32 : i32
      %dma_start3A_373 = arith.constant 0 : i32
      %dma_start3A_374 = tpu.memref_slice %arg11[%dma_start3A_372, %dma_start3A_373] : memref<128x128xf32, #tpu.memory_space<vmem>> -> memref<16x128xf32, #tpu.memory_space<vmem>>
      %dma_start3A_375 = arith.constant 0 : i32
      %dma_start3A_376 = tpu.memref_slice %arg4[%dma_start3A_375, %multiple_of3A_361] : memref<16x1000001xf32, #tpu.memory_space<hbm>> -> memref<16x128xf32, #tpu.memory_space<hbm>>
      tpu.enqueue_dma source(%dma_start3A_376 : memref<16x128xf32, #tpu.memory_space<hbm>>) target(%dma_start3A_374 : memref<16x128xf32, #tpu.memory_space<vmem>>) target_semaphore(%arg15 : memref<!tpu.dma_semaphore, #tpu.memory_space<semaphore_mem>>)
      %dma_start3A_377 = arith.constant 32 : i32
      %dma_start3A_378 = arith.constant 0 : i32
      %dma_start3A_379 = tpu.memref_slice %arg12[%dma_start3A_377, %dma_start3A_378] : memref<128x128xf32, #tpu.memory_space<vmem>> -> memref<16x128xf32, #tpu.memory_space<vmem>>
      %dma_start3A_380 = arith.constant 0 : i32
      %dma_start3A_381 = tpu.memref_slice %arg5[%dma_start3A_380, %multiple_of3A_366] : memref<16x1000001xf32, #tpu.memory_space<hbm>> -> memref<16x128xf32, #tpu.memory_space<hbm>>
      %dma_start3A_382 = arith.constant 32 : i32
      %dma_start3A_383 = arith.constant 0 : i32
      %dma_start3A_384 = tpu.memref_slice %arg12[%dma_start3A_382, %dma_start3A_383] : memref<128x128xf32, #tpu.memory_space<vmem>> -> memref<16x128xf32, #tpu.memory_space<vmem>>
      %dma_start3A_385 = arith.constant 0 : i32
      %dma_start3A_386 = tpu.memref_slice %arg5[%dma_start3A_385, %multiple_of3A_366] : memref<16x1000001xf32, #tpu.memory_space<hbm>> -> memref<16x128xf32, #tpu.memory_space<hbm>>
      tpu.enqueue_dma source(%dma_start3A_386 : memref<16x128xf32, #tpu.memory_space<hbm>>) target(%dma_start3A_384 : memref<16x128xf32, #tpu.memory_space<vmem>>) target_semaphore(%arg15 : memref<!tpu.dma_semaphore, #tpu.memory_space<semaphore_mem>>)
      %slice3A_387 = vector.extract_strided_slice %shift_right_logical3A_293 {offsets = [11], sizes = [1], strides = [1]} : vector<16xi32> to vector<1xi32>
      %squeeze3A_388 = vector.extract %slice3A_387[0] : i32 from vector<1xi32>
      %mul3A_389 = arith.constant 128 : i32
      %mul3A_390 = arith.muli %squeeze3A_388, %mul3A_389 : i32
      %multiple_of3A_391 = tpu.assume_multiple %mul3A_390, 128 : i32
      %slice3A_392 = vector.extract_strided_slice %shift_right_logical3A_296 {offsets = [11], sizes = [1], strides = [1]} : vector<16xi32> to vector<1xi32>
      %squeeze3A_393 = vector.extract %slice3A_392[0] : i32 from vector<1xi32>
      %mul3A_394 = arith.constant 128 : i32
      %mul3A_395 = arith.muli %squeeze3A_393, %mul3A_394 : i32
      %multiple_of3A_396 = tpu.assume_multiple %mul3A_395, 128 : i32
      %dma_start3A_397 = arith.constant 48 : i32
      %dma_start3A_398 = arith.constant 0 : i32
      %dma_start3A_399 = tpu.memref_slice %arg11[%dma_start3A_397, %dma_start3A_398] : memref<128x128xf32, #tpu.memory_space<vmem>> -> memref<16x128xf32, #tpu.memory_space<vmem>>
      %dma_start3A_400 = arith.constant 0 : i32
      %dma_start3A_401 = tpu.memref_slice %arg4[%dma_start3A_400, %multiple_of3A_391] : memref<16x1000001xf32, #tpu.memory_space<hbm>> -> memref<16x128xf32, #tpu.memory_space<hbm>>
      %dma_start3A_402 = arith.constant 48 : i32
      %dma_start3A_403 = arith.constant 0 : i32
      %dma_start3A_404 = tpu.memref_slice %arg11[%dma_start3A_402, %dma_start3A_403] : memref<128x128xf32, #tpu.memory_space<vmem>> -> memref<16x128xf32, #tpu.memory_space<vmem>>
      %dma_start3A_405 = arith.constant 0 : i32
      %dma_start3A_406 = tpu.memref_slice %arg4[%dma_start3A_405, %multiple_of3A_391] : memref<16x1000001xf32, #tpu.memory_space<hbm>> -> memref<16x128xf32, #tpu.memory_space<hbm>>
      tpu.enqueue_dma source(%dma_start3A_406 : memref<16x128xf32, #tpu.memory_space<hbm>>) target(%dma_start3A_404 : memref<16x128xf32, #tpu.memory_space<vmem>>) target_semaphore(%arg15 : memref<!tpu.dma_semaphore, #tpu.memory_space<semaphore_mem>>)
      %dma_start3A_407 = arith.constant 48 : i32
      %dma_start3A_408 = arith.constant 0 : i32
      %dma_start3A_409 = tpu.memref_slice %arg12[%dma_start3A_407, %dma_start3A_408] : memref<128x128xf32, #tpu.memory_space<vmem>> -> memref<16x128xf32, #tpu.memory_space<vmem>>
      %dma_start3A_410 = arith.constant 0 : i32
      %dma_start3A_411 = tpu.memref_slice %arg5[%dma_start3A_410, %multiple_of3A_396] : memref<16x1000001xf32, #tpu.memory_space<hbm>> -> memref<16x128xf32, #tpu.memory_space<hbm>>
      %dma_start3A_412 = arith.constant 48 : i32
      %dma_start3A_413 = arith.constant 0 : i32
      %dma_start3A_414 = tpu.memref_slice %arg12[%dma_start3A_412, %dma_start3A_413] : memref<128x128xf32, #tpu.memory_space<vmem>> -> memref<16x128xf32, #tpu.memory_space<vmem>>
      %dma_start3A_415 = arith.constant 0 : i32
      %dma_start3A_416 = tpu.memref_slice %arg5[%dma_start3A_415, %multiple_of3A_396] : memref<16x1000001xf32, #tpu.memory_space<hbm>> -> memref<16x128xf32, #tpu.memory_space<hbm>>
      tpu.enqueue_dma source(%dma_start3A_416 : memref<16x128xf32, #tpu.memory_space<hbm>>) target(%dma_start3A_414 : memref<16x128xf32, #tpu.memory_space<vmem>>) target_semaphore(%arg15 : memref<!tpu.dma_semaphore, #tpu.memory_space<semaphore_mem>>)
      %slice3A_417 = vector.extract_strided_slice %shift_right_logical3A_293 {offsets = [12], sizes = [1], strides = [1]} : vector<16xi32> to vector<1xi32>
      %squeeze3A_418 = vector.extract %slice3A_417[0] : i32 from vector<1xi32>
      %mul3A_419 = arith.constant 128 : i32
      %mul3A_420 = arith.muli %squeeze3A_418, %mul3A_419 : i32
      %multiple_of3A_421 = tpu.assume_multiple %mul3A_420, 128 : i32
      %slice3A_422 = vector.extract_strided_slice %shift_right_logical3A_296 {offsets = [12], sizes = [1], strides = [1]} : vector<16xi32> to vector<1xi32>
      %squeeze3A_423 = vector.extract %slice3A_422[0] : i32 from vector<1xi32>
      %mul3A_424 = arith.constant 128 : i32
      %mul3A_425 = arith.muli %squeeze3A_423, %mul3A_424 : i32
      %multiple_of3A_426 = tpu.assume_multiple %mul3A_425, 128 : i32
      %dma_start3A_427 = arith.constant 64 : i32
      %dma_start3A_428 = arith.constant 0 : i32
      %dma_start3A_429 = tpu.memref_slice %arg11[%dma_start3A_427, %dma_start3A_428] : memref<128x128xf32, #tpu.memory_space<vmem>> -> memref<16x128xf32, #tpu.memory_space<vmem>>
      %dma_start3A_430 = arith.constant 0 : i32
      %dma_start3A_431 = tpu.memref_slice %arg4[%dma_start3A_430, %multiple_of3A_421] : memref<16x1000001xf32, #tpu.memory_space<hbm>> -> memref<16x128xf32, #tpu.memory_space<hbm>>
      %dma_start3A_432 = arith.constant 64 : i32
      %dma_start3A_433 = arith.constant 0 : i32
      %dma_start3A_434 = tpu.memref_slice %arg11[%dma_start3A_432, %dma_start3A_433] : memref<128x128xf32, #tpu.memory_space<vmem>> -> memref<16x128xf32, #tpu.memory_space<vmem>>
      %dma_start3A_435 = arith.constant 0 : i32
      %dma_start3A_436 = tpu.memref_slice %arg4[%dma_start3A_435, %multiple_of3A_421] : memref<16x1000001xf32, #tpu.memory_space<hbm>> -> memref<16x128xf32, #tpu.memory_space<hbm>>
      tpu.enqueue_dma source(%dma_start3A_436 : memref<16x128xf32, #tpu.memory_space<hbm>>) target(%dma_start3A_434 : memref<16x128xf32, #tpu.memory_space<vmem>>) target_semaphore(%arg15 : memref<!tpu.dma_semaphore, #tpu.memory_space<semaphore_mem>>)
      %dma_start3A_437 = arith.constant 64 : i32
      %dma_start3A_438 = arith.constant 0 : i32
      %dma_start3A_439 = tpu.memref_slice %arg12[%dma_start3A_437, %dma_start3A_438] : memref<128x128xf32, #tpu.memory_space<vmem>> -> memref<16x128xf32, #tpu.memory_space<vmem>>
      %dma_start3A_440 = arith.constant 0 : i32
      %dma_start3A_441 = tpu.memref_slice %arg5[%dma_start3A_440, %multiple_of3A_426] : memref<16x1000001xf32, #tpu.memory_space<hbm>> -> memref<16x128xf32, #tpu.memory_space<hbm>>
      %dma_start3A_442 = arith.constant 64 : i32
      %dma_start3A_443 = arith.constant 0 : i32
      %dma_start3A_444 = tpu.memref_slice %arg12[%dma_start3A_442, %dma_start3A_443] : memref<128x128xf32, #tpu.memory_space<vmem>> -> memref<16x128xf32, #tpu.memory_space<vmem>>
      %dma_start3A_445 = arith.constant 0 : i32
      %dma_start3A_446 = tpu.memref_slice %arg5[%dma_start3A_445, %multiple_of3A_426] : memref<16x1000001xf32, #tpu.memory_space<hbm>> -> memref<16x128xf32, #tpu.memory_space<hbm>>
      tpu.enqueue_dma source(%dma_start3A_446 : memref<16x128xf32, #tpu.memory_space<hbm>>) target(%dma_start3A_444 : memref<16x128xf32, #tpu.memory_space<vmem>>) target_semaphore(%arg15 : memref<!tpu.dma_semaphore, #tpu.memory_space<semaphore_mem>>)
      %slice3A_447 = vector.extract_strided_slice %shift_right_logical3A_293 {offsets = [13], sizes = [1], strides = [1]} : vector<16xi32> to vector<1xi32>
      %squeeze3A_448 = vector.extract %slice3A_447[0] : i32 from vector<1xi32>
      %mul3A_449 = arith.constant 128 : i32
      %mul3A_450 = arith.muli %squeeze3A_448, %mul3A_449 : i32
      %multiple_of3A_451 = tpu.assume_multiple %mul3A_450, 128 : i32
      %slice3A_452 = vector.extract_strided_slice %shift_right_logical3A_296 {offsets = [13], sizes = [1], strides = [1]} : vector<16xi32> to vector<1xi32>
      %squeeze3A_453 = vector.extract %slice3A_452[0] : i32 from vector<1xi32>
      %mul3A_454 = arith.constant 128 : i32
      %mul3A_455 = arith.muli %squeeze3A_453, %mul3A_454 : i32
      %multiple_of3A_456 = tpu.assume_multiple %mul3A_455, 128 : i32
      %dma_start3A_457 = arith.constant 80 : i32
      %dma_start3A_458 = arith.constant 0 : i32
      %dma_start3A_459 = tpu.memref_slice %arg11[%dma_start3A_457, %dma_start3A_458] : memref<128x128xf32, #tpu.memory_space<vmem>> -> memref<16x128xf32, #tpu.memory_space<vmem>>
      %dma_start3A_460 = arith.constant 0 : i32
      %dma_start3A_461 = tpu.memref_slice %arg4[%dma_start3A_460, %multiple_of3A_451] : memref<16x1000001xf32, #tpu.memory_space<hbm>> -> memref<16x128xf32, #tpu.memory_space<hbm>>
      %dma_start3A_462 = arith.constant 80 : i32
      %dma_start3A_463 = arith.constant 0 : i32
      %dma_start3A_464 = tpu.memref_slice %arg11[%dma_start3A_462, %dma_start3A_463] : memref<128x128xf32, #tpu.memory_space<vmem>> -> memref<16x128xf32, #tpu.memory_space<vmem>>
      %dma_start3A_465 = arith.constant 0 : i32
      %dma_start3A_466 = tpu.memref_slice %arg4[%dma_start3A_465, %multiple_of3A_451] : memref<16x1000001xf32, #tpu.memory_space<hbm>> -> memref<16x128xf32, #tpu.memory_space<hbm>>
      tpu.enqueue_dma source(%dma_start3A_466 : memref<16x128xf32, #tpu.memory_space<hbm>>) target(%dma_start3A_464 : memref<16x128xf32, #tpu.memory_space<vmem>>) target_semaphore(%arg15 : memref<!tpu.dma_semaphore, #tpu.memory_space<semaphore_mem>>)
      %dma_start3A_467 = arith.constant 80 : i32
      %dma_start3A_468 = arith.constant 0 : i32
      %dma_start3A_469 = tpu.memref_slice %arg12[%dma_start3A_467, %dma_start3A_468] : memref<128x128xf32, #tpu.memory_space<vmem>> -> memref<16x128xf32, #tpu.memory_space<vmem>>
      %dma_start3A_470 = arith.constant 0 : i32
      %dma_start3A_471 = tpu.memref_slice %arg5[%dma_start3A_470, %multiple_of3A_456] : memref<16x1000001xf32, #tpu.memory_space<hbm>> -> memref<16x128xf32, #tpu.memory_space<hbm>>
      %dma_start3A_472 = arith.constant 80 : i32
      %dma_start3A_473 = arith.constant 0 : i32
      %dma_start3A_474 = tpu.memref_slice %arg12[%dma_start3A_472, %dma_start3A_473] : memref<128x128xf32, #tpu.memory_space<vmem>> -> memref<16x128xf32, #tpu.memory_space<vmem>>
      %dma_start3A_475 = arith.constant 0 : i32
      %dma_start3A_476 = tpu.memref_slice %arg5[%dma_start3A_475, %multiple_of3A_456] : memref<16x1000001xf32, #tpu.memory_space<hbm>> -> memref<16x128xf32, #tpu.memory_space<hbm>>
      tpu.enqueue_dma source(%dma_start3A_476 : memref<16x128xf32, #tpu.memory_space<hbm>>) target(%dma_start3A_474 : memref<16x128xf32, #tpu.memory_space<vmem>>) target_semaphore(%arg15 : memref<!tpu.dma_semaphore, #tpu.memory_space<semaphore_mem>>)
      %slice3A_477 = vector.extract_strided_slice %shift_right_logical3A_293 {offsets = [14], sizes = [1], strides = [1]} : vector<16xi32> to vector<1xi32>
      %squeeze3A_478 = vector.extract %slice3A_477[0] : i32 from vector<1xi32>
      %mul3A_479 = arith.constant 128 : i32
      %mul3A_480 = arith.muli %squeeze3A_478, %mul3A_479 : i32
      %multiple_of3A_481 = tpu.assume_multiple %mul3A_480, 128 : i32
      %slice3A_482 = vector.extract_strided_slice %shift_right_logical3A_296 {offsets = [14], sizes = [1], strides = [1]} : vector<16xi32> to vector<1xi32>
      %squeeze3A_483 = vector.extract %slice3A_482[0] : i32 from vector<1xi32>
      %mul3A_484 = arith.constant 128 : i32
      %mul3A_485 = arith.muli %squeeze3A_483, %mul3A_484 : i32
      %multiple_of3A_486 = tpu.assume_multiple %mul3A_485, 128 : i32
      %dma_start3A_487 = arith.constant 96 : i32
      %dma_start3A_488 = arith.constant 0 : i32
      %dma_start3A_489 = tpu.memref_slice %arg11[%dma_start3A_487, %dma_start3A_488] : memref<128x128xf32, #tpu.memory_space<vmem>> -> memref<16x128xf32, #tpu.memory_space<vmem>>
      %dma_start3A_490 = arith.constant 0 : i32
      %dma_start3A_491 = tpu.memref_slice %arg4[%dma_start3A_490, %multiple_of3A_481] : memref<16x1000001xf32, #tpu.memory_space<hbm>> -> memref<16x128xf32, #tpu.memory_space<hbm>>
      %dma_start3A_492 = arith.constant 96 : i32
      %dma_start3A_493 = arith.constant 0 : i32
      %dma_start3A_494 = tpu.memref_slice %arg11[%dma_start3A_492, %dma_start3A_493] : memref<128x128xf32, #tpu.memory_space<vmem>> -> memref<16x128xf32, #tpu.memory_space<vmem>>
      %dma_start3A_495 = arith.constant 0 : i32
      %dma_start3A_496 = tpu.memref_slice %arg4[%dma_start3A_495, %multiple_of3A_481] : memref<16x1000001xf32, #tpu.memory_space<hbm>> -> memref<16x128xf32, #tpu.memory_space<hbm>>
      tpu.enqueue_dma source(%dma_start3A_496 : memref<16x128xf32, #tpu.memory_space<hbm>>) target(%dma_start3A_494 : memref<16x128xf32, #tpu.memory_space<vmem>>) target_semaphore(%arg15 : memref<!tpu.dma_semaphore, #tpu.memory_space<semaphore_mem>>)
      %dma_start3A_497 = arith.constant 96 : i32
      %dma_start3A_498 = arith.constant 0 : i32
      %dma_start3A_499 = tpu.memref_slice %arg12[%dma_start3A_497, %dma_start3A_498] : memref<128x128xf32, #tpu.memory_space<vmem>> -> memref<16x128xf32, #tpu.memory_space<vmem>>
      %dma_start3A_500 = arith.constant 0 : i32
      %dma_start3A_501 = tpu.memref_slice %arg5[%dma_start3A_500, %multiple_of3A_486] : memref<16x1000001xf32, #tpu.memory_space<hbm>> -> memref<16x128xf32, #tpu.memory_space<hbm>>
      %dma_start3A_502 = arith.constant 96 : i32
      %dma_start3A_503 = arith.constant 0 : i32
      %dma_start3A_504 = tpu.memref_slice %arg12[%dma_start3A_502, %dma_start3A_503] : memref<128x128xf32, #tpu.memory_space<vmem>> -> memref<16x128xf32, #tpu.memory_space<vmem>>
      %dma_start3A_505 = arith.constant 0 : i32
      %dma_start3A_506 = tpu.memref_slice %arg5[%dma_start3A_505, %multiple_of3A_486] : memref<16x1000001xf32, #tpu.memory_space<hbm>> -> memref<16x128xf32, #tpu.memory_space<hbm>>
      tpu.enqueue_dma source(%dma_start3A_506 : memref<16x128xf32, #tpu.memory_space<hbm>>) target(%dma_start3A_504 : memref<16x128xf32, #tpu.memory_space<vmem>>) target_semaphore(%arg15 : memref<!tpu.dma_semaphore, #tpu.memory_space<semaphore_mem>>)
      %slice3A_507 = vector.extract_strided_slice %shift_right_logical3A_293 {offsets = [15], sizes = [1], strides = [1]} : vector<16xi32> to vector<1xi32>
      %squeeze3A_508 = vector.extract %slice3A_507[0] : i32 from vector<1xi32>
      %mul3A_509 = arith.constant 128 : i32
      %mul3A_510 = arith.muli %squeeze3A_508, %mul3A_509 : i32
      %multiple_of3A_511 = tpu.assume_multiple %mul3A_510, 128 : i32
      %slice3A_512 = vector.extract_strided_slice %shift_right_logical3A_296 {offsets = [15], sizes = [1], strides = [1]} : vector<16xi32> to vector<1xi32>
      %squeeze3A_513 = vector.extract %slice3A_512[0] : i32 from vector<1xi32>
      %mul3A_514 = arith.constant 128 : i32
      %mul3A_515 = arith.muli %squeeze3A_513, %mul3A_514 : i32
      %multiple_of3A_516 = tpu.assume_multiple %mul3A_515, 128 : i32
      %dma_start3A_517 = arith.constant 112 : i32
      %dma_start3A_518 = arith.constant 0 : i32
      %dma_start3A_519 = tpu.memref_slice %arg11[%dma_start3A_517, %dma_start3A_518] : memref<128x128xf32, #tpu.memory_space<vmem>> -> memref<16x128xf32, #tpu.memory_space<vmem>>
      %dma_start3A_520 = arith.constant 0 : i32
      %dma_start3A_521 = tpu.memref_slice %arg4[%dma_start3A_520, %multiple_of3A_511] : memref<16x1000001xf32, #tpu.memory_space<hbm>> -> memref<16x128xf32, #tpu.memory_space<hbm>>
      %dma_start3A_522 = arith.constant 112 : i32
      %dma_start3A_523 = arith.constant 0 : i32
      %dma_start3A_524 = tpu.memref_slice %arg11[%dma_start3A_522, %dma_start3A_523] : memref<128x128xf32, #tpu.memory_space<vmem>> -> memref<16x128xf32, #tpu.memory_space<vmem>>
      %dma_start3A_525 = arith.constant 0 : i32
      %dma_start3A_526 = tpu.memref_slice %arg4[%dma_start3A_525, %multiple_of3A_511] : memref<16x1000001xf32, #tpu.memory_space<hbm>> -> memref<16x128xf32, #tpu.memory_space<hbm>>
      tpu.enqueue_dma source(%dma_start3A_526 : memref<16x128xf32, #tpu.memory_space<hbm>>) target(%dma_start3A_524 : memref<16x128xf32, #tpu.memory_space<vmem>>) target_semaphore(%arg15 : memref<!tpu.dma_semaphore, #tpu.memory_space<semaphore_mem>>)
      %dma_start3A_527 = arith.constant 112 : i32
      %dma_start3A_528 = arith.constant 0 : i32
      %dma_start3A_529 = tpu.memref_slice %arg12[%dma_start3A_527, %dma_start3A_528] : memref<128x128xf32, #tpu.memory_space<vmem>> -> memref<16x128xf32, #tpu.memory_space<vmem>>
      %dma_start3A_530 = arith.constant 0 : i32
      %dma_start3A_531 = tpu.memref_slice %arg5[%dma_start3A_530, %multiple_of3A_516] : memref<16x1000001xf32, #tpu.memory_space<hbm>> -> memref<16x128xf32, #tpu.memory_space<hbm>>
      %dma_start3A_532 = arith.constant 112 : i32
      %dma_start3A_533 = arith.constant 0 : i32
      %dma_start3A_534 = tpu.memref_slice %arg12[%dma_start3A_532, %dma_start3A_533] : memref<128x128xf32, #tpu.memory_space<vmem>> -> memref<16x128xf32, #tpu.memory_space<vmem>>
      %dma_start3A_535 = arith.constant 0 : i32
      %dma_start3A_536 = tpu.memref_slice %arg5[%dma_start3A_535, %multiple_of3A_516] : memref<16x1000001xf32, #tpu.memory_space<hbm>> -> memref<16x128xf32, #tpu.memory_space<hbm>>
      tpu.enqueue_dma source(%dma_start3A_536 : memref<16x128xf32, #tpu.memory_space<hbm>>) target(%dma_start3A_534 : memref<16x128xf32, #tpu.memory_space<vmem>>) target_semaphore(%arg15 : memref<!tpu.dma_semaphore, #tpu.memory_space<semaphore_mem>>)
      %dma_wait3A = arith.constant 0 : i32
      %dma_wait3A_537 = arith.constant 0 : i32
      %dma_wait3A_538 = tpu.memref_slice %arg9[%dma_wait3A, %dma_wait3A_537] : memref<128x128xf32, #tpu.memory_space<vmem>> -> memref<16x128xf32, #tpu.memory_space<vmem>>
      %dma_wait3A_539 = arith.constant 0 : i32
      %dma_wait3A_540 = arith.constant 0 : i32
      %dma_wait3A_541 = tpu.memref_slice %arg4[%dma_wait3A_539, %dma_wait3A_540] : memref<16x1000001xf32, #tpu.memory_space<hbm>> -> memref<16x128xf32, #tpu.memory_space<hbm>>
      %dma_wait3A_542 = arith.constant 0 : i32
      %dma_wait3A_543 = arith.constant 0 : i32
      %dma_wait3A_544 = tpu.memref_slice %arg9[%dma_wait3A_542, %dma_wait3A_543] : memref<128x128xf32, #tpu.memory_space<vmem>> -> memref<16x128xf32, #tpu.memory_space<vmem>>
      %dma_wait3A_545 = arith.constant 0 : i32
      %dma_wait3A_546 = arith.constant 0 : i32
      %dma_wait3A_547 = tpu.memref_slice %arg4[%dma_wait3A_545, %dma_wait3A_546] : memref<16x1000001xf32, #tpu.memory_space<hbm>> -> memref<16x128xf32, #tpu.memory_space<hbm>>
      tpu.wait_dma2 semaphore(%arg14 : memref<!tpu.dma_semaphore, #tpu.memory_space<semaphore_mem>>) src(%dma_wait3A_547 : memref<16x128xf32, #tpu.memory_space<hbm>>) dst(%dma_wait3A_544 : memref<16x128xf32, #tpu.memory_space<vmem>>)
      %dma_wait3A_548 = arith.constant 0 : i32
      %dma_wait3A_549 = arith.constant 0 : i32
      %dma_wait3A_550 = tpu.memref_slice %arg10[%dma_wait3A_548, %dma_wait3A_549] : memref<128x128xf32, #tpu.memory_space<vmem>> -> memref<16x128xf32, #tpu.memory_space<vmem>>
      %dma_wait3A_551 = arith.constant 0 : i32
      %dma_wait3A_552 = arith.constant 0 : i32
      %dma_wait3A_553 = tpu.memref_slice %arg5[%dma_wait3A_551, %dma_wait3A_552] : memref<16x1000001xf32, #tpu.memory_space<hbm>> -> memref<16x128xf32, #tpu.memory_space<hbm>>
      %dma_wait3A_554 = arith.constant 0 : i32
      %dma_wait3A_555 = arith.constant 0 : i32
      %dma_wait3A_556 = tpu.memref_slice %arg10[%dma_wait3A_554, %dma_wait3A_555] : memref<128x128xf32, #tpu.memory_space<vmem>> -> memref<16x128xf32, #tpu.memory_space<vmem>>
      %dma_wait3A_557 = arith.constant 0 : i32
      %dma_wait3A_558 = arith.constant 0 : i32
      %dma_wait3A_559 = tpu.memref_slice %arg5[%dma_wait3A_557, %dma_wait3A_558] : memref<16x1000001xf32, #tpu.memory_space<hbm>> -> memref<16x128xf32, #tpu.memory_space<hbm>>
      tpu.wait_dma2 semaphore(%arg14 : memref<!tpu.dma_semaphore, #tpu.memory_space<semaphore_mem>>) src(%dma_wait3A_559 : memref<16x128xf32, #tpu.memory_space<hbm>>) dst(%dma_wait3A_556 : memref<16x128xf32, #tpu.memory_space<vmem>>)
      %dma_wait3A_560 = arith.constant 16 : i32
      %dma_wait3A_561 = arith.constant 0 : i32
      %dma_wait3A_562 = tpu.memref_slice %arg9[%dma_wait3A_560, %dma_wait3A_561] : memref<128x128xf32, #tpu.memory_space<vmem>> -> memref<16x128xf32, #tpu.memory_space<vmem>>
      %dma_wait3A_563 = arith.constant 0 : i32
      %dma_wait3A_564 = arith.constant 0 : i32
      %dma_wait3A_565 = tpu.memref_slice %arg4[%dma_wait3A_563, %dma_wait3A_564] : memref<16x1000001xf32, #tpu.memory_space<hbm>> -> memref<16x128xf32, #tpu.memory_space<hbm>>
      %dma_wait3A_566 = arith.constant 16 : i32
      %dma_wait3A_567 = arith.constant 0 : i32
      %dma_wait3A_568 = tpu.memref_slice %arg9[%dma_wait3A_566, %dma_wait3A_567] : memref<128x128xf32, #tpu.memory_space<vmem>> -> memref<16x128xf32, #tpu.memory_space<vmem>>
      %dma_wait3A_569 = arith.constant 0 : i32
      %dma_wait3A_570 = arith.constant 0 : i32
      %dma_wait3A_571 = tpu.memref_slice %arg4[%dma_wait3A_569, %dma_wait3A_570] : memref<16x1000001xf32, #tpu.memory_space<hbm>> -> memref<16x128xf32, #tpu.memory_space<hbm>>
      tpu.wait_dma2 semaphore(%arg14 : memref<!tpu.dma_semaphore, #tpu.memory_space<semaphore_mem>>) src(%dma_wait3A_571 : memref<16x128xf32, #tpu.memory_space<hbm>>) dst(%dma_wait3A_568 : memref<16x128xf32, #tpu.memory_space<vmem>>)
      %dma_wait3A_572 = arith.constant 16 : i32
      %dma_wait3A_573 = arith.constant 0 : i32
      %dma_wait3A_574 = tpu.memref_slice %arg10[%dma_wait3A_572, %dma_wait3A_573] : memref<128x128xf32, #tpu.memory_space<vmem>> -> memref<16x128xf32, #tpu.memory_space<vmem>>
      %dma_wait3A_575 = arith.constant 0 : i32
      %dma_wait3A_576 = arith.constant 0 : i32
      %dma_wait3A_577 = tpu.memref_slice %arg5[%dma_wait3A_575, %dma_wait3A_576] : memref<16x1000001xf32, #tpu.memory_space<hbm>> -> memref<16x128xf32, #tpu.memory_space<hbm>>
      %dma_wait3A_578 = arith.constant 16 : i32
      %dma_wait3A_579 = arith.constant 0 : i32
      %dma_wait3A_580 = tpu.memref_slice %arg10[%dma_wait3A_578, %dma_wait3A_579] : memref<128x128xf32, #tpu.memory_space<vmem>> -> memref<16x128xf32, #tpu.memory_space<vmem>>
      %dma_wait3A_581 = arith.constant 0 : i32
      %dma_wait3A_582 = arith.constant 0 : i32
      %dma_wait3A_583 = tpu.memref_slice %arg5[%dma_wait3A_581, %dma_wait3A_582] : memref<16x1000001xf32, #tpu.memory_space<hbm>> -> memref<16x128xf32, #tpu.memory_space<hbm>>
      tpu.wait_dma2 semaphore(%arg14 : memref<!tpu.dma_semaphore, #tpu.memory_space<semaphore_mem>>) src(%dma_wait3A_583 : memref<16x128xf32, #tpu.memory_space<hbm>>) dst(%dma_wait3A_580 : memref<16x128xf32, #tpu.memory_space<vmem>>)
      %dma_wait3A_584 = arith.constant 32 : i32
      %dma_wait3A_585 = arith.constant 0 : i32
      %dma_wait3A_586 = tpu.memref_slice %arg9[%dma_wait3A_584, %dma_wait3A_585] : memref<128x128xf32, #tpu.memory_space<vmem>> -> memref<16x128xf32, #tpu.memory_space<vmem>>
      %dma_wait3A_587 = arith.constant 0 : i32
      %dma_wait3A_588 = arith.constant 0 : i32
      %dma_wait3A_589 = tpu.memref_slice %arg4[%dma_wait3A_587, %dma_wait3A_588] : memref<16x1000001xf32, #tpu.memory_space<hbm>> -> memref<16x128xf32, #tpu.memory_space<hbm>>
      %dma_wait3A_590 = arith.constant 32 : i32
      %dma_wait3A_591 = arith.constant 0 : i32
      %dma_wait3A_592 = tpu.memref_slice %arg9[%dma_wait3A_590, %dma_wait3A_591] : memref<128x128xf32, #tpu.memory_space<vmem>> -> memref<16x128xf32, #tpu.memory_space<vmem>>
      %dma_wait3A_593 = arith.constant 0 : i32
      %dma_wait3A_594 = arith.constant 0 : i32
      %dma_wait3A_595 = tpu.memref_slice %arg4[%dma_wait3A_593, %dma_wait3A_594] : memref<16x1000001xf32, #tpu.memory_space<hbm>> -> memref<16x128xf32, #tpu.memory_space<hbm>>
      tpu.wait_dma2 semaphore(%arg14 : memref<!tpu.dma_semaphore, #tpu.memory_space<semaphore_mem>>) src(%dma_wait3A_595 : memref<16x128xf32, #tpu.memory_space<hbm>>) dst(%dma_wait3A_592 : memref<16x128xf32, #tpu.memory_space<vmem>>)
      %dma_wait3A_596 = arith.constant 32 : i32
      %dma_wait3A_597 = arith.constant 0 : i32
      %dma_wait3A_598 = tpu.memref_slice %arg10[%dma_wait3A_596, %dma_wait3A_597] : memref<128x128xf32, #tpu.memory_space<vmem>> -> memref<16x128xf32, #tpu.memory_space<vmem>>
      %dma_wait3A_599 = arith.constant 0 : i32
      %dma_wait3A_600 = arith.constant 0 : i32
      %dma_wait3A_601 = tpu.memref_slice %arg5[%dma_wait3A_599, %dma_wait3A_600] : memref<16x1000001xf32, #tpu.memory_space<hbm>> -> memref<16x128xf32, #tpu.memory_space<hbm>>
      %dma_wait3A_602 = arith.constant 32 : i32
      %dma_wait3A_603 = arith.constant 0 : i32
      %dma_wait3A_604 = tpu.memref_slice %arg10[%dma_wait3A_602, %dma_wait3A_603] : memref<128x128xf32, #tpu.memory_space<vmem>> -> memref<16x128xf32, #tpu.memory_space<vmem>>
      %dma_wait3A_605 = arith.constant 0 : i32
      %dma_wait3A_606 = arith.constant 0 : i32
      %dma_wait3A_607 = tpu.memref_slice %arg5[%dma_wait3A_605, %dma_wait3A_606] : memref<16x1000001xf32, #tpu.memory_space<hbm>> -> memref<16x128xf32, #tpu.memory_space<hbm>>
      tpu.wait_dma2 semaphore(%arg14 : memref<!tpu.dma_semaphore, #tpu.memory_space<semaphore_mem>>) src(%dma_wait3A_607 : memref<16x128xf32, #tpu.memory_space<hbm>>) dst(%dma_wait3A_604 : memref<16x128xf32, #tpu.memory_space<vmem>>)
      %dma_wait3A_608 = arith.constant 48 : i32
      %dma_wait3A_609 = arith.constant 0 : i32
      %dma_wait3A_610 = tpu.memref_slice %arg9[%dma_wait3A_608, %dma_wait3A_609] : memref<128x128xf32, #tpu.memory_space<vmem>> -> memref<16x128xf32, #tpu.memory_space<vmem>>
      %dma_wait3A_611 = arith.constant 0 : i32
      %dma_wait3A_612 = arith.constant 0 : i32
      %dma_wait3A_613 = tpu.memref_slice %arg4[%dma_wait3A_611, %dma_wait3A_612] : memref<16x1000001xf32, #tpu.memory_space<hbm>> -> memref<16x128xf32, #tpu.memory_space<hbm>>
      %dma_wait3A_614 = arith.constant 48 : i32
      %dma_wait3A_615 = arith.constant 0 : i32
      %dma_wait3A_616 = tpu.memref_slice %arg9[%dma_wait3A_614, %dma_wait3A_615] : memref<128x128xf32, #tpu.memory_space<vmem>> -> memref<16x128xf32, #tpu.memory_space<vmem>>
      %dma_wait3A_617 = arith.constant 0 : i32
      %dma_wait3A_618 = arith.constant 0 : i32
      %dma_wait3A_619 = tpu.memref_slice %arg4[%dma_wait3A_617, %dma_wait3A_618] : memref<16x1000001xf32, #tpu.memory_space<hbm>> -> memref<16x128xf32, #tpu.memory_space<hbm>>
      tpu.wait_dma2 semaphore(%arg14 : memref<!tpu.dma_semaphore, #tpu.memory_space<semaphore_mem>>) src(%dma_wait3A_619 : memref<16x128xf32, #tpu.memory_space<hbm>>) dst(%dma_wait3A_616 : memref<16x128xf32, #tpu.memory_space<vmem>>)
      %dma_wait3A_620 = arith.constant 48 : i32
      %dma_wait3A_621 = arith.constant 0 : i32
      %dma_wait3A_622 = tpu.memref_slice %arg10[%dma_wait3A_620, %dma_wait3A_621] : memref<128x128xf32, #tpu.memory_space<vmem>> -> memref<16x128xf32, #tpu.memory_space<vmem>>
      %dma_wait3A_623 = arith.constant 0 : i32
      %dma_wait3A_624 = arith.constant 0 : i32
      %dma_wait3A_625 = tpu.memref_slice %arg5[%dma_wait3A_623, %dma_wait3A_624] : memref<16x1000001xf32, #tpu.memory_space<hbm>> -> memref<16x128xf32, #tpu.memory_space<hbm>>
      %dma_wait3A_626 = arith.constant 48 : i32
      %dma_wait3A_627 = arith.constant 0 : i32
      %dma_wait3A_628 = tpu.memref_slice %arg10[%dma_wait3A_626, %dma_wait3A_627] : memref<128x128xf32, #tpu.memory_space<vmem>> -> memref<16x128xf32, #tpu.memory_space<vmem>>
      %dma_wait3A_629 = arith.constant 0 : i32
      %dma_wait3A_630 = arith.constant 0 : i32
      %dma_wait3A_631 = tpu.memref_slice %arg5[%dma_wait3A_629, %dma_wait3A_630] : memref<16x1000001xf32, #tpu.memory_space<hbm>> -> memref<16x128xf32, #tpu.memory_space<hbm>>
      tpu.wait_dma2 semaphore(%arg14 : memref<!tpu.dma_semaphore, #tpu.memory_space<semaphore_mem>>) src(%dma_wait3A_631 : memref<16x128xf32, #tpu.memory_space<hbm>>) dst(%dma_wait3A_628 : memref<16x128xf32, #tpu.memory_space<vmem>>)
      %dma_wait3A_632 = arith.constant 64 : i32
      %dma_wait3A_633 = arith.constant 0 : i32
      %dma_wait3A_634 = tpu.memref_slice %arg9[%dma_wait3A_632, %dma_wait3A_633] : memref<128x128xf32, #tpu.memory_space<vmem>> -> memref<16x128xf32, #tpu.memory_space<vmem>>
      %dma_wait3A_635 = arith.constant 0 : i32
      %dma_wait3A_636 = arith.constant 0 : i32
      %dma_wait3A_637 = tpu.memref_slice %arg4[%dma_wait3A_635, %dma_wait3A_636] : memref<16x1000001xf32, #tpu.memory_space<hbm>> -> memref<16x128xf32, #tpu.memory_space<hbm>>
      %dma_wait3A_638 = arith.constant 64 : i32
      %dma_wait3A_639 = arith.constant 0 : i32
      %dma_wait3A_640 = tpu.memref_slice %arg9[%dma_wait3A_638, %dma_wait3A_639] : memref<128x128xf32, #tpu.memory_space<vmem>> -> memref<16x128xf32, #tpu.memory_space<vmem>>
      %dma_wait3A_641 = arith.constant 0 : i32
      %dma_wait3A_642 = arith.constant 0 : i32
      %dma_wait3A_643 = tpu.memref_slice %arg4[%dma_wait3A_641, %dma_wait3A_642] : memref<16x1000001xf32, #tpu.memory_space<hbm>> -> memref<16x128xf32, #tpu.memory_space<hbm>>
      tpu.wait_dma2 semaphore(%arg14 : memref<!tpu.dma_semaphore, #tpu.memory_space<semaphore_mem>>) src(%dma_wait3A_643 : memref<16x128xf32, #tpu.memory_space<hbm>>) dst(%dma_wait3A_640 : memref<16x128xf32, #tpu.memory_space<vmem>>)
      %dma_wait3A_644 = arith.constant 64 : i32
      %dma_wait3A_645 = arith.constant 0 : i32
      %dma_wait3A_646 = tpu.memref_slice %arg10[%dma_wait3A_644, %dma_wait3A_645] : memref<128x128xf32, #tpu.memory_space<vmem>> -> memref<16x128xf32, #tpu.memory_space<vmem>>
      %dma_wait3A_647 = arith.constant 0 : i32
      %dma_wait3A_648 = arith.constant 0 : i32
      %dma_wait3A_649 = tpu.memref_slice %arg5[%dma_wait3A_647, %dma_wait3A_648] : memref<16x1000001xf32, #tpu.memory_space<hbm>> -> memref<16x128xf32, #tpu.memory_space<hbm>>
      %dma_wait3A_650 = arith.constant 64 : i32
      %dma_wait3A_651 = arith.constant 0 : i32
      %dma_wait3A_652 = tpu.memref_slice %arg10[%dma_wait3A_650, %dma_wait3A_651] : memref<128x128xf32, #tpu.memory_space<vmem>> -> memref<16x128xf32, #tpu.memory_space<vmem>>
      %dma_wait3A_653 = arith.constant 0 : i32
      %dma_wait3A_654 = arith.constant 0 : i32
      %dma_wait3A_655 = tpu.memref_slice %arg5[%dma_wait3A_653, %dma_wait3A_654] : memref<16x1000001xf32, #tpu.memory_space<hbm>> -> memref<16x128xf32, #tpu.memory_space<hbm>>
      tpu.wait_dma2 semaphore(%arg14 : memref<!tpu.dma_semaphore, #tpu.memory_space<semaphore_mem>>) src(%dma_wait3A_655 : memref<16x128xf32, #tpu.memory_space<hbm>>) dst(%dma_wait3A_652 : memref<16x128xf32, #tpu.memory_space<vmem>>)
      %dma_wait3A_656 = arith.constant 80 : i32
      %dma_wait3A_657 = arith.constant 0 : i32
      %dma_wait3A_658 = tpu.memref_slice %arg9[%dma_wait3A_656, %dma_wait3A_657] : memref<128x128xf32, #tpu.memory_space<vmem>> -> memref<16x128xf32, #tpu.memory_space<vmem>>
      %dma_wait3A_659 = arith.constant 0 : i32
      %dma_wait3A_660 = arith.constant 0 : i32
      %dma_wait3A_661 = tpu.memref_slice %arg4[%dma_wait3A_659, %dma_wait3A_660] : memref<16x1000001xf32, #tpu.memory_space<hbm>> -> memref<16x128xf32, #tpu.memory_space<hbm>>
      %dma_wait3A_662 = arith.constant 80 : i32
      %dma_wait3A_663 = arith.constant 0 : i32
      %dma_wait3A_664 = tpu.memref_slice %arg9[%dma_wait3A_662, %dma_wait3A_663] : memref<128x128xf32, #tpu.memory_space<vmem>> -> memref<16x128xf32, #tpu.memory_space<vmem>>
      %dma_wait3A_665 = arith.constant 0 : i32
      %dma_wait3A_666 = arith.constant 0 : i32
      %dma_wait3A_667 = tpu.memref_slice %arg4[%dma_wait3A_665, %dma_wait3A_666] : memref<16x1000001xf32, #tpu.memory_space<hbm>> -> memref<16x128xf32, #tpu.memory_space<hbm>>
      tpu.wait_dma2 semaphore(%arg14 : memref<!tpu.dma_semaphore, #tpu.memory_space<semaphore_mem>>) src(%dma_wait3A_667 : memref<16x128xf32, #tpu.memory_space<hbm>>) dst(%dma_wait3A_664 : memref<16x128xf32, #tpu.memory_space<vmem>>)
      %dma_wait3A_668 = arith.constant 80 : i32
      %dma_wait3A_669 = arith.constant 0 : i32
      %dma_wait3A_670 = tpu.memref_slice %arg10[%dma_wait3A_668, %dma_wait3A_669] : memref<128x128xf32, #tpu.memory_space<vmem>> -> memref<16x128xf32, #tpu.memory_space<vmem>>
      %dma_wait3A_671 = arith.constant 0 : i32
      %dma_wait3A_672 = arith.constant 0 : i32
      %dma_wait3A_673 = tpu.memref_slice %arg5[%dma_wait3A_671, %dma_wait3A_672] : memref<16x1000001xf32, #tpu.memory_space<hbm>> -> memref<16x128xf32, #tpu.memory_space<hbm>>
      %dma_wait3A_674 = arith.constant 80 : i32
      %dma_wait3A_675 = arith.constant 0 : i32
      %dma_wait3A_676 = tpu.memref_slice %arg10[%dma_wait3A_674, %dma_wait3A_675] : memref<128x128xf32, #tpu.memory_space<vmem>> -> memref<16x128xf32, #tpu.memory_space<vmem>>
      %dma_wait3A_677 = arith.constant 0 : i32
      %dma_wait3A_678 = arith.constant 0 : i32
      %dma_wait3A_679 = tpu.memref_slice %arg5[%dma_wait3A_677, %dma_wait3A_678] : memref<16x1000001xf32, #tpu.memory_space<hbm>> -> memref<16x128xf32, #tpu.memory_space<hbm>>
      tpu.wait_dma2 semaphore(%arg14 : memref<!tpu.dma_semaphore, #tpu.memory_space<semaphore_mem>>) src(%dma_wait3A_679 : memref<16x128xf32, #tpu.memory_space<hbm>>) dst(%dma_wait3A_676 : memref<16x128xf32, #tpu.memory_space<vmem>>)
      %dma_wait3A_680 = arith.constant 96 : i32
      %dma_wait3A_681 = arith.constant 0 : i32
      %dma_wait3A_682 = tpu.memref_slice %arg9[%dma_wait3A_680, %dma_wait3A_681] : memref<128x128xf32, #tpu.memory_space<vmem>> -> memref<16x128xf32, #tpu.memory_space<vmem>>
      %dma_wait3A_683 = arith.constant 0 : i32
      %dma_wait3A_684 = arith.constant 0 : i32
      %dma_wait3A_685 = tpu.memref_slice %arg4[%dma_wait3A_683, %dma_wait3A_684] : memref<16x1000001xf32, #tpu.memory_space<hbm>> -> memref<16x128xf32, #tpu.memory_space<hbm>>
      %dma_wait3A_686 = arith.constant 96 : i32
      %dma_wait3A_687 = arith.constant 0 : i32
      %dma_wait3A_688 = tpu.memref_slice %arg9[%dma_wait3A_686, %dma_wait3A_687] : memref<128x128xf32, #tpu.memory_space<vmem>> -> memref<16x128xf32, #tpu.memory_space<vmem>>
      %dma_wait3A_689 = arith.constant 0 : i32
      %dma_wait3A_690 = arith.constant 0 : i32
      %dma_wait3A_691 = tpu.memref_slice %arg4[%dma_wait3A_689, %dma_wait3A_690] : memref<16x1000001xf32, #tpu.memory_space<hbm>> -> memref<16x128xf32, #tpu.memory_space<hbm>>
      tpu.wait_dma2 semaphore(%arg14 : memref<!tpu.dma_semaphore, #tpu.memory_space<semaphore_mem>>) src(%dma_wait3A_691 : memref<16x128xf32, #tpu.memory_space<hbm>>) dst(%dma_wait3A_688 : memref<16x128xf32, #tpu.memory_space<vmem>>)
      %dma_wait3A_692 = arith.constant 96 : i32
      %dma_wait3A_693 = arith.constant 0 : i32
      %dma_wait3A_694 = tpu.memref_slice %arg10[%dma_wait3A_692, %dma_wait3A_693] : memref<128x128xf32, #tpu.memory_space<vmem>> -> memref<16x128xf32, #tpu.memory_space<vmem>>
      %dma_wait3A_695 = arith.constant 0 : i32
      %dma_wait3A_696 = arith.constant 0 : i32
      %dma_wait3A_697 = tpu.memref_slice %arg5[%dma_wait3A_695, %dma_wait3A_696] : memref<16x1000001xf32, #tpu.memory_space<hbm>> -> memref<16x128xf32, #tpu.memory_space<hbm>>
      %dma_wait3A_698 = arith.constant 96 : i32
      %dma_wait3A_699 = arith.constant 0 : i32
      %dma_wait3A_700 = tpu.memref_slice %arg10[%dma_wait3A_698, %dma_wait3A_699] : memref<128x128xf32, #tpu.memory_space<vmem>> -> memref<16x128xf32, #tpu.memory_space<vmem>>
      %dma_wait3A_701 = arith.constant 0 : i32
      %dma_wait3A_702 = arith.constant 0 : i32
      %dma_wait3A_703 = tpu.memref_slice %arg5[%dma_wait3A_701, %dma_wait3A_702] : memref<16x1000001xf32, #tpu.memory_space<hbm>> -> memref<16x128xf32, #tpu.memory_space<hbm>>
      tpu.wait_dma2 semaphore(%arg14 : memref<!tpu.dma_semaphore, #tpu.memory_space<semaphore_mem>>) src(%dma_wait3A_703 : memref<16x128xf32, #tpu.memory_space<hbm>>) dst(%dma_wait3A_700 : memref<16x128xf32, #tpu.memory_space<vmem>>)
      %dma_wait3A_704 = arith.constant 112 : i32
      %dma_wait3A_705 = arith.constant 0 : i32
      %dma_wait3A_706 = tpu.memref_slice %arg9[%dma_wait3A_704, %dma_wait3A_705] : memref<128x128xf32, #tpu.memory_space<vmem>> -> memref<16x128xf32, #tpu.memory_space<vmem>>
      %dma_wait3A_707 = arith.constant 0 : i32
      %dma_wait3A_708 = arith.constant 0 : i32
      %dma_wait3A_709 = tpu.memref_slice %arg4[%dma_wait3A_707, %dma_wait3A_708] : memref<16x1000001xf32, #tpu.memory_space<hbm>> -> memref<16x128xf32, #tpu.memory_space<hbm>>
      %dma_wait3A_710 = arith.constant 112 : i32
      %dma_wait3A_711 = arith.constant 0 : i32
      %dma_wait3A_712 = tpu.memref_slice %arg9[%dma_wait3A_710, %dma_wait3A_711] : memref<128x128xf32, #tpu.memory_space<vmem>> -> memref<16x128xf32, #tpu.memory_space<vmem>>
      %dma_wait3A_713 = arith.constant 0 : i32
      %dma_wait3A_714 = arith.constant 0 : i32
      %dma_wait3A_715 = tpu.memref_slice %arg4[%dma_wait3A_713, %dma_wait3A_714] : memref<16x1000001xf32, #tpu.memory_space<hbm>> -> memref<16x128xf32, #tpu.memory_space<hbm>>
      tpu.wait_dma2 semaphore(%arg14 : memref<!tpu.dma_semaphore, #tpu.memory_space<semaphore_mem>>) src(%dma_wait3A_715 : memref<16x128xf32, #tpu.memory_space<hbm>>) dst(%dma_wait3A_712 : memref<16x128xf32, #tpu.memory_space<vmem>>)
      %dma_wait3A_716 = arith.constant 112 : i32
      %dma_wait3A_717 = arith.constant 0 : i32
      %dma_wait3A_718 = tpu.memref_slice %arg10[%dma_wait3A_716, %dma_wait3A_717] : memref<128x128xf32, #tpu.memory_space<vmem>> -> memref<16x128xf32, #tpu.memory_space<vmem>>
      %dma_wait3A_719 = arith.constant 0 : i32
      %dma_wait3A_720 = arith.constant 0 : i32
      %dma_wait3A_721 = tpu.memref_slice %arg5[%dma_wait3A_719, %dma_wait3A_720] : memref<16x1000001xf32, #tpu.memory_space<hbm>> -> memref<16x128xf32, #tpu.memory_space<hbm>>
      %dma_wait3A_722 = arith.constant 112 : i32
      %dma_wait3A_723 = arith.constant 0 : i32
      %dma_wait3A_724 = tpu.memref_slice %arg10[%dma_wait3A_722, %dma_wait3A_723] : memref<128x128xf32, #tpu.memory_space<vmem>> -> memref<16x128xf32, #tpu.memory_space<vmem>>
      %dma_wait3A_725 = arith.constant 0 : i32
      %dma_wait3A_726 = arith.constant 0 : i32
      %dma_wait3A_727 = tpu.memref_slice %arg5[%dma_wait3A_725, %dma_wait3A_726] : memref<16x1000001xf32, #tpu.memory_space<hbm>> -> memref<16x128xf32, #tpu.memory_space<hbm>>
      tpu.wait_dma2 semaphore(%arg14 : memref<!tpu.dma_semaphore, #tpu.memory_space<semaphore_mem>>) src(%dma_wait3A_727 : memref<16x128xf32, #tpu.memory_space<hbm>>) dst(%dma_wait3A_724 : memref<16x128xf32, #tpu.memory_space<vmem>>)
      %div3A_728 = arith.constant 8 : i32
      %div3A_729 = arith.divsi %scan3A_272, %div3A_728 : i32
      %rem3A_730 = arith.constant 8 : i32
      %rem3A_731 = arith.remsi %scan3A_272, %rem3A_730 : i32
      %mul3A_732 = arith.constant 16 : i32
      %mul3A_733 = arith.muli %rem3A_731, %mul3A_732 : i32
      %get3A_734 = arith.index_cast %div3A_729 : i32 to index
      %get3A_735 = arith.index_cast %mul3A_733 : i32 to index
      %get3A_736 = tpu.vector_load %arg7[%get3A_734, %get3A_735] {strides = array<i32>} : memref<4x128xi32, #tpu.memory_space<vmem>>, vector<16xi32>,
      %div3A_737 = arith.constant 8 : i32
      %div3A_738 = arith.divsi %scan3A_272, %div3A_737 : i32
      %rem3A_739 = arith.constant 8 : i32
      %rem3A_740 = arith.remsi %scan3A_272, %rem3A_739 : i32
      %mul3A_741 = arith.constant 16 : i32
      %mul3A_742 = arith.muli %rem3A_740, %mul3A_741 : i32
      %get3A_743 = arith.index_cast %div3A_738 : i32 to index
      %get3A_744 = arith.index_cast %mul3A_742 : i32 to index
      %get3A_745 = tpu.vector_load %arg8[%get3A_743, %get3A_744] {strides = array<i32>} : memref<4x128xi32, #tpu.memory_space<vmem>>, vector<16xi32>,
      %and3A = arith.constant 127 : i32
      %and3A_746 = vector.broadcast %and3A : i32 to vector<16xi32>
      %and3A_747 = arith.andi %get3A_736, %and3A_746 : vector<16xi32>
      %and3A_748 = arith.constant 127 : i32
      %and3A_749 = vector.broadcast %and3A_748 : i32 to vector<16xi32>
      %and3A_750 = arith.andi %get3A_745, %and3A_749 : vector<16xi32>
      %broadcast_in_dim3A = arith.constant 0.000000e+00 : f32
      %broadcast_in_dim3A_751 = vector.broadcast %broadcast_in_dim3A : f32 to vector<16xf32>
      %slice3A_752 = vector.extract_strided_slice %and3A_747 {offsets = [0], sizes = [1], strides = [1]} : vector<16xi32> to vector<1xi32>
      %squeeze3A_753 = vector.extract %slice3A_752[0] : i32 from vector<1xi32>
      %broadcast_in_dim3A_754 = vector.broadcast %squeeze3A_753 : i32 to vector<16xi32>
      %slice3A_755 = vector.extract_strided_slice %and3A_750 {offsets = [0], sizes = [1], strides = [1]} : vector<16xi32> to vector<1xi32>
      %squeeze3A_756 = vector.extract %slice3A_755[0] : i32 from vector<1xi32>
      %broadcast_in_dim3A_757 = vector.broadcast %squeeze3A_756 : i32 to vector<16xi32>
      %add3A_758 = arith.constant 0 : i32
      %add3A_759 = vector.broadcast %add3A_758 : i32 to vector<16xi32>
      %add3A_760 = arith.addi %iota3A, %add3A_759 : vector<16xi32>
      %gather3A = tpu.vector_load_idx %arg9[%add3A_760, %broadcast_in_dim3A_754] : memref<128x128xf32, #tpu.memory_space<vmem>>[vector<16xi32>, vector<16xi32>], vector<16xf32>,
      %add3A_761 = arith.constant 0 : i32
      %add3A_762 = vector.broadcast %add3A_761 : i32 to vector<16xi32>
      %add3A_763 = arith.addi %iota3A, %add3A_762 : vector<16xi32>
      %gather3A_764 = tpu.vector_load_idx %arg10[%add3A_763, %broadcast_in_dim3A_757] : memref<128x128xf32, #tpu.memory_space<vmem>>[vector<16xi32>, vector<16xi32>], vector<16xf32>,
      %mul3A_765 = arith.mulf %gather3A, %gather3A_764 : vector<16xf32>
      %xor3A = arith.constant 8 : i32
      %xor3A_766 = vector.broadcast %xor3A : i32 to vector<16xi32>
      %xor3A_767 = arith.xori %iota3A, %xor3A_766 : vector<16xi32>
      %broadcast_in_dim3A_768 = vector.shape_cast %xor3A_767 : vector<16xi32> to vector<16x1xi32>
      %gather3A_769 = vector.shape_cast %broadcast_in_dim3A_768 : vector<16x1xi32> to vector<16xi32>
      %gather3A_770 = tpu.dynamic_gather %mul3A_765[%gather3A_769] in [0] : vector<16xf32>, vector<16xi32> -> vector<16xf32>
      %add3A_771 = arith.addf %mul3A_765, %gather3A_770 : vector<16xf32>
      %xor3A_772 = arith.constant 4 : i32
      %xor3A_773 = vector.broadcast %xor3A_772 : i32 to vector<16xi32>
      %xor3A_774 = arith.xori %iota3A, %xor3A_773 : vector<16xi32>
      %broadcast_in_dim3A_775 = vector.shape_cast %xor3A_774 : vector<16xi32> to vector<16x1xi32>
      %gather3A_776 = vector.shape_cast %broadcast_in_dim3A_775 : vector<16x1xi32> to vector<16xi32>
      %gather3A_777 = tpu.dynamic_gather %add3A_771[%gather3A_776] in [0] : vector<16xf32>, vector<16xi32> -> vector<16xf32>
      %add3A_778 = arith.addf %add3A_771, %gather3A_777 : vector<16xf32>
      %xor3A_779 = arith.constant 2 : i32
      %xor3A_780 = vector.broadcast %xor3A_779 : i32 to vector<16xi32>
      %xor3A_781 = arith.xori %iota3A, %xor3A_780 : vector<16xi32>
      %broadcast_in_dim3A_782 = vector.shape_cast %xor3A_781 : vector<16xi32> to vector<16x1xi32>
      %gather3A_783 = vector.shape_cast %broadcast_in_dim3A_782 : vector<16x1xi32> to vector<16xi32>
      %gather3A_784 = tpu.dynamic_gather %add3A_778[%gather3A_783] in [0] : vector<16xf32>, vector<16xi32> -> vector<16xf32>
      %add3A_785 = arith.addf %add3A_778, %gather3A_784 : vector<16xf32>
      %xor3A_786 = arith.constant 1 : i32
      %xor3A_787 = vector.broadcast %xor3A_786 : i32 to vector<16xi32>
      %xor3A_788 = arith.xori %iota3A, %xor3A_787 : vector<16xi32>
      %broadcast_in_dim3A_789 = vector.shape_cast %xor3A_788 : vector<16xi32> to vector<16x1xi32>
      %gather3A_790 = vector.shape_cast %broadcast_in_dim3A_789 : vector<16x1xi32> to vector<16xi32>
      %gather3A_791 = tpu.dynamic_gather %add3A_785[%gather3A_790] in [0] : vector<16xf32>, vector<16xi32> -> vector<16xf32>
      %add3A_792 = arith.addf %add3A_785, %gather3A_791 : vector<16xf32>
      %eq3A = arith.constant 0 : i32
      %eq3A_793 = vector.broadcast %eq3A : i32 to vector<16xi32>
      %eq3A_794 = arith.cmpi eq, %iota3A, %eq3A_793 : vector<16xi32>
      %select_n3A = arith.select %eq3A_794, %add3A_792, %broadcast_in_dim3A_751 : vector<16xi1>, vector<16xf32>
      %slice3A_795 = vector.extract_strided_slice %and3A_747 {offsets = [1], sizes = [1], strides = [1]} : vector<16xi32> to vector<1xi32>
      %squeeze3A_796 = vector.extract %slice3A_795[0] : i32 from vector<1xi32>
      %broadcast_in_dim3A_797 = vector.broadcast %squeeze3A_796 : i32 to vector<16xi32>
      %slice3A_798 = vector.extract_strided_slice %and3A_750 {offsets = [1], sizes = [1], strides = [1]} : vector<16xi32> to vector<1xi32>
      %squeeze3A_799 = vector.extract %slice3A_798[0] : i32 from vector<1xi32>
      %broadcast_in_dim3A_800 = vector.broadcast %squeeze3A_799 : i32 to vector<16xi32>
      %add3A_801 = arith.constant 16 : i32
      %add3A_802 = vector.broadcast %add3A_801 : i32 to vector<16xi32>
      %add3A_803 = arith.addi %iota3A, %add3A_802 : vector<16xi32>
      %gather3A_804 = tpu.vector_load_idx %arg9[%add3A_803, %broadcast_in_dim3A_797] : memref<128x128xf32, #tpu.memory_space<vmem>>[vector<16xi32>, vector<16xi32>], vector<16xf32>,
      %add3A_805 = arith.constant 16 : i32
      %add3A_806 = vector.broadcast %add3A_805 : i32 to vector<16xi32>
      %add3A_807 = arith.addi %iota3A, %add3A_806 : vector<16xi32>
      %gather3A_808 = tpu.vector_load_idx %arg10[%add3A_807, %broadcast_in_dim3A_800] : memref<128x128xf32, #tpu.memory_space<vmem>>[vector<16xi32>, vector<16xi32>], vector<16xf32>,
      %mul3A_809 = arith.mulf %gather3A_804, %gather3A_808 : vector<16xf32>
      %xor3A_810 = arith.constant 8 : i32
      %xor3A_811 = vector.broadcast %xor3A_810 : i32 to vector<16xi32>
      %xor3A_812 = arith.xori %iota3A, %xor3A_811 : vector<16xi32>
      %broadcast_in_dim3A_813 = vector.shape_cast %xor3A_812 : vector<16xi32> to vector<16x1xi32>
      %gather3A_814 = vector.shape_cast %broadcast_in_dim3A_813 : vector<16x1xi32> to vector<16xi32>
      %gather3A_815 = tpu.dynamic_gather %mul3A_809[%gather3A_814] in [0] : vector<16xf32>, vector<16xi32> -> vector<16xf32>
      %add3A_816 = arith.addf %mul3A_809, %gather3A_815 : vector<16xf32>
      %xor3A_817 = arith.constant 4 : i32
      %xor3A_818 = vector.broadcast %xor3A_817 : i32 to vector<16xi32>
      %xor3A_819 = arith.xori %iota3A, %xor3A_818 : vector<16xi32>
      %broadcast_in_dim3A_820 = vector.shape_cast %xor3A_819 : vector<16xi32> to vector<16x1xi32>
      %gather3A_821 = vector.shape_cast %broadcast_in_dim3A_820 : vector<16x1xi32> to vector<16xi32>
      %gather3A_822 = tpu.dynamic_gather %add3A_816[%gather3A_821] in [0] : vector<16xf32>, vector<16xi32> -> vector<16xf32>
      %add3A_823 = arith.addf %add3A_816, %gather3A_822 : vector<16xf32>
      %xor3A_824 = arith.constant 2 : i32
      %xor3A_825 = vector.broadcast %xor3A_824 : i32 to vector<16xi32>
      %xor3A_826 = arith.xori %iota3A, %xor3A_825 : vector<16xi32>
      %broadcast_in_dim3A_827 = vector.shape_cast %xor3A_826 : vector<16xi32> to vector<16x1xi32>
      %gather3A_828 = vector.shape_cast %broadcast_in_dim3A_827 : vector<16x1xi32> to vector<16xi32>
      %gather3A_829 = tpu.dynamic_gather %add3A_823[%gather3A_828] in [0] : vector<16xf32>, vector<16xi32> -> vector<16xf32>
      %add3A_830 = arith.addf %add3A_823, %gather3A_829 : vector<16xf32>
      %xor3A_831 = arith.constant 1 : i32
      %xor3A_832 = vector.broadcast %xor3A_831 : i32 to vector<16xi32>
      %xor3A_833 = arith.xori %iota3A, %xor3A_832 : vector<16xi32>
      %broadcast_in_dim3A_834 = vector.shape_cast %xor3A_833 : vector<16xi32> to vector<16x1xi32>
      %gather3A_835 = vector.shape_cast %broadcast_in_dim3A_834 : vector<16x1xi32> to vector<16xi32>
      %gather3A_836 = tpu.dynamic_gather %add3A_830[%gather3A_835] in [0] : vector<16xf32>, vector<16xi32> -> vector<16xf32>
      %add3A_837 = arith.addf %add3A_830, %gather3A_836 : vector<16xf32>
      %eq3A_838 = arith.constant 1 : i32
      %eq3A_839 = vector.broadcast %eq3A_838 : i32 to vector<16xi32>
      %eq3A_840 = arith.cmpi eq, %iota3A, %eq3A_839 : vector<16xi32>
      %select_n3A_841 = arith.select %eq3A_840, %add3A_837, %select_n3A : vector<16xi1>, vector<16xf32>
      %slice3A_842 = vector.extract_strided_slice %and3A_747 {offsets = [2], sizes = [1], strides = [1]} : vector<16xi32> to vector<1xi32>
      %squeeze3A_843 = vector.extract %slice3A_842[0] : i32 from vector<1xi32>
      %broadcast_in_dim3A_844 = vector.broadcast %squeeze3A_843 : i32 to vector<16xi32>
      %slice3A_845 = vector.extract_strided_slice %and3A_750 {offsets = [2], sizes = [1], strides = [1]} : vector<16xi32> to vector<1xi32>
      %squeeze3A_846 = vector.extract %slice3A_845[0] : i32 from vector<1xi32>
      %broadcast_in_dim3A_847 = vector.broadcast %squeeze3A_846 : i32 to vector<16xi32>
      %add3A_848 = arith.constant 32 : i32
      %add3A_849 = vector.broadcast %add3A_848 : i32 to vector<16xi32>
      %add3A_850 = arith.addi %iota3A, %add3A_849 : vector<16xi32>
      %gather3A_851 = tpu.vector_load_idx %arg9[%add3A_850, %broadcast_in_dim3A_844] : memref<128x128xf32, #tpu.memory_space<vmem>>[vector<16xi32>, vector<16xi32>], vector<16xf32>,
      %add3A_852 = arith.constant 32 : i32
      %add3A_853 = vector.broadcast %add3A_852 : i32 to vector<16xi32>
      %add3A_854 = arith.addi %iota3A, %add3A_853 : vector<16xi32>
      %gather3A_855 = tpu.vector_load_idx %arg10[%add3A_854, %broadcast_in_dim3A_847] : memref<128x128xf32, #tpu.memory_space<vmem>>[vector<16xi32>, vector<16xi32>], vector<16xf32>,
      %mul3A_856 = arith.mulf %gather3A_851, %gather3A_855 : vector<16xf32>
      %xor3A_857 = arith.constant 8 : i32
      %xor3A_858 = vector.broadcast %xor3A_857 : i32 to vector<16xi32>
      %xor3A_859 = arith.xori %iota3A, %xor3A_858 : vector<16xi32>
      %broadcast_in_dim3A_860 = vector.shape_cast %xor3A_859 : vector<16xi32> to vector<16x1xi32>
      %gather3A_861 = vector.shape_cast %broadcast_in_dim3A_860 : vector<16x1xi32> to vector<16xi32>
      %gather3A_862 = tpu.dynamic_gather %mul3A_856[%gather3A_861] in [0] : vector<16xf32>, vector<16xi32> -> vector<16xf32>
      %add3A_863 = arith.addf %mul3A_856, %gather3A_862 : vector<16xf32>
      %xor3A_864 = arith.constant 4 : i32
      %xor3A_865 = vector.broadcast %xor3A_864 : i32 to vector<16xi32>
      %xor3A_866 = arith.xori %iota3A, %xor3A_865 : vector<16xi32>
      %broadcast_in_dim3A_867 = vector.shape_cast %xor3A_866 : vector<16xi32> to vector<16x1xi32>
      %gather3A_868 = vector.shape_cast %broadcast_in_dim3A_867 : vector<16x1xi32> to vector<16xi32>
      %gather3A_869 = tpu.dynamic_gather %add3A_863[%gather3A_868] in [0] : vector<16xf32>, vector<16xi32> -> vector<16xf32>
      %add3A_870 = arith.addf %add3A_863, %gather3A_869 : vector<16xf32>
      %xor3A_871 = arith.constant 2 : i32
      %xor3A_872 = vector.broadcast %xor3A_871 : i32 to vector<16xi32>
      %xor3A_873 = arith.xori %iota3A, %xor3A_872 : vector<16xi32>
      %broadcast_in_dim3A_874 = vector.shape_cast %xor3A_873 : vector<16xi32> to vector<16x1xi32>
      %gather3A_875 = vector.shape_cast %broadcast_in_dim3A_874 : vector<16x1xi32> to vector<16xi32>
      %gather3A_876 = tpu.dynamic_gather %add3A_870[%gather3A_875] in [0] : vector<16xf32>, vector<16xi32> -> vector<16xf32>
      %add3A_877 = arith.addf %add3A_870, %gather3A_876 : vector<16xf32>
      %xor3A_878 = arith.constant 1 : i32
      %xor3A_879 = vector.broadcast %xor3A_878 : i32 to vector<16xi32>
      %xor3A_880 = arith.xori %iota3A, %xor3A_879 : vector<16xi32>
      %broadcast_in_dim3A_881 = vector.shape_cast %xor3A_880 : vector<16xi32> to vector<16x1xi32>
      %gather3A_882 = vector.shape_cast %broadcast_in_dim3A_881 : vector<16x1xi32> to vector<16xi32>
      %gather3A_883 = tpu.dynamic_gather %add3A_877[%gather3A_882] in [0] : vector<16xf32>, vector<16xi32> -> vector<16xf32>
      %add3A_884 = arith.addf %add3A_877, %gather3A_883 : vector<16xf32>
      %eq3A_885 = arith.constant 2 : i32
      %eq3A_886 = vector.broadcast %eq3A_885 : i32 to vector<16xi32>
      %eq3A_887 = arith.cmpi eq, %iota3A, %eq3A_886 : vector<16xi32>
      %select_n3A_888 = arith.select %eq3A_887, %add3A_884, %select_n3A_841 : vector<16xi1>, vector<16xf32>
      %slice3A_889 = vector.extract_strided_slice %and3A_747 {offsets = [3], sizes = [1], strides = [1]} : vector<16xi32> to vector<1xi32>
      %squeeze3A_890 = vector.extract %slice3A_889[0] : i32 from vector<1xi32>
      %broadcast_in_dim3A_891 = vector.broadcast %squeeze3A_890 : i32 to vector<16xi32>
      %slice3A_892 = vector.extract_strided_slice %and3A_750 {offsets = [3], sizes = [1], strides = [1]} : vector<16xi32> to vector<1xi32>
      %squeeze3A_893 = vector.extract %slice3A_892[0] : i32 from vector<1xi32>
      %broadcast_in_dim3A_894 = vector.broadcast %squeeze3A_893 : i32 to vector<16xi32>
      %add3A_895 = arith.constant 48 : i32
      %add3A_896 = vector.broadcast %add3A_895 : i32 to vector<16xi32>
      %add3A_897 = arith.addi %iota3A, %add3A_896 : vector<16xi32>
      %gather3A_898 = tpu.vector_load_idx %arg9[%add3A_897, %broadcast_in_dim3A_891] : memref<128x128xf32, #tpu.memory_space<vmem>>[vector<16xi32>, vector<16xi32>], vector<16xf32>,
      %add3A_899 = arith.constant 48 : i32
      %add3A_900 = vector.broadcast %add3A_899 : i32 to vector<16xi32>
      %add3A_901 = arith.addi %iota3A, %add3A_900 : vector<16xi32>
      %gather3A_902 = tpu.vector_load_idx %arg10[%add3A_901, %broadcast_in_dim3A_894] : memref<128x128xf32, #tpu.memory_space<vmem>>[vector<16xi32>, vector<16xi32>], vector<16xf32>,
      %mul3A_903 = arith.mulf %gather3A_898, %gather3A_902 : vector<16xf32>
      %xor3A_904 = arith.constant 8 : i32
      %xor3A_905 = vector.broadcast %xor3A_904 : i32 to vector<16xi32>
      %xor3A_906 = arith.xori %iota3A, %xor3A_905 : vector<16xi32>
      %broadcast_in_dim3A_907 = vector.shape_cast %xor3A_906 : vector<16xi32> to vector<16x1xi32>
      %gather3A_908 = vector.shape_cast %broadcast_in_dim3A_907 : vector<16x1xi32> to vector<16xi32>
      %gather3A_909 = tpu.dynamic_gather %mul3A_903[%gather3A_908] in [0] : vector<16xf32>, vector<16xi32> -> vector<16xf32>
      %add3A_910 = arith.addf %mul3A_903, %gather3A_909 : vector<16xf32>
      %xor3A_911 = arith.constant 4 : i32
      %xor3A_912 = vector.broadcast %xor3A_911 : i32 to vector<16xi32>
      %xor3A_913 = arith.xori %iota3A, %xor3A_912 : vector<16xi32>
      %broadcast_in_dim3A_914 = vector.shape_cast %xor3A_913 : vector<16xi32> to vector<16x1xi32>
      %gather3A_915 = vector.shape_cast %broadcast_in_dim3A_914 : vector<16x1xi32> to vector<16xi32>
      %gather3A_916 = tpu.dynamic_gather %add3A_910[%gather3A_915] in [0] : vector<16xf32>, vector<16xi32> -> vector<16xf32>
      %add3A_917 = arith.addf %add3A_910, %gather3A_916 : vector<16xf32>
      %xor3A_918 = arith.constant 2 : i32
      %xor3A_919 = vector.broadcast %xor3A_918 : i32 to vector<16xi32>
      %xor3A_920 = arith.xori %iota3A, %xor3A_919 : vector<16xi32>
      %broadcast_in_dim3A_921 = vector.shape_cast %xor3A_920 : vector<16xi32> to vector<16x1xi32>
      %gather3A_922 = vector.shape_cast %broadcast_in_dim3A_921 : vector<16x1xi32> to vector<16xi32>
      %gather3A_923 = tpu.dynamic_gather %add3A_917[%gather3A_922] in [0] : vector<16xf32>, vector<16xi32> -> vector<16xf32>
      %add3A_924 = arith.addf %add3A_917, %gather3A_923 : vector<16xf32>
      %xor3A_925 = arith.constant 1 : i32
      %xor3A_926 = vector.broadcast %xor3A_925 : i32 to vector<16xi32>
      %xor3A_927 = arith.xori %iota3A, %xor3A_926 : vector<16xi32>
      %broadcast_in_dim3A_928 = vector.shape_cast %xor3A_927 : vector<16xi32> to vector<16x1xi32>
      %gather3A_929 = vector.shape_cast %broadcast_in_dim3A_928 : vector<16x1xi32> to vector<16xi32>
      %gather3A_930 = tpu.dynamic_gather %add3A_924[%gather3A_929] in [0] : vector<16xf32>, vector<16xi32> -> vector<16xf32>
      %add3A_931 = arith.addf %add3A_924, %gather3A_930 : vector<16xf32>
      %eq3A_932 = arith.constant 3 : i32
      %eq3A_933 = vector.broadcast %eq3A_932 : i32 to vector<16xi32>
      %eq3A_934 = arith.cmpi eq, %iota3A, %eq3A_933 : vector<16xi32>
      %select_n3A_935 = arith.select %eq3A_934, %add3A_931, %select_n3A_888 : vector<16xi1>, vector<16xf32>
      %slice3A_936 = vector.extract_strided_slice %and3A_747 {offsets = [4], sizes = [1], strides = [1]} : vector<16xi32> to vector<1xi32>
      %squeeze3A_937 = vector.extract %slice3A_936[0] : i32 from vector<1xi32>
      %broadcast_in_dim3A_938 = vector.broadcast %squeeze3A_937 : i32 to vector<16xi32>
      %slice3A_939 = vector.extract_strided_slice %and3A_750 {offsets = [4], sizes = [1], strides = [1]} : vector<16xi32> to vector<1xi32>
      %squeeze3A_940 = vector.extract %slice3A_939[0] : i32 from vector<1xi32>
      %broadcast_in_dim3A_941 = vector.broadcast %squeeze3A_940 : i32 to vector<16xi32>
      %add3A_942 = arith.constant 64 : i32
      %add3A_943 = vector.broadcast %add3A_942 : i32 to vector<16xi32>
      %add3A_944 = arith.addi %iota3A, %add3A_943 : vector<16xi32>
      %gather3A_945 = tpu.vector_load_idx %arg9[%add3A_944, %broadcast_in_dim3A_938] : memref<128x128xf32, #tpu.memory_space<vmem>>[vector<16xi32>, vector<16xi32>], vector<16xf32>,
      %add3A_946 = arith.constant 64 : i32
      %add3A_947 = vector.broadcast %add3A_946 : i32 to vector<16xi32>
      %add3A_948 = arith.addi %iota3A, %add3A_947 : vector<16xi32>
      %gather3A_949 = tpu.vector_load_idx %arg10[%add3A_948, %broadcast_in_dim3A_941] : memref<128x128xf32, #tpu.memory_space<vmem>>[vector<16xi32>, vector<16xi32>], vector<16xf32>,
      %mul3A_950 = arith.mulf %gather3A_945, %gather3A_949 : vector<16xf32>
      %xor3A_951 = arith.constant 8 : i32
      %xor3A_952 = vector.broadcast %xor3A_951 : i32 to vector<16xi32>
      %xor3A_953 = arith.xori %iota3A, %xor3A_952 : vector<16xi32>
      %broadcast_in_dim3A_954 = vector.shape_cast %xor3A_953 : vector<16xi32> to vector<16x1xi32>
      %gather3A_955 = vector.shape_cast %broadcast_in_dim3A_954 : vector<16x1xi32> to vector<16xi32>
      %gather3A_956 = tpu.dynamic_gather %mul3A_950[%gather3A_955] in [0] : vector<16xf32>, vector<16xi32> -> vector<16xf32>
      %add3A_957 = arith.addf %mul3A_950, %gather3A_956 : vector<16xf32>
      %xor3A_958 = arith.constant 4 : i32
      %xor3A_959 = vector.broadcast %xor3A_958 : i32 to vector<16xi32>
      %xor3A_960 = arith.xori %iota3A, %xor3A_959 : vector<16xi32>
      %broadcast_in_dim3A_961 = vector.shape_cast %xor3A_960 : vector<16xi32> to vector<16x1xi32>
      %gather3A_962 = vector.shape_cast %broadcast_in_dim3A_961 : vector<16x1xi32> to vector<16xi32>
      %gather3A_963 = tpu.dynamic_gather %add3A_957[%gather3A_962] in [0] : vector<16xf32>, vector<16xi32> -> vector<16xf32>
      %add3A_964 = arith.addf %add3A_957, %gather3A_963 : vector<16xf32>
      %xor3A_965 = arith.constant 2 : i32
      %xor3A_966 = vector.broadcast %xor3A_965 : i32 to vector<16xi32>
      %xor3A_967 = arith.xori %iota3A, %xor3A_966 : vector<16xi32>
      %broadcast_in_dim3A_968 = vector.shape_cast %xor3A_967 : vector<16xi32> to vector<16x1xi32>
      %gather3A_969 = vector.shape_cast %broadcast_in_dim3A_968 : vector<16x1xi32> to vector<16xi32>
      %gather3A_970 = tpu.dynamic_gather %add3A_964[%gather3A_969] in [0] : vector<16xf32>, vector<16xi32> -> vector<16xf32>
      %add3A_971 = arith.addf %add3A_964, %gather3A_970 : vector<16xf32>
      %xor3A_972 = arith.constant 1 : i32
      %xor3A_973 = vector.broadcast %xor3A_972 : i32 to vector<16xi32>
      %xor3A_974 = arith.xori %iota3A, %xor3A_973 : vector<16xi32>
      %broadcast_in_dim3A_975 = vector.shape_cast %xor3A_974 : vector<16xi32> to vector<16x1xi32>
      %gather3A_976 = vector.shape_cast %broadcast_in_dim3A_975 : vector<16x1xi32> to vector<16xi32>
      %gather3A_977 = tpu.dynamic_gather %add3A_971[%gather3A_976] in [0] : vector<16xf32>, vector<16xi32> -> vector<16xf32>
      %add3A_978 = arith.addf %add3A_971, %gather3A_977 : vector<16xf32>
      %eq3A_979 = arith.constant 4 : i32
      %eq3A_980 = vector.broadcast %eq3A_979 : i32 to vector<16xi32>
      %eq3A_981 = arith.cmpi eq, %iota3A, %eq3A_980 : vector<16xi32>
      %select_n3A_982 = arith.select %eq3A_981, %add3A_978, %select_n3A_935 : vector<16xi1>, vector<16xf32>
      %slice3A_983 = vector.extract_strided_slice %and3A_747 {offsets = [5], sizes = [1], strides = [1]} : vector<16xi32> to vector<1xi32>
      %squeeze3A_984 = vector.extract %slice3A_983[0] : i32 from vector<1xi32>
      %broadcast_in_dim3A_985 = vector.broadcast %squeeze3A_984 : i32 to vector<16xi32>
      %slice3A_986 = vector.extract_strided_slice %and3A_750 {offsets = [5], sizes = [1], strides = [1]} : vector<16xi32> to vector<1xi32>
      %squeeze3A_987 = vector.extract %slice3A_986[0] : i32 from vector<1xi32>
      %broadcast_in_dim3A_988 = vector.broadcast %squeeze3A_987 : i32 to vector<16xi32>
      %add3A_989 = arith.constant 80 : i32
      %add3A_990 = vector.broadcast %add3A_989 : i32 to vector<16xi32>
      %add3A_991 = arith.addi %iota3A, %add3A_990 : vector<16xi32>
      %gather3A_992 = tpu.vector_load_idx %arg9[%add3A_991, %broadcast_in_dim3A_985] : memref<128x128xf32, #tpu.memory_space<vmem>>[vector<16xi32>, vector<16xi32>], vector<16xf32>,
      %add3A_993 = arith.constant 80 : i32
      %add3A_994 = vector.broadcast %add3A_993 : i32 to vector<16xi32>
      %add3A_995 = arith.addi %iota3A, %add3A_994 : vector<16xi32>
      %gather3A_996 = tpu.vector_load_idx %arg10[%add3A_995, %broadcast_in_dim3A_988] : memref<128x128xf32, #tpu.memory_space<vmem>>[vector<16xi32>, vector<16xi32>], vector<16xf32>,
      %mul3A_997 = arith.mulf %gather3A_992, %gather3A_996 : vector<16xf32>
      %xor3A_998 = arith.constant 8 : i32
      %xor3A_999 = vector.broadcast %xor3A_998 : i32 to vector<16xi32>
      %xor3A_1000 = arith.xori %iota3A, %xor3A_999 : vector<16xi32>
      %broadcast_in_dim3A_1001 = vector.shape_cast %xor3A_1000 : vector<16xi32> to vector<16x1xi32>
      %gather3A_1002 = vector.shape_cast %broadcast_in_dim3A_1001 : vector<16x1xi32> to vector<16xi32>
      %gather3A_1003 = tpu.dynamic_gather %mul3A_997[%gather3A_1002] in [0] : vector<16xf32>, vector<16xi32> -> vector<16xf32>
      %add3A_1004 = arith.addf %mul3A_997, %gather3A_1003 : vector<16xf32>
      %xor3A_1005 = arith.constant 4 : i32
      %xor3A_1006 = vector.broadcast %xor3A_1005 : i32 to vector<16xi32>
      %xor3A_1007 = arith.xori %iota3A, %xor3A_1006 : vector<16xi32>
      %broadcast_in_dim3A_1008 = vector.shape_cast %xor3A_1007 : vector<16xi32> to vector<16x1xi32>
      %gather3A_1009 = vector.shape_cast %broadcast_in_dim3A_1008 : vector<16x1xi32> to vector<16xi32>
      %gather3A_1010 = tpu.dynamic_gather %add3A_1004[%gather3A_1009] in [0] : vector<16xf32>, vector<16xi32> -> vector<16xf32>
      %add3A_1011 = arith.addf %add3A_1004, %gather3A_1010 : vector<16xf32>
      %xor3A_1012 = arith.constant 2 : i32
      %xor3A_1013 = vector.broadcast %xor3A_1012 : i32 to vector<16xi32>
      %xor3A_1014 = arith.xori %iota3A, %xor3A_1013 : vector<16xi32>
      %broadcast_in_dim3A_1015 = vector.shape_cast %xor3A_1014 : vector<16xi32> to vector<16x1xi32>
      %gather3A_1016 = vector.shape_cast %broadcast_in_dim3A_1015 : vector<16x1xi32> to vector<16xi32>
      %gather3A_1017 = tpu.dynamic_gather %add3A_1011[%gather3A_1016] in [0] : vector<16xf32>, vector<16xi32> -> vector<16xf32>
      %add3A_1018 = arith.addf %add3A_1011, %gather3A_1017 : vector<16xf32>
      %xor3A_1019 = arith.constant 1 : i32
      %xor3A_1020 = vector.broadcast %xor3A_1019 : i32 to vector<16xi32>
      %xor3A_1021 = arith.xori %iota3A, %xor3A_1020 : vector<16xi32>
      %broadcast_in_dim3A_1022 = vector.shape_cast %xor3A_1021 : vector<16xi32> to vector<16x1xi32>
      %gather3A_1023 = vector.shape_cast %broadcast_in_dim3A_1022 : vector<16x1xi32> to vector<16xi32>
      %gather3A_1024 = tpu.dynamic_gather %add3A_1018[%gather3A_1023] in [0] : vector<16xf32>, vector<16xi32> -> vector<16xf32>
      %add3A_1025 = arith.addf %add3A_1018, %gather3A_1024 : vector<16xf32>
      %eq3A_1026 = arith.constant 5 : i32
      %eq3A_1027 = vector.broadcast %eq3A_1026 : i32 to vector<16xi32>
      %eq3A_1028 = arith.cmpi eq, %iota3A, %eq3A_1027 : vector<16xi32>
      %select_n3A_1029 = arith.select %eq3A_1028, %add3A_1025, %select_n3A_982 : vector<16xi1>, vector<16xf32>
      %slice3A_1030 = vector.extract_strided_slice %and3A_747 {offsets = [6], sizes = [1], strides = [1]} : vector<16xi32> to vector<1xi32>
      %squeeze3A_1031 = vector.extract %slice3A_1030[0] : i32 from vector<1xi32>
      %broadcast_in_dim3A_1032 = vector.broadcast %squeeze3A_1031 : i32 to vector<16xi32>
      %slice3A_1033 = vector.extract_strided_slice %and3A_750 {offsets = [6], sizes = [1], strides = [1]} : vector<16xi32> to vector<1xi32>
      %squeeze3A_1034 = vector.extract %slice3A_1033[0] : i32 from vector<1xi32>
      %broadcast_in_dim3A_1035 = vector.broadcast %squeeze3A_1034 : i32 to vector<16xi32>
      %add3A_1036 = arith.constant 96 : i32
      %add3A_1037 = vector.broadcast %add3A_1036 : i32 to vector<16xi32>
      %add3A_1038 = arith.addi %iota3A, %add3A_1037 : vector<16xi32>
      %gather3A_1039 = tpu.vector_load_idx %arg9[%add3A_1038, %broadcast_in_dim3A_1032] : memref<128x128xf32, #tpu.memory_space<vmem>>[vector<16xi32>, vector<16xi32>], vector<16xf32>,
      %add3A_1040 = arith.constant 96 : i32
      %add3A_1041 = vector.broadcast %add3A_1040 : i32 to vector<16xi32>
      %add3A_1042 = arith.addi %iota3A, %add3A_1041 : vector<16xi32>
      %gather3A_1043 = tpu.vector_load_idx %arg10[%add3A_1042, %broadcast_in_dim3A_1035] : memref<128x128xf32, #tpu.memory_space<vmem>>[vector<16xi32>, vector<16xi32>], vector<16xf32>,
      %mul3A_1044 = arith.mulf %gather3A_1039, %gather3A_1043 : vector<16xf32>
      %xor3A_1045 = arith.constant 8 : i32
      %xor3A_1046 = vector.broadcast %xor3A_1045 : i32 to vector<16xi32>
      %xor3A_1047 = arith.xori %iota3A, %xor3A_1046 : vector<16xi32>
      %broadcast_in_dim3A_1048 = vector.shape_cast %xor3A_1047 : vector<16xi32> to vector<16x1xi32>
      %gather3A_1049 = vector.shape_cast %broadcast_in_dim3A_1048 : vector<16x1xi32> to vector<16xi32>
      %gather3A_1050 = tpu.dynamic_gather %mul3A_1044[%gather3A_1049] in [0] : vector<16xf32>, vector<16xi32> -> vector<16xf32>
      %add3A_1051 = arith.addf %mul3A_1044, %gather3A_1050 : vector<16xf32>
      %xor3A_1052 = arith.constant 4 : i32
      %xor3A_1053 = vector.broadcast %xor3A_1052 : i32 to vector<16xi32>
      %xor3A_1054 = arith.xori %iota3A, %xor3A_1053 : vector<16xi32>
      %broadcast_in_dim3A_1055 = vector.shape_cast %xor3A_1054 : vector<16xi32> to vector<16x1xi32>
      %gather3A_1056 = vector.shape_cast %broadcast_in_dim3A_1055 : vector<16x1xi32> to vector<16xi32>
      %gather3A_1057 = tpu.dynamic_gather %add3A_1051[%gather3A_1056] in [0] : vector<16xf32>, vector<16xi32> -> vector<16xf32>
      %add3A_1058 = arith.addf %add3A_1051, %gather3A_1057 : vector<16xf32>
      %xor3A_1059 = arith.constant 2 : i32
      %xor3A_1060 = vector.broadcast %xor3A_1059 : i32 to vector<16xi32>
      %xor3A_1061 = arith.xori %iota3A, %xor3A_1060 : vector<16xi32>
      %broadcast_in_dim3A_1062 = vector.shape_cast %xor3A_1061 : vector<16xi32> to vector<16x1xi32>
      %gather3A_1063 = vector.shape_cast %broadcast_in_dim3A_1062 : vector<16x1xi32> to vector<16xi32>
      %gather3A_1064 = tpu.dynamic_gather %add3A_1058[%gather3A_1063] in [0] : vector<16xf32>, vector<16xi32> -> vector<16xf32>
      %add3A_1065 = arith.addf %add3A_1058, %gather3A_1064 : vector<16xf32>
      %xor3A_1066 = arith.constant 1 : i32
      %xor3A_1067 = vector.broadcast %xor3A_1066 : i32 to vector<16xi32>
      %xor3A_1068 = arith.xori %iota3A, %xor3A_1067 : vector<16xi32>
      %broadcast_in_dim3A_1069 = vector.shape_cast %xor3A_1068 : vector<16xi32> to vector<16x1xi32>
      %gather3A_1070 = vector.shape_cast %broadcast_in_dim3A_1069 : vector<16x1xi32> to vector<16xi32>
      %gather3A_1071 = tpu.dynamic_gather %add3A_1065[%gather3A_1070] in [0] : vector<16xf32>, vector<16xi32> -> vector<16xf32>
      %add3A_1072 = arith.addf %add3A_1065, %gather3A_1071 : vector<16xf32>
      %eq3A_1073 = arith.constant 6 : i32
      %eq3A_1074 = vector.broadcast %eq3A_1073 : i32 to vector<16xi32>
      %eq3A_1075 = arith.cmpi eq, %iota3A, %eq3A_1074 : vector<16xi32>
      %select_n3A_1076 = arith.select %eq3A_1075, %add3A_1072, %select_n3A_1029 : vector<16xi1>, vector<16xf32>
      %slice3A_1077 = vector.extract_strided_slice %and3A_747 {offsets = [7], sizes = [1], strides = [1]} : vector<16xi32> to vector<1xi32>
      %squeeze3A_1078 = vector.extract %slice3A_1077[0] : i32 from vector<1xi32>
      %broadcast_in_dim3A_1079 = vector.broadcast %squeeze3A_1078 : i32 to vector<16xi32>
      %slice3A_1080 = vector.extract_strided_slice %and3A_750 {offsets = [7], sizes = [1], strides = [1]} : vector<16xi32> to vector<1xi32>
      %squeeze3A_1081 = vector.extract %slice3A_1080[0] : i32 from vector<1xi32>
      %broadcast_in_dim3A_1082 = vector.broadcast %squeeze3A_1081 : i32 to vector<16xi32>
      %add3A_1083 = arith.constant 112 : i32
      %add3A_1084 = vector.broadcast %add3A_1083 : i32 to vector<16xi32>
      %add3A_1085 = arith.addi %iota3A, %add3A_1084 : vector<16xi32>
      %gather3A_1086 = tpu.vector_load_idx %arg9[%add3A_1085, %broadcast_in_dim3A_1079] : memref<128x128xf32, #tpu.memory_space<vmem>>[vector<16xi32>, vector<16xi32>], vector<16xf32>,
      %add3A_1087 = arith.constant 112 : i32
      %add3A_1088 = vector.broadcast %add3A_1087 : i32 to vector<16xi32>
      %add3A_1089 = arith.addi %iota3A, %add3A_1088 : vector<16xi32>
      %gather3A_1090 = tpu.vector_load_idx %arg10[%add3A_1089, %broadcast_in_dim3A_1082] : memref<128x128xf32, #tpu.memory_space<vmem>>[vector<16xi32>, vector<16xi32>], vector<16xf32>,
      %mul3A_1091 = arith.mulf %gather3A_1086, %gather3A_1090 : vector<16xf32>
      %xor3A_1092 = arith.constant 8 : i32
      %xor3A_1093 = vector.broadcast %xor3A_1092 : i32 to vector<16xi32>
      %xor3A_1094 = arith.xori %iota3A, %xor3A_1093 : vector<16xi32>
      %broadcast_in_dim3A_1095 = vector.shape_cast %xor3A_1094 : vector<16xi32> to vector<16x1xi32>
      %gather3A_1096 = vector.shape_cast %broadcast_in_dim3A_1095 : vector<16x1xi32> to vector<16xi32>
      %gather3A_1097 = tpu.dynamic_gather %mul3A_1091[%gather3A_1096] in [0] : vector<16xf32>, vector<16xi32> -> vector<16xf32>
      %add3A_1098 = arith.addf %mul3A_1091, %gather3A_1097 : vector<16xf32>
      %xor3A_1099 = arith.constant 4 : i32
      %xor3A_1100 = vector.broadcast %xor3A_1099 : i32 to vector<16xi32>
      %xor3A_1101 = arith.xori %iota3A, %xor3A_1100 : vector<16xi32>
      %broadcast_in_dim3A_1102 = vector.shape_cast %xor3A_1101 : vector<16xi32> to vector<16x1xi32>
      %gather3A_1103 = vector.shape_cast %broadcast_in_dim3A_1102 : vector<16x1xi32> to vector<16xi32>
      %gather3A_1104 = tpu.dynamic_gather %add3A_1098[%gather3A_1103] in [0] : vector<16xf32>, vector<16xi32> -> vector<16xf32>
      %add3A_1105 = arith.addf %add3A_1098, %gather3A_1104 : vector<16xf32>
      %xor3A_1106 = arith.constant 2 : i32
      %xor3A_1107 = vector.broadcast %xor3A_1106 : i32 to vector<16xi32>
      %xor3A_1108 = arith.xori %iota3A, %xor3A_1107 : vector<16xi32>
      %broadcast_in_dim3A_1109 = vector.shape_cast %xor3A_1108 : vector<16xi32> to vector<16x1xi32>
      %gather3A_1110 = vector.shape_cast %broadcast_in_dim3A_1109 : vector<16x1xi32> to vector<16xi32>
      %gather3A_1111 = tpu.dynamic_gather %add3A_1105[%gather3A_1110] in [0] : vector<16xf32>, vector<16xi32> -> vector<16xf32>
      %add3A_1112 = arith.addf %add3A_1105, %gather3A_1111 : vector<16xf32>
      %xor3A_1113 = arith.constant 1 : i32
      %xor3A_1114 = vector.broadcast %xor3A_1113 : i32 to vector<16xi32>
      %xor3A_1115 = arith.xori %iota3A, %xor3A_1114 : vector<16xi32>
      %broadcast_in_dim3A_1116 = vector.shape_cast %xor3A_1115 : vector<16xi32> to vector<16x1xi32>
      %gather3A_1117 = vector.shape_cast %broadcast_in_dim3A_1116 : vector<16x1xi32> to vector<16xi32>
      %gather3A_1118 = tpu.dynamic_gather %add3A_1112[%gather3A_1117] in [0] : vector<16xf32>, vector<16xi32> -> vector<16xf32>
      %add3A_1119 = arith.addf %add3A_1112, %gather3A_1118 : vector<16xf32>
      %eq3A_1120 = arith.constant 7 : i32
      %eq3A_1121 = vector.broadcast %eq3A_1120 : i32 to vector<16xi32>
      %eq3A_1122 = arith.cmpi eq, %iota3A, %eq3A_1121 : vector<16xi32>
      %select_n3A_1123 = arith.select %eq3A_1122, %add3A_1119, %select_n3A_1076 : vector<16xi1>, vector<16xf32>
      %lt3A = arith.constant 31 : i32
      %lt3A_1124 = arith.cmpi slt, %scan3A_272, %lt3A : i32
      %convert_element_type3A = arith.extui %lt3A_1124 : i1 to i32
      %cond3A = arith.constant 0 : i32
      %cond3A_1125 = arith.cmpi ne, %convert_element_type3A, %cond3A : i32
      scf.if %cond3A_1125 {
        %add3A_1724 = arith.constant 1 : i32
        %add3A_1725 = arith.addi %scan3A_272, %add3A_1724 : i32
        %div3A_1726 = arith.constant 8 : i32
        %div3A_1727 = arith.divsi %add3A_1725, %div3A_1726 : i32
        %rem3A_1728 = arith.constant 8 : i32
        %rem3A_1729 = arith.remsi %add3A_1725, %rem3A_1728 : i32
        %mul3A_1730 = arith.constant 16 : i32
        %mul3A_1731 = arith.muli %rem3A_1729, %mul3A_1730 : i32
        %get3A_1732 = arith.index_cast %div3A_1727 : i32 to index
        %get3A_1733 = arith.index_cast %mul3A_1731 : i32 to index
        %get3A_1734 = tpu.vector_load %arg7[%get3A_1732, %get3A_1733] {strides = array<i32>} : memref<4x128xi32, #tpu.memory_space<vmem>>, vector<16xi32>,
        %div3A_1735 = arith.constant 8 : i32
        %div3A_1736 = arith.divsi %add3A_1725, %div3A_1735 : i32
        %rem3A_1737 = arith.constant 8 : i32
        %rem3A_1738 = arith.remsi %add3A_1725, %rem3A_1737 : i32
        %mul3A_1739 = arith.constant 16 : i32
        %mul3A_1740 = arith.muli %rem3A_1738, %mul3A_1739 : i32
        %get3A_1741 = arith.index_cast %div3A_1736 : i32 to index
        %get3A_1742 = arith.index_cast %mul3A_1740 : i32 to index
        %get3A_1743 = tpu.vector_load %arg8[%get3A_1741, %get3A_1742] {strides = array<i32>} : memref<4x128xi32, #tpu.memory_space<vmem>>, vector<16xi32>,
        %shift_right_logical3A_1744 = arith.constant 7 : i32
        %shift_right_logical3A_1745 = vector.broadcast %shift_right_logical3A_1744 : i32 to vector<16xi32>
        %shift_right_logical3A_1746 = arith.shrui %get3A_1734, %shift_right_logical3A_1745 : vector<16xi32>
        %shift_right_logical3A_1747 = arith.constant 7 : i32
        %shift_right_logical3A_1748 = vector.broadcast %shift_right_logical3A_1747 : i32 to vector<16xi32>
        %shift_right_logical3A_1749 = arith.shrui %get3A_1743, %shift_right_logical3A_1748 : vector<16xi32>
        %slice3A_1750 = vector.extract_strided_slice %shift_right_logical3A_1746 {offsets = [0], sizes = [1], strides = [1]} : vector<16xi32> to vector<1xi32>
        %squeeze3A_1751 = vector.extract %slice3A_1750[0] : i32 from vector<1xi32>
        %mul3A_1752 = arith.constant 128 : i32
        %mul3A_1753 = arith.muli %squeeze3A_1751, %mul3A_1752 : i32
        %multiple_of3A_1754 = tpu.assume_multiple %mul3A_1753, 128 : i32
        %slice3A_1755 = vector.extract_strided_slice %shift_right_logical3A_1749 {offsets = [0], sizes = [1], strides = [1]} : vector<16xi32> to vector<1xi32>
        %squeeze3A_1756 = vector.extract %slice3A_1755[0] : i32 from vector<1xi32>
        %mul3A_1757 = arith.constant 128 : i32
        %mul3A_1758 = arith.muli %squeeze3A_1756, %mul3A_1757 : i32
        %multiple_of3A_1759 = tpu.assume_multiple %mul3A_1758, 128 : i32
        %dma_start3A_1760 = arith.constant 0 : i32
        %dma_start3A_1761 = arith.constant 0 : i32
        %dma_start3A_1762 = tpu.memref_slice %arg9[%dma_start3A_1760, %dma_start3A_1761] : memref<128x128xf32, #tpu.memory_space<vmem>> -> memref<16x128xf32, #tpu.memory_space<vmem>>
        %dma_start3A_1763 = arith.constant 0 : i32
        %dma_start3A_1764 = tpu.memref_slice %arg4[%dma_start3A_1763, %multiple_of3A_1754] : memref<16x1000001xf32, #tpu.memory_space<hbm>> -> memref<16x128xf32, #tpu.memory_space<hbm>>
        %dma_start3A_1765 = arith.constant 0 : i32
        %dma_start3A_1766 = arith.constant 0 : i32
        %dma_start3A_1767 = tpu.memref_slice %arg9[%dma_start3A_1765, %dma_start3A_1766] : memref<128x128xf32, #tpu.memory_space<vmem>> -> memref<16x128xf32, #tpu.memory_space<vmem>>
        %dma_start3A_1768 = arith.constant 0 : i32
        %dma_start3A_1769 = tpu.memref_slice %arg4[%dma_start3A_1768, %multiple_of3A_1754] : memref<16x1000001xf32, #tpu.memory_space<hbm>> -> memref<16x128xf32, #tpu.memory_space<hbm>>
        tpu.enqueue_dma source(%dma_start3A_1769 : memref<16x128xf32, #tpu.memory_space<hbm>>) target(%dma_start3A_1767 : memref<16x128xf32, #tpu.memory_space<vmem>>) target_semaphore(%arg14 : memref<!tpu.dma_semaphore, #tpu.memory_space<semaphore_mem>>)
        %dma_start3A_1770 = arith.constant 0 : i32
        %dma_start3A_1771 = arith.constant 0 : i32
        %dma_start3A_1772 = tpu.memref_slice %arg10[%dma_start3A_1770, %dma_start3A_1771] : memref<128x128xf32, #tpu.memory_space<vmem>> -> memref<16x128xf32, #tpu.memory_space<vmem>>
        %dma_start3A_1773 = arith.constant 0 : i32
        %dma_start3A_1774 = tpu.memref_slice %arg5[%dma_start3A_1773, %multiple_of3A_1759] : memref<16x1000001xf32, #tpu.memory_space<hbm>> -> memref<16x128xf32, #tpu.memory_space<hbm>>
        %dma_start3A_1775 = arith.constant 0 : i32
        %dma_start3A_1776 = arith.constant 0 : i32
        %dma_start3A_1777 = tpu.memref_slice %arg10[%dma_start3A_1775, %dma_start3A_1776] : memref<128x128xf32, #tpu.memory_space<vmem>> -> memref<16x128xf32, #tpu.memory_space<vmem>>
        %dma_start3A_1778 = arith.constant 0 : i32
        %dma_start3A_1779 = tpu.memref_slice %arg5[%dma_start3A_1778, %multiple_of3A_1759] : memref<16x1000001xf32, #tpu.memory_space<hbm>> -> memref<16x128xf32, #tpu.memory_space<hbm>>
        tpu.enqueue_dma source(%dma_start3A_1779 : memref<16x128xf32, #tpu.memory_space<hbm>>) target(%dma_start3A_1777 : memref<16x128xf32, #tpu.memory_space<vmem>>) target_semaphore(%arg14 : memref<!tpu.dma_semaphore, #tpu.memory_space<semaphore_mem>>)
        %slice3A_1780 = vector.extract_strided_slice %shift_right_logical3A_1746 {offsets = [1], sizes = [1], strides = [1]} : vector<16xi32> to vector<1xi32>
        %squeeze3A_1781 = vector.extract %slice3A_1780[0] : i32 from vector<1xi32>
        %mul3A_1782 = arith.constant 128 : i32
        %mul3A_1783 = arith.muli %squeeze3A_1781, %mul3A_1782 : i32
        %multiple_of3A_1784 = tpu.assume_multiple %mul3A_1783, 128 : i32
        %slice3A_1785 = vector.extract_strided_slice %shift_right_logical3A_1749 {offsets = [1], sizes = [1], strides = [1]} : vector<16xi32> to vector<1xi32>
        %squeeze3A_1786 = vector.extract %slice3A_1785[0] : i32 from vector<1xi32>
        %mul3A_1787 = arith.constant 128 : i32
        %mul3A_1788 = arith.muli %squeeze3A_1786, %mul3A_1787 : i32
        %multiple_of3A_1789 = tpu.assume_multiple %mul3A_1788, 128 : i32
        %dma_start3A_1790 = arith.constant 16 : i32
        %dma_start3A_1791 = arith.constant 0 : i32
        %dma_start3A_1792 = tpu.memref_slice %arg9[%dma_start3A_1790, %dma_start3A_1791] : memref<128x128xf32, #tpu.memory_space<vmem>> -> memref<16x128xf32, #tpu.memory_space<vmem>>
        %dma_start3A_1793 = arith.constant 0 : i32
        %dma_start3A_1794 = tpu.memref_slice %arg4[%dma_start3A_1793, %multiple_of3A_1784] : memref<16x1000001xf32, #tpu.memory_space<hbm>> -> memref<16x128xf32, #tpu.memory_space<hbm>>
        %dma_start3A_1795 = arith.constant 16 : i32
        %dma_start3A_1796 = arith.constant 0 : i32
        %dma_start3A_1797 = tpu.memref_slice %arg9[%dma_start3A_1795, %dma_start3A_1796] : memref<128x128xf32, #tpu.memory_space<vmem>> -> memref<16x128xf32, #tpu.memory_space<vmem>>
        %dma_start3A_1798 = arith.constant 0 : i32
        %dma_start3A_1799 = tpu.memref_slice %arg4[%dma_start3A_1798, %multiple_of3A_1784] : memref<16x1000001xf32, #tpu.memory_space<hbm>> -> memref<16x128xf32, #tpu.memory_space<hbm>>
        tpu.enqueue_dma source(%dma_start3A_1799 : memref<16x128xf32, #tpu.memory_space<hbm>>) target(%dma_start3A_1797 : memref<16x128xf32, #tpu.memory_space<vmem>>) target_semaphore(%arg14 : memref<!tpu.dma_semaphore, #tpu.memory_space<semaphore_mem>>)
        %dma_start3A_1800 = arith.constant 16 : i32
        %dma_start3A_1801 = arith.constant 0 : i32
        %dma_start3A_1802 = tpu.memref_slice %arg10[%dma_start3A_1800, %dma_start3A_1801] : memref<128x128xf32, #tpu.memory_space<vmem>> -> memref<16x128xf32, #tpu.memory_space<vmem>>
        %dma_start3A_1803 = arith.constant 0 : i32
        %dma_start3A_1804 = tpu.memref_slice %arg5[%dma_start3A_1803, %multiple_of3A_1789] : memref<16x1000001xf32, #tpu.memory_space<hbm>> -> memref<16x128xf32, #tpu.memory_space<hbm>>
        %dma_start3A_1805 = arith.constant 16 : i32
        %dma_start3A_1806 = arith.constant 0 : i32
        %dma_start3A_1807 = tpu.memref_slice %arg10[%dma_start3A_1805, %dma_start3A_1806] : memref<128x128xf32, #tpu.memory_space<vmem>> -> memref<16x128xf32, #tpu.memory_space<vmem>>
        %dma_start3A_1808 = arith.constant 0 : i32
        %dma_start3A_1809 = tpu.memref_slice %arg5[%dma_start3A_1808, %multiple_of3A_1789] : memref<16x1000001xf32, #tpu.memory_space<hbm>> -> memref<16x128xf32, #tpu.memory_space<hbm>>
        tpu.enqueue_dma source(%dma_start3A_1809 : memref<16x128xf32, #tpu.memory_space<hbm>>) target(%dma_start3A_1807 : memref<16x128xf32, #tpu.memory_space<vmem>>) target_semaphore(%arg14 : memref<!tpu.dma_semaphore, #tpu.memory_space<semaphore_mem>>)
        %slice3A_1810 = vector.extract_strided_slice %shift_right_logical3A_1746 {offsets = [2], sizes = [1], strides = [1]} : vector<16xi32> to vector<1xi32>
        %squeeze3A_1811 = vector.extract %slice3A_1810[0] : i32 from vector<1xi32>
        %mul3A_1812 = arith.constant 128 : i32
        %mul3A_1813 = arith.muli %squeeze3A_1811, %mul3A_1812 : i32
        %multiple_of3A_1814 = tpu.assume_multiple %mul3A_1813, 128 : i32
        %slice3A_1815 = vector.extract_strided_slice %shift_right_logical3A_1749 {offsets = [2], sizes = [1], strides = [1]} : vector<16xi32> to vector<1xi32>
        %squeeze3A_1816 = vector.extract %slice3A_1815[0] : i32 from vector<1xi32>
        %mul3A_1817 = arith.constant 128 : i32
        %mul3A_1818 = arith.muli %squeeze3A_1816, %mul3A_1817 : i32
        %multiple_of3A_1819 = tpu.assume_multiple %mul3A_1818, 128 : i32
        %dma_start3A_1820 = arith.constant 32 : i32
        %dma_start3A_1821 = arith.constant 0 : i32
        %dma_start3A_1822 = tpu.memref_slice %arg9[%dma_start3A_1820, %dma_start3A_1821] : memref<128x128xf32, #tpu.memory_space<vmem>> -> memref<16x128xf32, #tpu.memory_space<vmem>>
        %dma_start3A_1823 = arith.constant 0 : i32
        %dma_start3A_1824 = tpu.memref_slice %arg4[%dma_start3A_1823, %multiple_of3A_1814] : memref<16x1000001xf32, #tpu.memory_space<hbm>> -> memref<16x128xf32, #tpu.memory_space<hbm>>
        %dma_start3A_1825 = arith.constant 32 : i32
        %dma_start3A_1826 = arith.constant 0 : i32
        %dma_start3A_1827 = tpu.memref_slice %arg9[%dma_start3A_1825, %dma_start3A_1826] : memref<128x128xf32, #tpu.memory_space<vmem>> -> memref<16x128xf32, #tpu.memory_space<vmem>>
        %dma_start3A_1828 = arith.constant 0 : i32
        %dma_start3A_1829 = tpu.memref_slice %arg4[%dma_start3A_1828, %multiple_of3A_1814] : memref<16x1000001xf32, #tpu.memory_space<hbm>> -> memref<16x128xf32, #tpu.memory_space<hbm>>
        tpu.enqueue_dma source(%dma_start3A_1829 : memref<16x128xf32, #tpu.memory_space<hbm>>) target(%dma_start3A_1827 : memref<16x128xf32, #tpu.memory_space<vmem>>) target_semaphore(%arg14 : memref<!tpu.dma_semaphore, #tpu.memory_space<semaphore_mem>>)
        %dma_start3A_1830 = arith.constant 32 : i32
        %dma_start3A_1831 = arith.constant 0 : i32
        %dma_start3A_1832 = tpu.memref_slice %arg10[%dma_start3A_1830, %dma_start3A_1831] : memref<128x128xf32, #tpu.memory_space<vmem>> -> memref<16x128xf32, #tpu.memory_space<vmem>>
        %dma_start3A_1833 = arith.constant 0 : i32
        %dma_start3A_1834 = tpu.memref_slice %arg5[%dma_start3A_1833, %multiple_of3A_1819] : memref<16x1000001xf32, #tpu.memory_space<hbm>> -> memref<16x128xf32, #tpu.memory_space<hbm>>
        %dma_start3A_1835 = arith.constant 32 : i32
        %dma_start3A_1836 = arith.constant 0 : i32
        %dma_start3A_1837 = tpu.memref_slice %arg10[%dma_start3A_1835, %dma_start3A_1836] : memref<128x128xf32, #tpu.memory_space<vmem>> -> memref<16x128xf32, #tpu.memory_space<vmem>>
        %dma_start3A_1838 = arith.constant 0 : i32
        %dma_start3A_1839 = tpu.memref_slice %arg5[%dma_start3A_1838, %multiple_of3A_1819] : memref<16x1000001xf32, #tpu.memory_space<hbm>> -> memref<16x128xf32, #tpu.memory_space<hbm>>
        tpu.enqueue_dma source(%dma_start3A_1839 : memref<16x128xf32, #tpu.memory_space<hbm>>) target(%dma_start3A_1837 : memref<16x128xf32, #tpu.memory_space<vmem>>) target_semaphore(%arg14 : memref<!tpu.dma_semaphore, #tpu.memory_space<semaphore_mem>>)
        %slice3A_1840 = vector.extract_strided_slice %shift_right_logical3A_1746 {offsets = [3], sizes = [1], strides = [1]} : vector<16xi32> to vector<1xi32>
        %squeeze3A_1841 = vector.extract %slice3A_1840[0] : i32 from vector<1xi32>
        %mul3A_1842 = arith.constant 128 : i32
        %mul3A_1843 = arith.muli %squeeze3A_1841, %mul3A_1842 : i32
        %multiple_of3A_1844 = tpu.assume_multiple %mul3A_1843, 128 : i32
        %slice3A_1845 = vector.extract_strided_slice %shift_right_logical3A_1749 {offsets = [3], sizes = [1], strides = [1]} : vector<16xi32> to vector<1xi32>
        %squeeze3A_1846 = vector.extract %slice3A_1845[0] : i32 from vector<1xi32>
        %mul3A_1847 = arith.constant 128 : i32
        %mul3A_1848 = arith.muli %squeeze3A_1846, %mul3A_1847 : i32
        %multiple_of3A_1849 = tpu.assume_multiple %mul3A_1848, 128 : i32
        %dma_start3A_1850 = arith.constant 48 : i32
        %dma_start3A_1851 = arith.constant 0 : i32
        %dma_start3A_1852 = tpu.memref_slice %arg9[%dma_start3A_1850, %dma_start3A_1851] : memref<128x128xf32, #tpu.memory_space<vmem>> -> memref<16x128xf32, #tpu.memory_space<vmem>>
        %dma_start3A_1853 = arith.constant 0 : i32
        %dma_start3A_1854 = tpu.memref_slice %arg4[%dma_start3A_1853, %multiple_of3A_1844] : memref<16x1000001xf32, #tpu.memory_space<hbm>> -> memref<16x128xf32, #tpu.memory_space<hbm>>
        %dma_start3A_1855 = arith.constant 48 : i32
        %dma_start3A_1856 = arith.constant 0 : i32
        %dma_start3A_1857 = tpu.memref_slice %arg9[%dma_start3A_1855, %dma_start3A_1856] : memref<128x128xf32, #tpu.memory_space<vmem>> -> memref<16x128xf32, #tpu.memory_space<vmem>>
        %dma_start3A_1858 = arith.constant 0 : i32
        %dma_start3A_1859 = tpu.memref_slice %arg4[%dma_start3A_1858, %multiple_of3A_1844] : memref<16x1000001xf32, #tpu.memory_space<hbm>> -> memref<16x128xf32, #tpu.memory_space<hbm>>
        tpu.enqueue_dma source(%dma_start3A_1859 : memref<16x128xf32, #tpu.memory_space<hbm>>) target(%dma_start3A_1857 : memref<16x128xf32, #tpu.memory_space<vmem>>) target_semaphore(%arg14 : memref<!tpu.dma_semaphore, #tpu.memory_space<semaphore_mem>>)
        %dma_start3A_1860 = arith.constant 48 : i32
        %dma_start3A_1861 = arith.constant 0 : i32
        %dma_start3A_1862 = tpu.memref_slice %arg10[%dma_start3A_1860, %dma_start3A_1861] : memref<128x128xf32, #tpu.memory_space<vmem>> -> memref<16x128xf32, #tpu.memory_space<vmem>>
        %dma_start3A_1863 = arith.constant 0 : i32
        %dma_start3A_1864 = tpu.memref_slice %arg5[%dma_start3A_1863, %multiple_of3A_1849] : memref<16x1000001xf32, #tpu.memory_space<hbm>> -> memref<16x128xf32, #tpu.memory_space<hbm>>
        %dma_start3A_1865 = arith.constant 48 : i32
        %dma_start3A_1866 = arith.constant 0 : i32
        %dma_start3A_1867 = tpu.memref_slice %arg10[%dma_start3A_1865, %dma_start3A_1866] : memref<128x128xf32, #tpu.memory_space<vmem>> -> memref<16x128xf32, #tpu.memory_space<vmem>>
        %dma_start3A_1868 = arith.constant 0 : i32
        %dma_start3A_1869 = tpu.memref_slice %arg5[%dma_start3A_1868, %multiple_of3A_1849] : memref<16x1000001xf32, #tpu.memory_space<hbm>> -> memref<16x128xf32, #tpu.memory_space<hbm>>
        tpu.enqueue_dma source(%dma_start3A_1869 : memref<16x128xf32, #tpu.memory_space<hbm>>) target(%dma_start3A_1867 : memref<16x128xf32, #tpu.memory_space<vmem>>) target_semaphore(%arg14 : memref<!tpu.dma_semaphore, #tpu.memory_space<semaphore_mem>>)
        %slice3A_1870 = vector.extract_strided_slice %shift_right_logical3A_1746 {offsets = [4], sizes = [1], strides = [1]} : vector<16xi32> to vector<1xi32>
        %squeeze3A_1871 = vector.extract %slice3A_1870[0] : i32 from vector<1xi32>
        %mul3A_1872 = arith.constant 128 : i32
        %mul3A_1873 = arith.muli %squeeze3A_1871, %mul3A_1872 : i32
        %multiple_of3A_1874 = tpu.assume_multiple %mul3A_1873, 128 : i32
        %slice3A_1875 = vector.extract_strided_slice %shift_right_logical3A_1749 {offsets = [4], sizes = [1], strides = [1]} : vector<16xi32> to vector<1xi32>
        %squeeze3A_1876 = vector.extract %slice3A_1875[0] : i32 from vector<1xi32>
        %mul3A_1877 = arith.constant 128 : i32
        %mul3A_1878 = arith.muli %squeeze3A_1876, %mul3A_1877 : i32
        %multiple_of3A_1879 = tpu.assume_multiple %mul3A_1878, 128 : i32
        %dma_start3A_1880 = arith.constant 64 : i32
        %dma_start3A_1881 = arith.constant 0 : i32
        %dma_start3A_1882 = tpu.memref_slice %arg9[%dma_start3A_1880, %dma_start3A_1881] : memref<128x128xf32, #tpu.memory_space<vmem>> -> memref<16x128xf32, #tpu.memory_space<vmem>>
        %dma_start3A_1883 = arith.constant 0 : i32
        %dma_start3A_1884 = tpu.memref_slice %arg4[%dma_start3A_1883, %multiple_of3A_1874] : memref<16x1000001xf32, #tpu.memory_space<hbm>> -> memref<16x128xf32, #tpu.memory_space<hbm>>
        %dma_start3A_1885 = arith.constant 64 : i32
        %dma_start3A_1886 = arith.constant 0 : i32
        %dma_start3A_1887 = tpu.memref_slice %arg9[%dma_start3A_1885, %dma_start3A_1886] : memref<128x128xf32, #tpu.memory_space<vmem>> -> memref<16x128xf32, #tpu.memory_space<vmem>>
        %dma_start3A_1888 = arith.constant 0 : i32
        %dma_start3A_1889 = tpu.memref_slice %arg4[%dma_start3A_1888, %multiple_of3A_1874] : memref<16x1000001xf32, #tpu.memory_space<hbm>> -> memref<16x128xf32, #tpu.memory_space<hbm>>
        tpu.enqueue_dma source(%dma_start3A_1889 : memref<16x128xf32, #tpu.memory_space<hbm>>) target(%dma_start3A_1887 : memref<16x128xf32, #tpu.memory_space<vmem>>) target_semaphore(%arg14 : memref<!tpu.dma_semaphore, #tpu.memory_space<semaphore_mem>>)
        %dma_start3A_1890 = arith.constant 64 : i32
        %dma_start3A_1891 = arith.constant 0 : i32
        %dma_start3A_1892 = tpu.memref_slice %arg10[%dma_start3A_1890, %dma_start3A_1891] : memref<128x128xf32, #tpu.memory_space<vmem>> -> memref<16x128xf32, #tpu.memory_space<vmem>>
        %dma_start3A_1893 = arith.constant 0 : i32
        %dma_start3A_1894 = tpu.memref_slice %arg5[%dma_start3A_1893, %multiple_of3A_1879] : memref<16x1000001xf32, #tpu.memory_space<hbm>> -> memref<16x128xf32, #tpu.memory_space<hbm>>
        %dma_start3A_1895 = arith.constant 64 : i32
        %dma_start3A_1896 = arith.constant 0 : i32
        %dma_start3A_1897 = tpu.memref_slice %arg10[%dma_start3A_1895, %dma_start3A_1896] : memref<128x128xf32, #tpu.memory_space<vmem>> -> memref<16x128xf32, #tpu.memory_space<vmem>>
        %dma_start3A_1898 = arith.constant 0 : i32
        %dma_start3A_1899 = tpu.memref_slice %arg5[%dma_start3A_1898, %multiple_of3A_1879] : memref<16x1000001xf32, #tpu.memory_space<hbm>> -> memref<16x128xf32, #tpu.memory_space<hbm>>
        tpu.enqueue_dma source(%dma_start3A_1899 : memref<16x128xf32, #tpu.memory_space<hbm>>) target(%dma_start3A_1897 : memref<16x128xf32, #tpu.memory_space<vmem>>) target_semaphore(%arg14 : memref<!tpu.dma_semaphore, #tpu.memory_space<semaphore_mem>>)
        %slice3A_1900 = vector.extract_strided_slice %shift_right_logical3A_1746 {offsets = [5], sizes = [1], strides = [1]} : vector<16xi32> to vector<1xi32>
        %squeeze3A_1901 = vector.extract %slice3A_1900[0] : i32 from vector<1xi32>
        %mul3A_1902 = arith.constant 128 : i32
        %mul3A_1903 = arith.muli %squeeze3A_1901, %mul3A_1902 : i32
        %multiple_of3A_1904 = tpu.assume_multiple %mul3A_1903, 128 : i32
        %slice3A_1905 = vector.extract_strided_slice %shift_right_logical3A_1749 {offsets = [5], sizes = [1], strides = [1]} : vector<16xi32> to vector<1xi32>
        %squeeze3A_1906 = vector.extract %slice3A_1905[0] : i32 from vector<1xi32>
        %mul3A_1907 = arith.constant 128 : i32
        %mul3A_1908 = arith.muli %squeeze3A_1906, %mul3A_1907 : i32
        %multiple_of3A_1909 = tpu.assume_multiple %mul3A_1908, 128 : i32
        %dma_start3A_1910 = arith.constant 80 : i32
        %dma_start3A_1911 = arith.constant 0 : i32
        %dma_start3A_1912 = tpu.memref_slice %arg9[%dma_start3A_1910, %dma_start3A_1911] : memref<128x128xf32, #tpu.memory_space<vmem>> -> memref<16x128xf32, #tpu.memory_space<vmem>>
        %dma_start3A_1913 = arith.constant 0 : i32
        %dma_start3A_1914 = tpu.memref_slice %arg4[%dma_start3A_1913, %multiple_of3A_1904] : memref<16x1000001xf32, #tpu.memory_space<hbm>> -> memref<16x128xf32, #tpu.memory_space<hbm>>
        %dma_start3A_1915 = arith.constant 80 : i32
        %dma_start3A_1916 = arith.constant 0 : i32
        %dma_start3A_1917 = tpu.memref_slice %arg9[%dma_start3A_1915, %dma_start3A_1916] : memref<128x128xf32, #tpu.memory_space<vmem>> -> memref<16x128xf32, #tpu.memory_space<vmem>>
        %dma_start3A_1918 = arith.constant 0 : i32
        %dma_start3A_1919 = tpu.memref_slice %arg4[%dma_start3A_1918, %multiple_of3A_1904] : memref<16x1000001xf32, #tpu.memory_space<hbm>> -> memref<16x128xf32, #tpu.memory_space<hbm>>
        tpu.enqueue_dma source(%dma_start3A_1919 : memref<16x128xf32, #tpu.memory_space<hbm>>) target(%dma_start3A_1917 : memref<16x128xf32, #tpu.memory_space<vmem>>) target_semaphore(%arg14 : memref<!tpu.dma_semaphore, #tpu.memory_space<semaphore_mem>>)
        %dma_start3A_1920 = arith.constant 80 : i32
        %dma_start3A_1921 = arith.constant 0 : i32
        %dma_start3A_1922 = tpu.memref_slice %arg10[%dma_start3A_1920, %dma_start3A_1921] : memref<128x128xf32, #tpu.memory_space<vmem>> -> memref<16x128xf32, #tpu.memory_space<vmem>>
        %dma_start3A_1923 = arith.constant 0 : i32
        %dma_start3A_1924 = tpu.memref_slice %arg5[%dma_start3A_1923, %multiple_of3A_1909] : memref<16x1000001xf32, #tpu.memory_space<hbm>> -> memref<16x128xf32, #tpu.memory_space<hbm>>
        %dma_start3A_1925 = arith.constant 80 : i32
        %dma_start3A_1926 = arith.constant 0 : i32
        %dma_start3A_1927 = tpu.memref_slice %arg10[%dma_start3A_1925, %dma_start3A_1926] : memref<128x128xf32, #tpu.memory_space<vmem>> -> memref<16x128xf32, #tpu.memory_space<vmem>>
        %dma_start3A_1928 = arith.constant 0 : i32
        %dma_start3A_1929 = tpu.memref_slice %arg5[%dma_start3A_1928, %multiple_of3A_1909] : memref<16x1000001xf32, #tpu.memory_space<hbm>> -> memref<16x128xf32, #tpu.memory_space<hbm>>
        tpu.enqueue_dma source(%dma_start3A_1929 : memref<16x128xf32, #tpu.memory_space<hbm>>) target(%dma_start3A_1927 : memref<16x128xf32, #tpu.memory_space<vmem>>) target_semaphore(%arg14 : memref<!tpu.dma_semaphore, #tpu.memory_space<semaphore_mem>>)
        %slice3A_1930 = vector.extract_strided_slice %shift_right_logical3A_1746 {offsets = [6], sizes = [1], strides = [1]} : vector<16xi32> to vector<1xi32>
        %squeeze3A_1931 = vector.extract %slice3A_1930[0] : i32 from vector<1xi32>
        %mul3A_1932 = arith.constant 128 : i32
        %mul3A_1933 = arith.muli %squeeze3A_1931, %mul3A_1932 : i32
        %multiple_of3A_1934 = tpu.assume_multiple %mul3A_1933, 128 : i32
        %slice3A_1935 = vector.extract_strided_slice %shift_right_logical3A_1749 {offsets = [6], sizes = [1], strides = [1]} : vector<16xi32> to vector<1xi32>
        %squeeze3A_1936 = vector.extract %slice3A_1935[0] : i32 from vector<1xi32>
        %mul3A_1937 = arith.constant 128 : i32
        %mul3A_1938 = arith.muli %squeeze3A_1936, %mul3A_1937 : i32
        %multiple_of3A_1939 = tpu.assume_multiple %mul3A_1938, 128 : i32
        %dma_start3A_1940 = arith.constant 96 : i32
        %dma_start3A_1941 = arith.constant 0 : i32
        %dma_start3A_1942 = tpu.memref_slice %arg9[%dma_start3A_1940, %dma_start3A_1941] : memref<128x128xf32, #tpu.memory_space<vmem>> -> memref<16x128xf32, #tpu.memory_space<vmem>>
        %dma_start3A_1943 = arith.constant 0 : i32
        %dma_start3A_1944 = tpu.memref_slice %arg4[%dma_start3A_1943, %multiple_of3A_1934] : memref<16x1000001xf32, #tpu.memory_space<hbm>> -> memref<16x128xf32, #tpu.memory_space<hbm>>
        %dma_start3A_1945 = arith.constant 96 : i32
        %dma_start3A_1946 = arith.constant 0 : i32
        %dma_start3A_1947 = tpu.memref_slice %arg9[%dma_start3A_1945, %dma_start3A_1946] : memref<128x128xf32, #tpu.memory_space<vmem>> -> memref<16x128xf32, #tpu.memory_space<vmem>>
        %dma_start3A_1948 = arith.constant 0 : i32
        %dma_start3A_1949 = tpu.memref_slice %arg4[%dma_start3A_1948, %multiple_of3A_1934] : memref<16x1000001xf32, #tpu.memory_space<hbm>> -> memref<16x128xf32, #tpu.memory_space<hbm>>
        tpu.enqueue_dma source(%dma_start3A_1949 : memref<16x128xf32, #tpu.memory_space<hbm>>) target(%dma_start3A_1947 : memref<16x128xf32, #tpu.memory_space<vmem>>) target_semaphore(%arg14 : memref<!tpu.dma_semaphore, #tpu.memory_space<semaphore_mem>>)
        %dma_start3A_1950 = arith.constant 96 : i32
        %dma_start3A_1951 = arith.constant 0 : i32
        %dma_start3A_1952 = tpu.memref_slice %arg10[%dma_start3A_1950, %dma_start3A_1951] : memref<128x128xf32, #tpu.memory_space<vmem>> -> memref<16x128xf32, #tpu.memory_space<vmem>>
        %dma_start3A_1953 = arith.constant 0 : i32
        %dma_start3A_1954 = tpu.memref_slice %arg5[%dma_start3A_1953, %multiple_of3A_1939] : memref<16x1000001xf32, #tpu.memory_space<hbm>> -> memref<16x128xf32, #tpu.memory_space<hbm>>
        %dma_start3A_1955 = arith.constant 96 : i32
        %dma_start3A_1956 = arith.constant 0 : i32
        %dma_start3A_1957 = tpu.memref_slice %arg10[%dma_start3A_1955, %dma_start3A_1956] : memref<128x128xf32, #tpu.memory_space<vmem>> -> memref<16x128xf32, #tpu.memory_space<vmem>>
        %dma_start3A_1958 = arith.constant 0 : i32
        %dma_start3A_1959 = tpu.memref_slice %arg5[%dma_start3A_1958, %multiple_of3A_1939] : memref<16x1000001xf32, #tpu.memory_space<hbm>> -> memref<16x128xf32, #tpu.memory_space<hbm>>
        tpu.enqueue_dma source(%dma_start3A_1959 : memref<16x128xf32, #tpu.memory_space<hbm>>) target(%dma_start3A_1957 : memref<16x128xf32, #tpu.memory_space<vmem>>) target_semaphore(%arg14 : memref<!tpu.dma_semaphore, #tpu.memory_space<semaphore_mem>>)
        %slice3A_1960 = vector.extract_strided_slice %shift_right_logical3A_1746 {offsets = [7], sizes = [1], strides = [1]} : vector<16xi32> to vector<1xi32>
        %squeeze3A_1961 = vector.extract %slice3A_1960[0] : i32 from vector<1xi32>
        %mul3A_1962 = arith.constant 128 : i32
        %mul3A_1963 = arith.muli %squeeze3A_1961, %mul3A_1962 : i32
        %multiple_of3A_1964 = tpu.assume_multiple %mul3A_1963, 128 : i32
        %slice3A_1965 = vector.extract_strided_slice %shift_right_logical3A_1749 {offsets = [7], sizes = [1], strides = [1]} : vector<16xi32> to vector<1xi32>
        %squeeze3A_1966 = vector.extract %slice3A_1965[0] : i32 from vector<1xi32>
        %mul3A_1967 = arith.constant 128 : i32
        %mul3A_1968 = arith.muli %squeeze3A_1966, %mul3A_1967 : i32
        %multiple_of3A_1969 = tpu.assume_multiple %mul3A_1968, 128 : i32
        %dma_start3A_1970 = arith.constant 112 : i32
        %dma_start3A_1971 = arith.constant 0 : i32
        %dma_start3A_1972 = tpu.memref_slice %arg9[%dma_start3A_1970, %dma_start3A_1971] : memref<128x128xf32, #tpu.memory_space<vmem>> -> memref<16x128xf32, #tpu.memory_space<vmem>>
        %dma_start3A_1973 = arith.constant 0 : i32
        %dma_start3A_1974 = tpu.memref_slice %arg4[%dma_start3A_1973, %multiple_of3A_1964] : memref<16x1000001xf32, #tpu.memory_space<hbm>> -> memref<16x128xf32, #tpu.memory_space<hbm>>
        %dma_start3A_1975 = arith.constant 112 : i32
        %dma_start3A_1976 = arith.constant 0 : i32
        %dma_start3A_1977 = tpu.memref_slice %arg9[%dma_start3A_1975, %dma_start3A_1976] : memref<128x128xf32, #tpu.memory_space<vmem>> -> memref<16x128xf32, #tpu.memory_space<vmem>>
        %dma_start3A_1978 = arith.constant 0 : i32
        %dma_start3A_1979 = tpu.memref_slice %arg4[%dma_start3A_1978, %multiple_of3A_1964] : memref<16x1000001xf32, #tpu.memory_space<hbm>> -> memref<16x128xf32, #tpu.memory_space<hbm>>
        tpu.enqueue_dma source(%dma_start3A_1979 : memref<16x128xf32, #tpu.memory_space<hbm>>) target(%dma_start3A_1977 : memref<16x128xf32, #tpu.memory_space<vmem>>) target_semaphore(%arg14 : memref<!tpu.dma_semaphore, #tpu.memory_space<semaphore_mem>>)
        %dma_start3A_1980 = arith.constant 112 : i32
        %dma_start3A_1981 = arith.constant 0 : i32
        %dma_start3A_1982 = tpu.memref_slice %arg10[%dma_start3A_1980, %dma_start3A_1981] : memref<128x128xf32, #tpu.memory_space<vmem>> -> memref<16x128xf32, #tpu.memory_space<vmem>>
        %dma_start3A_1983 = arith.constant 0 : i32
        %dma_start3A_1984 = tpu.memref_slice %arg5[%dma_start3A_1983, %multiple_of3A_1969] : memref<16x1000001xf32, #tpu.memory_space<hbm>> -> memref<16x128xf32, #tpu.memory_space<hbm>>
        %dma_start3A_1985 = arith.constant 112 : i32
        %dma_start3A_1986 = arith.constant 0 : i32
        %dma_start3A_1987 = tpu.memref_slice %arg10[%dma_start3A_1985, %dma_start3A_1986] : memref<128x128xf32, #tpu.memory_space<vmem>> -> memref<16x128xf32, #tpu.memory_space<vmem>>
        %dma_start3A_1988 = arith.constant 0 : i32
        %dma_start3A_1989 = tpu.memref_slice %arg5[%dma_start3A_1988, %multiple_of3A_1969] : memref<16x1000001xf32, #tpu.memory_space<hbm>> -> memref<16x128xf32, #tpu.memory_space<hbm>>
        tpu.enqueue_dma source(%dma_start3A_1989 : memref<16x128xf32, #tpu.memory_space<hbm>>) target(%dma_start3A_1987 : memref<16x128xf32, #tpu.memory_space<vmem>>) target_semaphore(%arg14 : memref<!tpu.dma_semaphore, #tpu.memory_space<semaphore_mem>>)
      } else {
      }
      %dma_wait3A_1126 = arith.constant 0 : i32
      %dma_wait3A_1127 = arith.constant 0 : i32
      %dma_wait3A_1128 = tpu.memref_slice %arg11[%dma_wait3A_1126, %dma_wait3A_1127] : memref<128x128xf32, #tpu.memory_space<vmem>> -> memref<16x128xf32, #tpu.memory_space<vmem>>
      %dma_wait3A_1129 = arith.constant 0 : i32
      %dma_wait3A_1130 = arith.constant 0 : i32
      %dma_wait3A_1131 = tpu.memref_slice %arg4[%dma_wait3A_1129, %dma_wait3A_1130] : memref<16x1000001xf32, #tpu.memory_space<hbm>> -> memref<16x128xf32, #tpu.memory_space<hbm>>
      %dma_wait3A_1132 = arith.constant 0 : i32
      %dma_wait3A_1133 = arith.constant 0 : i32
      %dma_wait3A_1134 = tpu.memref_slice %arg11[%dma_wait3A_1132, %dma_wait3A_1133] : memref<128x128xf32, #tpu.memory_space<vmem>> -> memref<16x128xf32, #tpu.memory_space<vmem>>
      %dma_wait3A_1135 = arith.constant 0 : i32
      %dma_wait3A_1136 = arith.constant 0 : i32
      %dma_wait3A_1137 = tpu.memref_slice %arg4[%dma_wait3A_1135, %dma_wait3A_1136] : memref<16x1000001xf32, #tpu.memory_space<hbm>> -> memref<16x128xf32, #tpu.memory_space<hbm>>
      tpu.wait_dma2 semaphore(%arg15 : memref<!tpu.dma_semaphore, #tpu.memory_space<semaphore_mem>>) src(%dma_wait3A_1137 : memref<16x128xf32, #tpu.memory_space<hbm>>) dst(%dma_wait3A_1134 : memref<16x128xf32, #tpu.memory_space<vmem>>)
      %dma_wait3A_1138 = arith.constant 0 : i32
      %dma_wait3A_1139 = arith.constant 0 : i32
      %dma_wait3A_1140 = tpu.memref_slice %arg12[%dma_wait3A_1138, %dma_wait3A_1139] : memref<128x128xf32, #tpu.memory_space<vmem>> -> memref<16x128xf32, #tpu.memory_space<vmem>>
      %dma_wait3A_1141 = arith.constant 0 : i32
      %dma_wait3A_1142 = arith.constant 0 : i32
      %dma_wait3A_1143 = tpu.memref_slice %arg5[%dma_wait3A_1141, %dma_wait3A_1142] : memref<16x1000001xf32, #tpu.memory_space<hbm>> -> memref<16x128xf32, #tpu.memory_space<hbm>>
      %dma_wait3A_1144 = arith.constant 0 : i32
      %dma_wait3A_1145 = arith.constant 0 : i32
      %dma_wait3A_1146 = tpu.memref_slice %arg12[%dma_wait3A_1144, %dma_wait3A_1145] : memref<128x128xf32, #tpu.memory_space<vmem>> -> memref<16x128xf32, #tpu.memory_space<vmem>>
      %dma_wait3A_1147 = arith.constant 0 : i32
      %dma_wait3A_1148 = arith.constant 0 : i32
      %dma_wait3A_1149 = tpu.memref_slice %arg5[%dma_wait3A_1147, %dma_wait3A_1148] : memref<16x1000001xf32, #tpu.memory_space<hbm>> -> memref<16x128xf32, #tpu.memory_space<hbm>>
      tpu.wait_dma2 semaphore(%arg15 : memref<!tpu.dma_semaphore, #tpu.memory_space<semaphore_mem>>) src(%dma_wait3A_1149 : memref<16x128xf32, #tpu.memory_space<hbm>>) dst(%dma_wait3A_1146 : memref<16x128xf32, #tpu.memory_space<vmem>>)
      %dma_wait3A_1150 = arith.constant 16 : i32
      %dma_wait3A_1151 = arith.constant 0 : i32
      %dma_wait3A_1152 = tpu.memref_slice %arg11[%dma_wait3A_1150, %dma_wait3A_1151] : memref<128x128xf32, #tpu.memory_space<vmem>> -> memref<16x128xf32, #tpu.memory_space<vmem>>
      %dma_wait3A_1153 = arith.constant 0 : i32
      %dma_wait3A_1154 = arith.constant 0 : i32
      %dma_wait3A_1155 = tpu.memref_slice %arg4[%dma_wait3A_1153, %dma_wait3A_1154] : memref<16x1000001xf32, #tpu.memory_space<hbm>> -> memref<16x128xf32, #tpu.memory_space<hbm>>
      %dma_wait3A_1156 = arith.constant 16 : i32
      %dma_wait3A_1157 = arith.constant 0 : i32
      %dma_wait3A_1158 = tpu.memref_slice %arg11[%dma_wait3A_1156, %dma_wait3A_1157] : memref<128x128xf32, #tpu.memory_space<vmem>> -> memref<16x128xf32, #tpu.memory_space<vmem>>
      %dma_wait3A_1159 = arith.constant 0 : i32
      %dma_wait3A_1160 = arith.constant 0 : i32
      %dma_wait3A_1161 = tpu.memref_slice %arg4[%dma_wait3A_1159, %dma_wait3A_1160] : memref<16x1000001xf32, #tpu.memory_space<hbm>> -> memref<16x128xf32, #tpu.memory_space<hbm>>
      tpu.wait_dma2 semaphore(%arg15 : memref<!tpu.dma_semaphore, #tpu.memory_space<semaphore_mem>>) src(%dma_wait3A_1161 : memref<16x128xf32, #tpu.memory_space<hbm>>) dst(%dma_wait3A_1158 : memref<16x128xf32, #tpu.memory_space<vmem>>)
      %dma_wait3A_1162 = arith.constant 16 : i32
      %dma_wait3A_1163 = arith.constant 0 : i32
      %dma_wait3A_1164 = tpu.memref_slice %arg12[%dma_wait3A_1162, %dma_wait3A_1163] : memref<128x128xf32, #tpu.memory_space<vmem>> -> memref<16x128xf32, #tpu.memory_space<vmem>>
      %dma_wait3A_1165 = arith.constant 0 : i32
      %dma_wait3A_1166 = arith.constant 0 : i32
      %dma_wait3A_1167 = tpu.memref_slice %arg5[%dma_wait3A_1165, %dma_wait3A_1166] : memref<16x1000001xf32, #tpu.memory_space<hbm>> -> memref<16x128xf32, #tpu.memory_space<hbm>>
      %dma_wait3A_1168 = arith.constant 16 : i32
      %dma_wait3A_1169 = arith.constant 0 : i32
      %dma_wait3A_1170 = tpu.memref_slice %arg12[%dma_wait3A_1168, %dma_wait3A_1169] : memref<128x128xf32, #tpu.memory_space<vmem>> -> memref<16x128xf32, #tpu.memory_space<vmem>>
      %dma_wait3A_1171 = arith.constant 0 : i32
      %dma_wait3A_1172 = arith.constant 0 : i32
      %dma_wait3A_1173 = tpu.memref_slice %arg5[%dma_wait3A_1171, %dma_wait3A_1172] : memref<16x1000001xf32, #tpu.memory_space<hbm>> -> memref<16x128xf32, #tpu.memory_space<hbm>>
      tpu.wait_dma2 semaphore(%arg15 : memref<!tpu.dma_semaphore, #tpu.memory_space<semaphore_mem>>) src(%dma_wait3A_1173 : memref<16x128xf32, #tpu.memory_space<hbm>>) dst(%dma_wait3A_1170 : memref<16x128xf32, #tpu.memory_space<vmem>>)
      %dma_wait3A_1174 = arith.constant 32 : i32
      %dma_wait3A_1175 = arith.constant 0 : i32
      %dma_wait3A_1176 = tpu.memref_slice %arg11[%dma_wait3A_1174, %dma_wait3A_1175] : memref<128x128xf32, #tpu.memory_space<vmem>> -> memref<16x128xf32, #tpu.memory_space<vmem>>
      %dma_wait3A_1177 = arith.constant 0 : i32
      %dma_wait3A_1178 = arith.constant 0 : i32
      %dma_wait3A_1179 = tpu.memref_slice %arg4[%dma_wait3A_1177, %dma_wait3A_1178] : memref<16x1000001xf32, #tpu.memory_space<hbm>> -> memref<16x128xf32, #tpu.memory_space<hbm>>
      %dma_wait3A_1180 = arith.constant 32 : i32
      %dma_wait3A_1181 = arith.constant 0 : i32
      %dma_wait3A_1182 = tpu.memref_slice %arg11[%dma_wait3A_1180, %dma_wait3A_1181] : memref<128x128xf32, #tpu.memory_space<vmem>> -> memref<16x128xf32, #tpu.memory_space<vmem>>
      %dma_wait3A_1183 = arith.constant 0 : i32
      %dma_wait3A_1184 = arith.constant 0 : i32
      %dma_wait3A_1185 = tpu.memref_slice %arg4[%dma_wait3A_1183, %dma_wait3A_1184] : memref<16x1000001xf32, #tpu.memory_space<hbm>> -> memref<16x128xf32, #tpu.memory_space<hbm>>
      tpu.wait_dma2 semaphore(%arg15 : memref<!tpu.dma_semaphore, #tpu.memory_space<semaphore_mem>>) src(%dma_wait3A_1185 : memref<16x128xf32, #tpu.memory_space<hbm>>) dst(%dma_wait3A_1182 : memref<16x128xf32, #tpu.memory_space<vmem>>)
      %dma_wait3A_1186 = arith.constant 32 : i32
      %dma_wait3A_1187 = arith.constant 0 : i32
      %dma_wait3A_1188 = tpu.memref_slice %arg12[%dma_wait3A_1186, %dma_wait3A_1187] : memref<128x128xf32, #tpu.memory_space<vmem>> -> memref<16x128xf32, #tpu.memory_space<vmem>>
      %dma_wait3A_1189 = arith.constant 0 : i32
      %dma_wait3A_1190 = arith.constant 0 : i32
      %dma_wait3A_1191 = tpu.memref_slice %arg5[%dma_wait3A_1189, %dma_wait3A_1190] : memref<16x1000001xf32, #tpu.memory_space<hbm>> -> memref<16x128xf32, #tpu.memory_space<hbm>>
      %dma_wait3A_1192 = arith.constant 32 : i32
      %dma_wait3A_1193 = arith.constant 0 : i32
      %dma_wait3A_1194 = tpu.memref_slice %arg12[%dma_wait3A_1192, %dma_wait3A_1193] : memref<128x128xf32, #tpu.memory_space<vmem>> -> memref<16x128xf32, #tpu.memory_space<vmem>>
      %dma_wait3A_1195 = arith.constant 0 : i32
      %dma_wait3A_1196 = arith.constant 0 : i32
      %dma_wait3A_1197 = tpu.memref_slice %arg5[%dma_wait3A_1195, %dma_wait3A_1196] : memref<16x1000001xf32, #tpu.memory_space<hbm>> -> memref<16x128xf32, #tpu.memory_space<hbm>>
      tpu.wait_dma2 semaphore(%arg15 : memref<!tpu.dma_semaphore, #tpu.memory_space<semaphore_mem>>) src(%dma_wait3A_1197 : memref<16x128xf32, #tpu.memory_space<hbm>>) dst(%dma_wait3A_1194 : memref<16x128xf32, #tpu.memory_space<vmem>>)
      %dma_wait3A_1198 = arith.constant 48 : i32
      %dma_wait3A_1199 = arith.constant 0 : i32
      %dma_wait3A_1200 = tpu.memref_slice %arg11[%dma_wait3A_1198, %dma_wait3A_1199] : memref<128x128xf32, #tpu.memory_space<vmem>> -> memref<16x128xf32, #tpu.memory_space<vmem>>
      %dma_wait3A_1201 = arith.constant 0 : i32
      %dma_wait3A_1202 = arith.constant 0 : i32
      %dma_wait3A_1203 = tpu.memref_slice %arg4[%dma_wait3A_1201, %dma_wait3A_1202] : memref<16x1000001xf32, #tpu.memory_space<hbm>> -> memref<16x128xf32, #tpu.memory_space<hbm>>
      %dma_wait3A_1204 = arith.constant 48 : i32
      %dma_wait3A_1205 = arith.constant 0 : i32
      %dma_wait3A_1206 = tpu.memref_slice %arg11[%dma_wait3A_1204, %dma_wait3A_1205] : memref<128x128xf32, #tpu.memory_space<vmem>> -> memref<16x128xf32, #tpu.memory_space<vmem>>
      %dma_wait3A_1207 = arith.constant 0 : i32
      %dma_wait3A_1208 = arith.constant 0 : i32
      %dma_wait3A_1209 = tpu.memref_slice %arg4[%dma_wait3A_1207, %dma_wait3A_1208] : memref<16x1000001xf32, #tpu.memory_space<hbm>> -> memref<16x128xf32, #tpu.memory_space<hbm>>
      tpu.wait_dma2 semaphore(%arg15 : memref<!tpu.dma_semaphore, #tpu.memory_space<semaphore_mem>>) src(%dma_wait3A_1209 : memref<16x128xf32, #tpu.memory_space<hbm>>) dst(%dma_wait3A_1206 : memref<16x128xf32, #tpu.memory_space<vmem>>)
      %dma_wait3A_1210 = arith.constant 48 : i32
      %dma_wait3A_1211 = arith.constant 0 : i32
      %dma_wait3A_1212 = tpu.memref_slice %arg12[%dma_wait3A_1210, %dma_wait3A_1211] : memref<128x128xf32, #tpu.memory_space<vmem>> -> memref<16x128xf32, #tpu.memory_space<vmem>>
      %dma_wait3A_1213 = arith.constant 0 : i32
      %dma_wait3A_1214 = arith.constant 0 : i32
      %dma_wait3A_1215 = tpu.memref_slice %arg5[%dma_wait3A_1213, %dma_wait3A_1214] : memref<16x1000001xf32, #tpu.memory_space<hbm>> -> memref<16x128xf32, #tpu.memory_space<hbm>>
      %dma_wait3A_1216 = arith.constant 48 : i32
      %dma_wait3A_1217 = arith.constant 0 : i32
      %dma_wait3A_1218 = tpu.memref_slice %arg12[%dma_wait3A_1216, %dma_wait3A_1217] : memref<128x128xf32, #tpu.memory_space<vmem>> -> memref<16x128xf32, #tpu.memory_space<vmem>>
      %dma_wait3A_1219 = arith.constant 0 : i32
      %dma_wait3A_1220 = arith.constant 0 : i32
      %dma_wait3A_1221 = tpu.memref_slice %arg5[%dma_wait3A_1219, %dma_wait3A_1220] : memref<16x1000001xf32, #tpu.memory_space<hbm>> -> memref<16x128xf32, #tpu.memory_space<hbm>>
      tpu.wait_dma2 semaphore(%arg15 : memref<!tpu.dma_semaphore, #tpu.memory_space<semaphore_mem>>) src(%dma_wait3A_1221 : memref<16x128xf32, #tpu.memory_space<hbm>>) dst(%dma_wait3A_1218 : memref<16x128xf32, #tpu.memory_space<vmem>>)
      %dma_wait3A_1222 = arith.constant 64 : i32
      %dma_wait3A_1223 = arith.constant 0 : i32
      %dma_wait3A_1224 = tpu.memref_slice %arg11[%dma_wait3A_1222, %dma_wait3A_1223] : memref<128x128xf32, #tpu.memory_space<vmem>> -> memref<16x128xf32, #tpu.memory_space<vmem>>
      %dma_wait3A_1225 = arith.constant 0 : i32
      %dma_wait3A_1226 = arith.constant 0 : i32
      %dma_wait3A_1227 = tpu.memref_slice %arg4[%dma_wait3A_1225, %dma_wait3A_1226] : memref<16x1000001xf32, #tpu.memory_space<hbm>> -> memref<16x128xf32, #tpu.memory_space<hbm>>
      %dma_wait3A_1228 = arith.constant 64 : i32
      %dma_wait3A_1229 = arith.constant 0 : i32
      %dma_wait3A_1230 = tpu.memref_slice %arg11[%dma_wait3A_1228, %dma_wait3A_1229] : memref<128x128xf32, #tpu.memory_space<vmem>> -> memref<16x128xf32, #tpu.memory_space<vmem>>
      %dma_wait3A_1231 = arith.constant 0 : i32
      %dma_wait3A_1232 = arith.constant 0 : i32
      %dma_wait3A_1233 = tpu.memref_slice %arg4[%dma_wait3A_1231, %dma_wait3A_1232] : memref<16x1000001xf32, #tpu.memory_space<hbm>> -> memref<16x128xf32, #tpu.memory_space<hbm>>
      tpu.wait_dma2 semaphore(%arg15 : memref<!tpu.dma_semaphore, #tpu.memory_space<semaphore_mem>>) src(%dma_wait3A_1233 : memref<16x128xf32, #tpu.memory_space<hbm>>) dst(%dma_wait3A_1230 : memref<16x128xf32, #tpu.memory_space<vmem>>)
      %dma_wait3A_1234 = arith.constant 64 : i32
      %dma_wait3A_1235 = arith.constant 0 : i32
      %dma_wait3A_1236 = tpu.memref_slice %arg12[%dma_wait3A_1234, %dma_wait3A_1235] : memref<128x128xf32, #tpu.memory_space<vmem>> -> memref<16x128xf32, #tpu.memory_space<vmem>>
      %dma_wait3A_1237 = arith.constant 0 : i32
      %dma_wait3A_1238 = arith.constant 0 : i32
      %dma_wait3A_1239 = tpu.memref_slice %arg5[%dma_wait3A_1237, %dma_wait3A_1238] : memref<16x1000001xf32, #tpu.memory_space<hbm>> -> memref<16x128xf32, #tpu.memory_space<hbm>>
      %dma_wait3A_1240 = arith.constant 64 : i32
      %dma_wait3A_1241 = arith.constant 0 : i32
      %dma_wait3A_1242 = tpu.memref_slice %arg12[%dma_wait3A_1240, %dma_wait3A_1241] : memref<128x128xf32, #tpu.memory_space<vmem>> -> memref<16x128xf32, #tpu.memory_space<vmem>>
      %dma_wait3A_1243 = arith.constant 0 : i32
      %dma_wait3A_1244 = arith.constant 0 : i32
      %dma_wait3A_1245 = tpu.memref_slice %arg5[%dma_wait3A_1243, %dma_wait3A_1244] : memref<16x1000001xf32, #tpu.memory_space<hbm>> -> memref<16x128xf32, #tpu.memory_space<hbm>>
      tpu.wait_dma2 semaphore(%arg15 : memref<!tpu.dma_semaphore, #tpu.memory_space<semaphore_mem>>) src(%dma_wait3A_1245 : memref<16x128xf32, #tpu.memory_space<hbm>>) dst(%dma_wait3A_1242 : memref<16x128xf32, #tpu.memory_space<vmem>>)
      %dma_wait3A_1246 = arith.constant 80 : i32
      %dma_wait3A_1247 = arith.constant 0 : i32
      %dma_wait3A_1248 = tpu.memref_slice %arg11[%dma_wait3A_1246, %dma_wait3A_1247] : memref<128x128xf32, #tpu.memory_space<vmem>> -> memref<16x128xf32, #tpu.memory_space<vmem>>
      %dma_wait3A_1249 = arith.constant 0 : i32
      %dma_wait3A_1250 = arith.constant 0 : i32
      %dma_wait3A_1251 = tpu.memref_slice %arg4[%dma_wait3A_1249, %dma_wait3A_1250] : memref<16x1000001xf32, #tpu.memory_space<hbm>> -> memref<16x128xf32, #tpu.memory_space<hbm>>
      %dma_wait3A_1252 = arith.constant 80 : i32
      %dma_wait3A_1253 = arith.constant 0 : i32
      %dma_wait3A_1254 = tpu.memref_slice %arg11[%dma_wait3A_1252, %dma_wait3A_1253] : memref<128x128xf32, #tpu.memory_space<vmem>> -> memref<16x128xf32, #tpu.memory_space<vmem>>
      %dma_wait3A_1255 = arith.constant 0 : i32
      %dma_wait3A_1256 = arith.constant 0 : i32
      %dma_wait3A_1257 = tpu.memref_slice %arg4[%dma_wait3A_1255, %dma_wait3A_1256] : memref<16x1000001xf32, #tpu.memory_space<hbm>> -> memref<16x128xf32, #tpu.memory_space<hbm>>
      tpu.wait_dma2 semaphore(%arg15 : memref<!tpu.dma_semaphore, #tpu.memory_space<semaphore_mem>>) src(%dma_wait3A_1257 : memref<16x128xf32, #tpu.memory_space<hbm>>) dst(%dma_wait3A_1254 : memref<16x128xf32, #tpu.memory_space<vmem>>)
      %dma_wait3A_1258 = arith.constant 80 : i32
      %dma_wait3A_1259 = arith.constant 0 : i32
      %dma_wait3A_1260 = tpu.memref_slice %arg12[%dma_wait3A_1258, %dma_wait3A_1259] : memref<128x128xf32, #tpu.memory_space<vmem>> -> memref<16x128xf32, #tpu.memory_space<vmem>>
      %dma_wait3A_1261 = arith.constant 0 : i32
      %dma_wait3A_1262 = arith.constant 0 : i32
      %dma_wait3A_1263 = tpu.memref_slice %arg5[%dma_wait3A_1261, %dma_wait3A_1262] : memref<16x1000001xf32, #tpu.memory_space<hbm>> -> memref<16x128xf32, #tpu.memory_space<hbm>>
      %dma_wait3A_1264 = arith.constant 80 : i32
      %dma_wait3A_1265 = arith.constant 0 : i32
      %dma_wait3A_1266 = tpu.memref_slice %arg12[%dma_wait3A_1264, %dma_wait3A_1265] : memref<128x128xf32, #tpu.memory_space<vmem>> -> memref<16x128xf32, #tpu.memory_space<vmem>>
      %dma_wait3A_1267 = arith.constant 0 : i32
      %dma_wait3A_1268 = arith.constant 0 : i32
      %dma_wait3A_1269 = tpu.memref_slice %arg5[%dma_wait3A_1267, %dma_wait3A_1268] : memref<16x1000001xf32, #tpu.memory_space<hbm>> -> memref<16x128xf32, #tpu.memory_space<hbm>>
      tpu.wait_dma2 semaphore(%arg15 : memref<!tpu.dma_semaphore, #tpu.memory_space<semaphore_mem>>) src(%dma_wait3A_1269 : memref<16x128xf32, #tpu.memory_space<hbm>>) dst(%dma_wait3A_1266 : memref<16x128xf32, #tpu.memory_space<vmem>>)
      %dma_wait3A_1270 = arith.constant 96 : i32
      %dma_wait3A_1271 = arith.constant 0 : i32
      %dma_wait3A_1272 = tpu.memref_slice %arg11[%dma_wait3A_1270, %dma_wait3A_1271] : memref<128x128xf32, #tpu.memory_space<vmem>> -> memref<16x128xf32, #tpu.memory_space<vmem>>
      %dma_wait3A_1273 = arith.constant 0 : i32
      %dma_wait3A_1274 = arith.constant 0 : i32
      %dma_wait3A_1275 = tpu.memref_slice %arg4[%dma_wait3A_1273, %dma_wait3A_1274] : memref<16x1000001xf32, #tpu.memory_space<hbm>> -> memref<16x128xf32, #tpu.memory_space<hbm>>
      %dma_wait3A_1276 = arith.constant 96 : i32
      %dma_wait3A_1277 = arith.constant 0 : i32
      %dma_wait3A_1278 = tpu.memref_slice %arg11[%dma_wait3A_1276, %dma_wait3A_1277] : memref<128x128xf32, #tpu.memory_space<vmem>> -> memref<16x128xf32, #tpu.memory_space<vmem>>
      %dma_wait3A_1279 = arith.constant 0 : i32
      %dma_wait3A_1280 = arith.constant 0 : i32
      %dma_wait3A_1281 = tpu.memref_slice %arg4[%dma_wait3A_1279, %dma_wait3A_1280] : memref<16x1000001xf32, #tpu.memory_space<hbm>> -> memref<16x128xf32, #tpu.memory_space<hbm>>
      tpu.wait_dma2 semaphore(%arg15 : memref<!tpu.dma_semaphore, #tpu.memory_space<semaphore_mem>>) src(%dma_wait3A_1281 : memref<16x128xf32, #tpu.memory_space<hbm>>) dst(%dma_wait3A_1278 : memref<16x128xf32, #tpu.memory_space<vmem>>)
      %dma_wait3A_1282 = arith.constant 96 : i32
      %dma_wait3A_1283 = arith.constant 0 : i32
      %dma_wait3A_1284 = tpu.memref_slice %arg12[%dma_wait3A_1282, %dma_wait3A_1283] : memref<128x128xf32, #tpu.memory_space<vmem>> -> memref<16x128xf32, #tpu.memory_space<vmem>>
      %dma_wait3A_1285 = arith.constant 0 : i32
      %dma_wait3A_1286 = arith.constant 0 : i32
      %dma_wait3A_1287 = tpu.memref_slice %arg5[%dma_wait3A_1285, %dma_wait3A_1286] : memref<16x1000001xf32, #tpu.memory_space<hbm>> -> memref<16x128xf32, #tpu.memory_space<hbm>>
      %dma_wait3A_1288 = arith.constant 96 : i32
      %dma_wait3A_1289 = arith.constant 0 : i32
      %dma_wait3A_1290 = tpu.memref_slice %arg12[%dma_wait3A_1288, %dma_wait3A_1289] : memref<128x128xf32, #tpu.memory_space<vmem>> -> memref<16x128xf32, #tpu.memory_space<vmem>>
      %dma_wait3A_1291 = arith.constant 0 : i32
      %dma_wait3A_1292 = arith.constant 0 : i32
      %dma_wait3A_1293 = tpu.memref_slice %arg5[%dma_wait3A_1291, %dma_wait3A_1292] : memref<16x1000001xf32, #tpu.memory_space<hbm>> -> memref<16x128xf32, #tpu.memory_space<hbm>>
      tpu.wait_dma2 semaphore(%arg15 : memref<!tpu.dma_semaphore, #tpu.memory_space<semaphore_mem>>) src(%dma_wait3A_1293 : memref<16x128xf32, #tpu.memory_space<hbm>>) dst(%dma_wait3A_1290 : memref<16x128xf32, #tpu.memory_space<vmem>>)
      %dma_wait3A_1294 = arith.constant 112 : i32
      %dma_wait3A_1295 = arith.constant 0 : i32
      %dma_wait3A_1296 = tpu.memref_slice %arg11[%dma_wait3A_1294, %dma_wait3A_1295] : memref<128x128xf32, #tpu.memory_space<vmem>> -> memref<16x128xf32, #tpu.memory_space<vmem>>
      %dma_wait3A_1297 = arith.constant 0 : i32
      %dma_wait3A_1298 = arith.constant 0 : i32
      %dma_wait3A_1299 = tpu.memref_slice %arg4[%dma_wait3A_1297, %dma_wait3A_1298] : memref<16x1000001xf32, #tpu.memory_space<hbm>> -> memref<16x128xf32, #tpu.memory_space<hbm>>
      %dma_wait3A_1300 = arith.constant 112 : i32
      %dma_wait3A_1301 = arith.constant 0 : i32
      %dma_wait3A_1302 = tpu.memref_slice %arg11[%dma_wait3A_1300, %dma_wait3A_1301] : memref<128x128xf32, #tpu.memory_space<vmem>> -> memref<16x128xf32, #tpu.memory_space<vmem>>
      %dma_wait3A_1303 = arith.constant 0 : i32
      %dma_wait3A_1304 = arith.constant 0 : i32
      %dma_wait3A_1305 = tpu.memref_slice %arg4[%dma_wait3A_1303, %dma_wait3A_1304] : memref<16x1000001xf32, #tpu.memory_space<hbm>> -> memref<16x128xf32, #tpu.memory_space<hbm>>
      tpu.wait_dma2 semaphore(%arg15 : memref<!tpu.dma_semaphore, #tpu.memory_space<semaphore_mem>>) src(%dma_wait3A_1305 : memref<16x128xf32, #tpu.memory_space<hbm>>) dst(%dma_wait3A_1302 : memref<16x128xf32, #tpu.memory_space<vmem>>)
      %dma_wait3A_1306 = arith.constant 112 : i32
      %dma_wait3A_1307 = arith.constant 0 : i32
      %dma_wait3A_1308 = tpu.memref_slice %arg12[%dma_wait3A_1306, %dma_wait3A_1307] : memref<128x128xf32, #tpu.memory_space<vmem>> -> memref<16x128xf32, #tpu.memory_space<vmem>>
      %dma_wait3A_1309 = arith.constant 0 : i32
      %dma_wait3A_1310 = arith.constant 0 : i32
      %dma_wait3A_1311 = tpu.memref_slice %arg5[%dma_wait3A_1309, %dma_wait3A_1310] : memref<16x1000001xf32, #tpu.memory_space<hbm>> -> memref<16x128xf32, #tpu.memory_space<hbm>>
      %dma_wait3A_1312 = arith.constant 112 : i32
      %dma_wait3A_1313 = arith.constant 0 : i32
      %dma_wait3A_1314 = tpu.memref_slice %arg12[%dma_wait3A_1312, %dma_wait3A_1313] : memref<128x128xf32, #tpu.memory_space<vmem>> -> memref<16x128xf32, #tpu.memory_space<vmem>>
      %dma_wait3A_1315 = arith.constant 0 : i32
      %dma_wait3A_1316 = arith.constant 0 : i32
      %dma_wait3A_1317 = tpu.memref_slice %arg5[%dma_wait3A_1315, %dma_wait3A_1316] : memref<16x1000001xf32, #tpu.memory_space<hbm>> -> memref<16x128xf32, #tpu.memory_space<hbm>>
      tpu.wait_dma2 semaphore(%arg15 : memref<!tpu.dma_semaphore, #tpu.memory_space<semaphore_mem>>) src(%dma_wait3A_1317 : memref<16x128xf32, #tpu.memory_space<hbm>>) dst(%dma_wait3A_1314 : memref<16x128xf32, #tpu.memory_space<vmem>>)
      %div3A_1318 = arith.constant 8 : i32
      %div3A_1319 = arith.divsi %scan3A_272, %div3A_1318 : i32
      %rem3A_1320 = arith.constant 8 : i32
      %rem3A_1321 = arith.remsi %scan3A_272, %rem3A_1320 : i32
      %mul3A_1322 = arith.constant 16 : i32
      %mul3A_1323 = arith.muli %rem3A_1321, %mul3A_1322 : i32
      %get3A_1324 = arith.index_cast %div3A_1319 : i32 to index
      %get3A_1325 = arith.index_cast %mul3A_1323 : i32 to index
      %get3A_1326 = tpu.vector_load %arg7[%get3A_1324, %get3A_1325] {strides = array<i32>} : memref<4x128xi32, #tpu.memory_space<vmem>>, vector<16xi32>,
      %div3A_1327 = arith.constant 8 : i32
      %div3A_1328 = arith.divsi %scan3A_272, %div3A_1327 : i32
      %rem3A_1329 = arith.constant 8 : i32
      %rem3A_1330 = arith.remsi %scan3A_272, %rem3A_1329 : i32
      %mul3A_1331 = arith.constant 16 : i32
      %mul3A_1332 = arith.muli %rem3A_1330, %mul3A_1331 : i32
      %get3A_1333 = arith.index_cast %div3A_1328 : i32 to index
      %get3A_1334 = arith.index_cast %mul3A_1332 : i32 to index
      %get3A_1335 = tpu.vector_load %arg8[%get3A_1333, %get3A_1334] {strides = array<i32>} : memref<4x128xi32, #tpu.memory_space<vmem>>, vector<16xi32>,
      %and3A_1336 = arith.constant 127 : i32
      %and3A_1337 = vector.broadcast %and3A_1336 : i32 to vector<16xi32>
      %and3A_1338 = arith.andi %get3A_1326, %and3A_1337 : vector<16xi32>
      %and3A_1339 = arith.constant 127 : i32
      %and3A_1340 = vector.broadcast %and3A_1339 : i32 to vector<16xi32>
      %and3A_1341 = arith.andi %get3A_1335, %and3A_1340 : vector<16xi32>
      %broadcast_in_dim3A_1342 = arith.constant 0.000000e+00 : f32
      %broadcast_in_dim3A_1343 = vector.broadcast %broadcast_in_dim3A_1342 : f32 to vector<16xf32>
      %slice3A_1344 = vector.extract_strided_slice %and3A_1338 {offsets = [8], sizes = [1], strides = [1]} : vector<16xi32> to vector<1xi32>
      %squeeze3A_1345 = vector.extract %slice3A_1344[0] : i32 from vector<1xi32>
      %broadcast_in_dim3A_1346 = vector.broadcast %squeeze3A_1345 : i32 to vector<16xi32>
      %slice3A_1347 = vector.extract_strided_slice %and3A_1341 {offsets = [8], sizes = [1], strides = [1]} : vector<16xi32> to vector<1xi32>
      %squeeze3A_1348 = vector.extract %slice3A_1347[0] : i32 from vector<1xi32>
      %broadcast_in_dim3A_1349 = vector.broadcast %squeeze3A_1348 : i32 to vector<16xi32>
      %add3A_1350 = arith.constant 0 : i32
      %add3A_1351 = vector.broadcast %add3A_1350 : i32 to vector<16xi32>
      %add3A_1352 = arith.addi %iota3A, %add3A_1351 : vector<16xi32>
      %gather3A_1353 = tpu.vector_load_idx %arg11[%add3A_1352, %broadcast_in_dim3A_1346] : memref<128x128xf32, #tpu.memory_space<vmem>>[vector<16xi32>, vector<16xi32>], vector<16xf32>,
      %add3A_1354 = arith.constant 0 : i32
      %add3A_1355 = vector.broadcast %add3A_1354 : i32 to vector<16xi32>
      %add3A_1356 = arith.addi %iota3A, %add3A_1355 : vector<16xi32>
      %gather3A_1357 = tpu.vector_load_idx %arg12[%add3A_1356, %broadcast_in_dim3A_1349] : memref<128x128xf32, #tpu.memory_space<vmem>>[vector<16xi32>, vector<16xi32>], vector<16xf32>,
      %mul3A_1358 = arith.mulf %gather3A_1353, %gather3A_1357 : vector<16xf32>
      %xor3A_1359 = arith.constant 8 : i32
      %xor3A_1360 = vector.broadcast %xor3A_1359 : i32 to vector<16xi32>
      %xor3A_1361 = arith.xori %iota3A, %xor3A_1360 : vector<16xi32>
      %broadcast_in_dim3A_1362 = vector.shape_cast %xor3A_1361 : vector<16xi32> to vector<16x1xi32>
      %gather3A_1363 = vector.shape_cast %broadcast_in_dim3A_1362 : vector<16x1xi32> to vector<16xi32>
      %gather3A_1364 = tpu.dynamic_gather %mul3A_1358[%gather3A_1363] in [0] : vector<16xf32>, vector<16xi32> -> vector<16xf32>
      %add3A_1365 = arith.addf %mul3A_1358, %gather3A_1364 : vector<16xf32>
      %xor3A_1366 = arith.constant 4 : i32
      %xor3A_1367 = vector.broadcast %xor3A_1366 : i32 to vector<16xi32>
      %xor3A_1368 = arith.xori %iota3A, %xor3A_1367 : vector<16xi32>
      %broadcast_in_dim3A_1369 = vector.shape_cast %xor3A_1368 : vector<16xi32> to vector<16x1xi32>
      %gather3A_1370 = vector.shape_cast %broadcast_in_dim3A_1369 : vector<16x1xi32> to vector<16xi32>
      %gather3A_1371 = tpu.dynamic_gather %add3A_1365[%gather3A_1370] in [0] : vector<16xf32>, vector<16xi32> -> vector<16xf32>
      %add3A_1372 = arith.addf %add3A_1365, %gather3A_1371 : vector<16xf32>
      %xor3A_1373 = arith.constant 2 : i32
      %xor3A_1374 = vector.broadcast %xor3A_1373 : i32 to vector<16xi32>
      %xor3A_1375 = arith.xori %iota3A, %xor3A_1374 : vector<16xi32>
      %broadcast_in_dim3A_1376 = vector.shape_cast %xor3A_1375 : vector<16xi32> to vector<16x1xi32>
      %gather3A_1377 = vector.shape_cast %broadcast_in_dim3A_1376 : vector<16x1xi32> to vector<16xi32>
      %gather3A_1378 = tpu.dynamic_gather %add3A_1372[%gather3A_1377] in [0] : vector<16xf32>, vector<16xi32> -> vector<16xf32>
      %add3A_1379 = arith.addf %add3A_1372, %gather3A_1378 : vector<16xf32>
      %xor3A_1380 = arith.constant 1 : i32
      %xor3A_1381 = vector.broadcast %xor3A_1380 : i32 to vector<16xi32>
      %xor3A_1382 = arith.xori %iota3A, %xor3A_1381 : vector<16xi32>
      %broadcast_in_dim3A_1383 = vector.shape_cast %xor3A_1382 : vector<16xi32> to vector<16x1xi32>
      %gather3A_1384 = vector.shape_cast %broadcast_in_dim3A_1383 : vector<16x1xi32> to vector<16xi32>
      %gather3A_1385 = tpu.dynamic_gather %add3A_1379[%gather3A_1384] in [0] : vector<16xf32>, vector<16xi32> -> vector<16xf32>
      %add3A_1386 = arith.addf %add3A_1379, %gather3A_1385 : vector<16xf32>
      %eq3A_1387 = arith.constant 8 : i32
      %eq3A_1388 = vector.broadcast %eq3A_1387 : i32 to vector<16xi32>
      %eq3A_1389 = arith.cmpi eq, %iota3A, %eq3A_1388 : vector<16xi32>
      %select_n3A_1390 = arith.select %eq3A_1389, %add3A_1386, %broadcast_in_dim3A_1343 : vector<16xi1>, vector<16xf32>
      %slice3A_1391 = vector.extract_strided_slice %and3A_1338 {offsets = [9], sizes = [1], strides = [1]} : vector<16xi32> to vector<1xi32>
      %squeeze3A_1392 = vector.extract %slice3A_1391[0] : i32 from vector<1xi32>
      %broadcast_in_dim3A_1393 = vector.broadcast %squeeze3A_1392 : i32 to vector<16xi32>
      %slice3A_1394 = vector.extract_strided_slice %and3A_1341 {offsets = [9], sizes = [1], strides = [1]} : vector<16xi32> to vector<1xi32>
      %squeeze3A_1395 = vector.extract %slice3A_1394[0] : i32 from vector<1xi32>
      %broadcast_in_dim3A_1396 = vector.broadcast %squeeze3A_1395 : i32 to vector<16xi32>
      %add3A_1397 = arith.constant 16 : i32
      %add3A_1398 = vector.broadcast %add3A_1397 : i32 to vector<16xi32>
      %add3A_1399 = arith.addi %iota3A, %add3A_1398 : vector<16xi32>
      %gather3A_1400 = tpu.vector_load_idx %arg11[%add3A_1399, %broadcast_in_dim3A_1393] : memref<128x128xf32, #tpu.memory_space<vmem>>[vector<16xi32>, vector<16xi32>], vector<16xf32>,
      %add3A_1401 = arith.constant 16 : i32
      %add3A_1402 = vector.broadcast %add3A_1401 : i32 to vector<16xi32>
      %add3A_1403 = arith.addi %iota3A, %add3A_1402 : vector<16xi32>
      %gather3A_1404 = tpu.vector_load_idx %arg12[%add3A_1403, %broadcast_in_dim3A_1396] : memref<128x128xf32, #tpu.memory_space<vmem>>[vector<16xi32>, vector<16xi32>], vector<16xf32>,
      %mul3A_1405 = arith.mulf %gather3A_1400, %gather3A_1404 : vector<16xf32>
      %xor3A_1406 = arith.constant 8 : i32
      %xor3A_1407 = vector.broadcast %xor3A_1406 : i32 to vector<16xi32>
      %xor3A_1408 = arith.xori %iota3A, %xor3A_1407 : vector<16xi32>
      %broadcast_in_dim3A_1409 = vector.shape_cast %xor3A_1408 : vector<16xi32> to vector<16x1xi32>
      %gather3A_1410 = vector.shape_cast %broadcast_in_dim3A_1409 : vector<16x1xi32> to vector<16xi32>
      %gather3A_1411 = tpu.dynamic_gather %mul3A_1405[%gather3A_1410] in [0] : vector<16xf32>, vector<16xi32> -> vector<16xf32>
      %add3A_1412 = arith.addf %mul3A_1405, %gather3A_1411 : vector<16xf32>
      %xor3A_1413 = arith.constant 4 : i32
      %xor3A_1414 = vector.broadcast %xor3A_1413 : i32 to vector<16xi32>
      %xor3A_1415 = arith.xori %iota3A, %xor3A_1414 : vector<16xi32>
      %broadcast_in_dim3A_1416 = vector.shape_cast %xor3A_1415 : vector<16xi32> to vector<16x1xi32>
      %gather3A_1417 = vector.shape_cast %broadcast_in_dim3A_1416 : vector<16x1xi32> to vector<16xi32>
      %gather3A_1418 = tpu.dynamic_gather %add3A_1412[%gather3A_1417] in [0] : vector<16xf32>, vector<16xi32> -> vector<16xf32>
      %add3A_1419 = arith.addf %add3A_1412, %gather3A_1418 : vector<16xf32>
      %xor3A_1420 = arith.constant 2 : i32
      %xor3A_1421 = vector.broadcast %xor3A_1420 : i32 to vector<16xi32>
      %xor3A_1422 = arith.xori %iota3A, %xor3A_1421 : vector<16xi32>
      %broadcast_in_dim3A_1423 = vector.shape_cast %xor3A_1422 : vector<16xi32> to vector<16x1xi32>
      %gather3A_1424 = vector.shape_cast %broadcast_in_dim3A_1423 : vector<16x1xi32> to vector<16xi32>
      %gather3A_1425 = tpu.dynamic_gather %add3A_1419[%gather3A_1424] in [0] : vector<16xf32>, vector<16xi32> -> vector<16xf32>
      %add3A_1426 = arith.addf %add3A_1419, %gather3A_1425 : vector<16xf32>
      %xor3A_1427 = arith.constant 1 : i32
      %xor3A_1428 = vector.broadcast %xor3A_1427 : i32 to vector<16xi32>
      %xor3A_1429 = arith.xori %iota3A, %xor3A_1428 : vector<16xi32>
      %broadcast_in_dim3A_1430 = vector.shape_cast %xor3A_1429 : vector<16xi32> to vector<16x1xi32>
      %gather3A_1431 = vector.shape_cast %broadcast_in_dim3A_1430 : vector<16x1xi32> to vector<16xi32>
      %gather3A_1432 = tpu.dynamic_gather %add3A_1426[%gather3A_1431] in [0] : vector<16xf32>, vector<16xi32> -> vector<16xf32>
      %add3A_1433 = arith.addf %add3A_1426, %gather3A_1432 : vector<16xf32>
      %eq3A_1434 = arith.constant 9 : i32
      %eq3A_1435 = vector.broadcast %eq3A_1434 : i32 to vector<16xi32>
      %eq3A_1436 = arith.cmpi eq, %iota3A, %eq3A_1435 : vector<16xi32>
      %select_n3A_1437 = arith.select %eq3A_1436, %add3A_1433, %select_n3A_1390 : vector<16xi1>, vector<16xf32>
      %slice3A_1438 = vector.extract_strided_slice %and3A_1338 {offsets = [10], sizes = [1], strides = [1]} : vector<16xi32> to vector<1xi32>
      %squeeze3A_1439 = vector.extract %slice3A_1438[0] : i32 from vector<1xi32>
      %broadcast_in_dim3A_1440 = vector.broadcast %squeeze3A_1439 : i32 to vector<16xi32>
      %slice3A_1441 = vector.extract_strided_slice %and3A_1341 {offsets = [10], sizes = [1], strides = [1]} : vector<16xi32> to vector<1xi32>
      %squeeze3A_1442 = vector.extract %slice3A_1441[0] : i32 from vector<1xi32>
      %broadcast_in_dim3A_1443 = vector.broadcast %squeeze3A_1442 : i32 to vector<16xi32>
      %add3A_1444 = arith.constant 32 : i32
      %add3A_1445 = vector.broadcast %add3A_1444 : i32 to vector<16xi32>
      %add3A_1446 = arith.addi %iota3A, %add3A_1445 : vector<16xi32>
      %gather3A_1447 = tpu.vector_load_idx %arg11[%add3A_1446, %broadcast_in_dim3A_1440] : memref<128x128xf32, #tpu.memory_space<vmem>>[vector<16xi32>, vector<16xi32>], vector<16xf32>,
      %add3A_1448 = arith.constant 32 : i32
      %add3A_1449 = vector.broadcast %add3A_1448 : i32 to vector<16xi32>
      %add3A_1450 = arith.addi %iota3A, %add3A_1449 : vector<16xi32>
      %gather3A_1451 = tpu.vector_load_idx %arg12[%add3A_1450, %broadcast_in_dim3A_1443] : memref<128x128xf32, #tpu.memory_space<vmem>>[vector<16xi32>, vector<16xi32>], vector<16xf32>,
      %mul3A_1452 = arith.mulf %gather3A_1447, %gather3A_1451 : vector<16xf32>
      %xor3A_1453 = arith.constant 8 : i32
      %xor3A_1454 = vector.broadcast %xor3A_1453 : i32 to vector<16xi32>
      %xor3A_1455 = arith.xori %iota3A, %xor3A_1454 : vector<16xi32>
      %broadcast_in_dim3A_1456 = vector.shape_cast %xor3A_1455 : vector<16xi32> to vector<16x1xi32>
      %gather3A_1457 = vector.shape_cast %broadcast_in_dim3A_1456 : vector<16x1xi32> to vector<16xi32>
      %gather3A_1458 = tpu.dynamic_gather %mul3A_1452[%gather3A_1457] in [0] : vector<16xf32>, vector<16xi32> -> vector<16xf32>
      %add3A_1459 = arith.addf %mul3A_1452, %gather3A_1458 : vector<16xf32>
      %xor3A_1460 = arith.constant 4 : i32
      %xor3A_1461 = vector.broadcast %xor3A_1460 : i32 to vector<16xi32>
      %xor3A_1462 = arith.xori %iota3A, %xor3A_1461 : vector<16xi32>
      %broadcast_in_dim3A_1463 = vector.shape_cast %xor3A_1462 : vector<16xi32> to vector<16x1xi32>
      %gather3A_1464 = vector.shape_cast %broadcast_in_dim3A_1463 : vector<16x1xi32> to vector<16xi32>
      %gather3A_1465 = tpu.dynamic_gather %add3A_1459[%gather3A_1464] in [0] : vector<16xf32>, vector<16xi32> -> vector<16xf32>
      %add3A_1466 = arith.addf %add3A_1459, %gather3A_1465 : vector<16xf32>
      %xor3A_1467 = arith.constant 2 : i32
      %xor3A_1468 = vector.broadcast %xor3A_1467 : i32 to vector<16xi32>
      %xor3A_1469 = arith.xori %iota3A, %xor3A_1468 : vector<16xi32>
      %broadcast_in_dim3A_1470 = vector.shape_cast %xor3A_1469 : vector<16xi32> to vector<16x1xi32>
      %gather3A_1471 = vector.shape_cast %broadcast_in_dim3A_1470 : vector<16x1xi32> to vector<16xi32>
      %gather3A_1472 = tpu.dynamic_gather %add3A_1466[%gather3A_1471] in [0] : vector<16xf32>, vector<16xi32> -> vector<16xf32>
      %add3A_1473 = arith.addf %add3A_1466, %gather3A_1472 : vector<16xf32>
      %xor3A_1474 = arith.constant 1 : i32
      %xor3A_1475 = vector.broadcast %xor3A_1474 : i32 to vector<16xi32>
      %xor3A_1476 = arith.xori %iota3A, %xor3A_1475 : vector<16xi32>
      %broadcast_in_dim3A_1477 = vector.shape_cast %xor3A_1476 : vector<16xi32> to vector<16x1xi32>
      %gather3A_1478 = vector.shape_cast %broadcast_in_dim3A_1477 : vector<16x1xi32> to vector<16xi32>
      %gather3A_1479 = tpu.dynamic_gather %add3A_1473[%gather3A_1478] in [0] : vector<16xf32>, vector<16xi32> -> vector<16xf32>
      %add3A_1480 = arith.addf %add3A_1473, %gather3A_1479 : vector<16xf32>
      %eq3A_1481 = arith.constant 10 : i32
      %eq3A_1482 = vector.broadcast %eq3A_1481 : i32 to vector<16xi32>
      %eq3A_1483 = arith.cmpi eq, %iota3A, %eq3A_1482 : vector<16xi32>
      %select_n3A_1484 = arith.select %eq3A_1483, %add3A_1480, %select_n3A_1437 : vector<16xi1>, vector<16xf32>
      %slice3A_1485 = vector.extract_strided_slice %and3A_1338 {offsets = [11], sizes = [1], strides = [1]} : vector<16xi32> to vector<1xi32>
      %squeeze3A_1486 = vector.extract %slice3A_1485[0] : i32 from vector<1xi32>
      %broadcast_in_dim3A_1487 = vector.broadcast %squeeze3A_1486 : i32 to vector<16xi32>
      %slice3A_1488 = vector.extract_strided_slice %and3A_1341 {offsets = [11], sizes = [1], strides = [1]} : vector<16xi32> to vector<1xi32>
      %squeeze3A_1489 = vector.extract %slice3A_1488[0] : i32 from vector<1xi32>
      %broadcast_in_dim3A_1490 = vector.broadcast %squeeze3A_1489 : i32 to vector<16xi32>
      %add3A_1491 = arith.constant 48 : i32
      %add3A_1492 = vector.broadcast %add3A_1491 : i32 to vector<16xi32>
      %add3A_1493 = arith.addi %iota3A, %add3A_1492 : vector<16xi32>
      %gather3A_1494 = tpu.vector_load_idx %arg11[%add3A_1493, %broadcast_in_dim3A_1487] : memref<128x128xf32, #tpu.memory_space<vmem>>[vector<16xi32>, vector<16xi32>], vector<16xf32>,
      %add3A_1495 = arith.constant 48 : i32
      %add3A_1496 = vector.broadcast %add3A_1495 : i32 to vector<16xi32>
      %add3A_1497 = arith.addi %iota3A, %add3A_1496 : vector<16xi32>
      %gather3A_1498 = tpu.vector_load_idx %arg12[%add3A_1497, %broadcast_in_dim3A_1490] : memref<128x128xf32, #tpu.memory_space<vmem>>[vector<16xi32>, vector<16xi32>], vector<16xf32>,
      %mul3A_1499 = arith.mulf %gather3A_1494, %gather3A_1498 : vector<16xf32>
      %xor3A_1500 = arith.constant 8 : i32
      %xor3A_1501 = vector.broadcast %xor3A_1500 : i32 to vector<16xi32>
      %xor3A_1502 = arith.xori %iota3A, %xor3A_1501 : vector<16xi32>
      %broadcast_in_dim3A_1503 = vector.shape_cast %xor3A_1502 : vector<16xi32> to vector<16x1xi32>
      %gather3A_1504 = vector.shape_cast %broadcast_in_dim3A_1503 : vector<16x1xi32> to vector<16xi32>
      %gather3A_1505 = tpu.dynamic_gather %mul3A_1499[%gather3A_1504] in [0] : vector<16xf32>, vector<16xi32> -> vector<16xf32>
      %add3A_1506 = arith.addf %mul3A_1499, %gather3A_1505 : vector<16xf32>
      %xor3A_1507 = arith.constant 4 : i32
      %xor3A_1508 = vector.broadcast %xor3A_1507 : i32 to vector<16xi32>
      %xor3A_1509 = arith.xori %iota3A, %xor3A_1508 : vector<16xi32>
      %broadcast_in_dim3A_1510 = vector.shape_cast %xor3A_1509 : vector<16xi32> to vector<16x1xi32>
      %gather3A_1511 = vector.shape_cast %broadcast_in_dim3A_1510 : vector<16x1xi32> to vector<16xi32>
      %gather3A_1512 = tpu.dynamic_gather %add3A_1506[%gather3A_1511] in [0] : vector<16xf32>, vector<16xi32> -> vector<16xf32>
      %add3A_1513 = arith.addf %add3A_1506, %gather3A_1512 : vector<16xf32>
      %xor3A_1514 = arith.constant 2 : i32
      %xor3A_1515 = vector.broadcast %xor3A_1514 : i32 to vector<16xi32>
      %xor3A_1516 = arith.xori %iota3A, %xor3A_1515 : vector<16xi32>
      %broadcast_in_dim3A_1517 = vector.shape_cast %xor3A_1516 : vector<16xi32> to vector<16x1xi32>
      %gather3A_1518 = vector.shape_cast %broadcast_in_dim3A_1517 : vector<16x1xi32> to vector<16xi32>
      %gather3A_1519 = tpu.dynamic_gather %add3A_1513[%gather3A_1518] in [0] : vector<16xf32>, vector<16xi32> -> vector<16xf32>
      %add3A_1520 = arith.addf %add3A_1513, %gather3A_1519 : vector<16xf32>
      %xor3A_1521 = arith.constant 1 : i32
      %xor3A_1522 = vector.broadcast %xor3A_1521 : i32 to vector<16xi32>
      %xor3A_1523 = arith.xori %iota3A, %xor3A_1522 : vector<16xi32>
      %broadcast_in_dim3A_1524 = vector.shape_cast %xor3A_1523 : vector<16xi32> to vector<16x1xi32>
      %gather3A_1525 = vector.shape_cast %broadcast_in_dim3A_1524 : vector<16x1xi32> to vector<16xi32>
      %gather3A_1526 = tpu.dynamic_gather %add3A_1520[%gather3A_1525] in [0] : vector<16xf32>, vector<16xi32> -> vector<16xf32>
      %add3A_1527 = arith.addf %add3A_1520, %gather3A_1526 : vector<16xf32>
      %eq3A_1528 = arith.constant 11 : i32
      %eq3A_1529 = vector.broadcast %eq3A_1528 : i32 to vector<16xi32>
      %eq3A_1530 = arith.cmpi eq, %iota3A, %eq3A_1529 : vector<16xi32>
      %select_n3A_1531 = arith.select %eq3A_1530, %add3A_1527, %select_n3A_1484 : vector<16xi1>, vector<16xf32>
      %slice3A_1532 = vector.extract_strided_slice %and3A_1338 {offsets = [12], sizes = [1], strides = [1]} : vector<16xi32> to vector<1xi32>
      %squeeze3A_1533 = vector.extract %slice3A_1532[0] : i32 from vector<1xi32>
      %broadcast_in_dim3A_1534 = vector.broadcast %squeeze3A_1533 : i32 to vector<16xi32>
      %slice3A_1535 = vector.extract_strided_slice %and3A_1341 {offsets = [12], sizes = [1], strides = [1]} : vector<16xi32> to vector<1xi32>
      %squeeze3A_1536 = vector.extract %slice3A_1535[0] : i32 from vector<1xi32>
      %broadcast_in_dim3A_1537 = vector.broadcast %squeeze3A_1536 : i32 to vector<16xi32>
      %add3A_1538 = arith.constant 64 : i32
      %add3A_1539 = vector.broadcast %add3A_1538 : i32 to vector<16xi32>
      %add3A_1540 = arith.addi %iota3A, %add3A_1539 : vector<16xi32>
      %gather3A_1541 = tpu.vector_load_idx %arg11[%add3A_1540, %broadcast_in_dim3A_1534] : memref<128x128xf32, #tpu.memory_space<vmem>>[vector<16xi32>, vector<16xi32>], vector<16xf32>,
      %add3A_1542 = arith.constant 64 : i32
      %add3A_1543 = vector.broadcast %add3A_1542 : i32 to vector<16xi32>
      %add3A_1544 = arith.addi %iota3A, %add3A_1543 : vector<16xi32>
      %gather3A_1545 = tpu.vector_load_idx %arg12[%add3A_1544, %broadcast_in_dim3A_1537] : memref<128x128xf32, #tpu.memory_space<vmem>>[vector<16xi32>, vector<16xi32>], vector<16xf32>,
      %mul3A_1546 = arith.mulf %gather3A_1541, %gather3A_1545 : vector<16xf32>
      %xor3A_1547 = arith.constant 8 : i32
      %xor3A_1548 = vector.broadcast %xor3A_1547 : i32 to vector<16xi32>
      %xor3A_1549 = arith.xori %iota3A, %xor3A_1548 : vector<16xi32>
      %broadcast_in_dim3A_1550 = vector.shape_cast %xor3A_1549 : vector<16xi32> to vector<16x1xi32>
      %gather3A_1551 = vector.shape_cast %broadcast_in_dim3A_1550 : vector<16x1xi32> to vector<16xi32>
      %gather3A_1552 = tpu.dynamic_gather %mul3A_1546[%gather3A_1551] in [0] : vector<16xf32>, vector<16xi32> -> vector<16xf32>
      %add3A_1553 = arith.addf %mul3A_1546, %gather3A_1552 : vector<16xf32>
      %xor3A_1554 = arith.constant 4 : i32
      %xor3A_1555 = vector.broadcast %xor3A_1554 : i32 to vector<16xi32>
      %xor3A_1556 = arith.xori %iota3A, %xor3A_1555 : vector<16xi32>
      %broadcast_in_dim3A_1557 = vector.shape_cast %xor3A_1556 : vector<16xi32> to vector<16x1xi32>
      %gather3A_1558 = vector.shape_cast %broadcast_in_dim3A_1557 : vector<16x1xi32> to vector<16xi32>
      %gather3A_1559 = tpu.dynamic_gather %add3A_1553[%gather3A_1558] in [0] : vector<16xf32>, vector<16xi32> -> vector<16xf32>
      %add3A_1560 = arith.addf %add3A_1553, %gather3A_1559 : vector<16xf32>
      %xor3A_1561 = arith.constant 2 : i32
      %xor3A_1562 = vector.broadcast %xor3A_1561 : i32 to vector<16xi32>
      %xor3A_1563 = arith.xori %iota3A, %xor3A_1562 : vector<16xi32>
      %broadcast_in_dim3A_1564 = vector.shape_cast %xor3A_1563 : vector<16xi32> to vector<16x1xi32>
      %gather3A_1565 = vector.shape_cast %broadcast_in_dim3A_1564 : vector<16x1xi32> to vector<16xi32>
      %gather3A_1566 = tpu.dynamic_gather %add3A_1560[%gather3A_1565] in [0] : vector<16xf32>, vector<16xi32> -> vector<16xf32>
      %add3A_1567 = arith.addf %add3A_1560, %gather3A_1566 : vector<16xf32>
      %xor3A_1568 = arith.constant 1 : i32
      %xor3A_1569 = vector.broadcast %xor3A_1568 : i32 to vector<16xi32>
      %xor3A_1570 = arith.xori %iota3A, %xor3A_1569 : vector<16xi32>
      %broadcast_in_dim3A_1571 = vector.shape_cast %xor3A_1570 : vector<16xi32> to vector<16x1xi32>
      %gather3A_1572 = vector.shape_cast %broadcast_in_dim3A_1571 : vector<16x1xi32> to vector<16xi32>
      %gather3A_1573 = tpu.dynamic_gather %add3A_1567[%gather3A_1572] in [0] : vector<16xf32>, vector<16xi32> -> vector<16xf32>
      %add3A_1574 = arith.addf %add3A_1567, %gather3A_1573 : vector<16xf32>
      %eq3A_1575 = arith.constant 12 : i32
      %eq3A_1576 = vector.broadcast %eq3A_1575 : i32 to vector<16xi32>
      %eq3A_1577 = arith.cmpi eq, %iota3A, %eq3A_1576 : vector<16xi32>
      %select_n3A_1578 = arith.select %eq3A_1577, %add3A_1574, %select_n3A_1531 : vector<16xi1>, vector<16xf32>
      %slice3A_1579 = vector.extract_strided_slice %and3A_1338 {offsets = [13], sizes = [1], strides = [1]} : vector<16xi32> to vector<1xi32>
      %squeeze3A_1580 = vector.extract %slice3A_1579[0] : i32 from vector<1xi32>
      %broadcast_in_dim3A_1581 = vector.broadcast %squeeze3A_1580 : i32 to vector<16xi32>
      %slice3A_1582 = vector.extract_strided_slice %and3A_1341 {offsets = [13], sizes = [1], strides = [1]} : vector<16xi32> to vector<1xi32>
      %squeeze3A_1583 = vector.extract %slice3A_1582[0] : i32 from vector<1xi32>
      %broadcast_in_dim3A_1584 = vector.broadcast %squeeze3A_1583 : i32 to vector<16xi32>
      %add3A_1585 = arith.constant 80 : i32
      %add3A_1586 = vector.broadcast %add3A_1585 : i32 to vector<16xi32>
      %add3A_1587 = arith.addi %iota3A, %add3A_1586 : vector<16xi32>
      %gather3A_1588 = tpu.vector_load_idx %arg11[%add3A_1587, %broadcast_in_dim3A_1581] : memref<128x128xf32, #tpu.memory_space<vmem>>[vector<16xi32>, vector<16xi32>], vector<16xf32>,
      %add3A_1589 = arith.constant 80 : i32
      %add3A_1590 = vector.broadcast %add3A_1589 : i32 to vector<16xi32>
      %add3A_1591 = arith.addi %iota3A, %add3A_1590 : vector<16xi32>
      %gather3A_1592 = tpu.vector_load_idx %arg12[%add3A_1591, %broadcast_in_dim3A_1584] : memref<128x128xf32, #tpu.memory_space<vmem>>[vector<16xi32>, vector<16xi32>], vector<16xf32>,
      %mul3A_1593 = arith.mulf %gather3A_1588, %gather3A_1592 : vector<16xf32>
      %xor3A_1594 = arith.constant 8 : i32
      %xor3A_1595 = vector.broadcast %xor3A_1594 : i32 to vector<16xi32>
      %xor3A_1596 = arith.xori %iota3A, %xor3A_1595 : vector<16xi32>
      %broadcast_in_dim3A_1597 = vector.shape_cast %xor3A_1596 : vector<16xi32> to vector<16x1xi32>
      %gather3A_1598 = vector.shape_cast %broadcast_in_dim3A_1597 : vector<16x1xi32> to vector<16xi32>
      %gather3A_1599 = tpu.dynamic_gather %mul3A_1593[%gather3A_1598] in [0] : vector<16xf32>, vector<16xi32> -> vector<16xf32>
      %add3A_1600 = arith.addf %mul3A_1593, %gather3A_1599 : vector<16xf32>
      %xor3A_1601 = arith.constant 4 : i32
      %xor3A_1602 = vector.broadcast %xor3A_1601 : i32 to vector<16xi32>
      %xor3A_1603 = arith.xori %iota3A, %xor3A_1602 : vector<16xi32>
      %broadcast_in_dim3A_1604 = vector.shape_cast %xor3A_1603 : vector<16xi32> to vector<16x1xi32>
      %gather3A_1605 = vector.shape_cast %broadcast_in_dim3A_1604 : vector<16x1xi32> to vector<16xi32>
      %gather3A_1606 = tpu.dynamic_gather %add3A_1600[%gather3A_1605] in [0] : vector<16xf32>, vector<16xi32> -> vector<16xf32>
      %add3A_1607 = arith.addf %add3A_1600, %gather3A_1606 : vector<16xf32>
      %xor3A_1608 = arith.constant 2 : i32
      %xor3A_1609 = vector.broadcast %xor3A_1608 : i32 to vector<16xi32>
      %xor3A_1610 = arith.xori %iota3A, %xor3A_1609 : vector<16xi32>
      %broadcast_in_dim3A_1611 = vector.shape_cast %xor3A_1610 : vector<16xi32> to vector<16x1xi32>
      %gather3A_1612 = vector.shape_cast %broadcast_in_dim3A_1611 : vector<16x1xi32> to vector<16xi32>
      %gather3A_1613 = tpu.dynamic_gather %add3A_1607[%gather3A_1612] in [0] : vector<16xf32>, vector<16xi32> -> vector<16xf32>
      %add3A_1614 = arith.addf %add3A_1607, %gather3A_1613 : vector<16xf32>
      %xor3A_1615 = arith.constant 1 : i32
      %xor3A_1616 = vector.broadcast %xor3A_1615 : i32 to vector<16xi32>
      %xor3A_1617 = arith.xori %iota3A, %xor3A_1616 : vector<16xi32>
      %broadcast_in_dim3A_1618 = vector.shape_cast %xor3A_1617 : vector<16xi32> to vector<16x1xi32>
      %gather3A_1619 = vector.shape_cast %broadcast_in_dim3A_1618 : vector<16x1xi32> to vector<16xi32>
      %gather3A_1620 = tpu.dynamic_gather %add3A_1614[%gather3A_1619] in [0] : vector<16xf32>, vector<16xi32> -> vector<16xf32>
      %add3A_1621 = arith.addf %add3A_1614, %gather3A_1620 : vector<16xf32>
      %eq3A_1622 = arith.constant 13 : i32
      %eq3A_1623 = vector.broadcast %eq3A_1622 : i32 to vector<16xi32>
      %eq3A_1624 = arith.cmpi eq, %iota3A, %eq3A_1623 : vector<16xi32>
      %select_n3A_1625 = arith.select %eq3A_1624, %add3A_1621, %select_n3A_1578 : vector<16xi1>, vector<16xf32>
      %slice3A_1626 = vector.extract_strided_slice %and3A_1338 {offsets = [14], sizes = [1], strides = [1]} : vector<16xi32> to vector<1xi32>
      %squeeze3A_1627 = vector.extract %slice3A_1626[0] : i32 from vector<1xi32>
      %broadcast_in_dim3A_1628 = vector.broadcast %squeeze3A_1627 : i32 to vector<16xi32>
      %slice3A_1629 = vector.extract_strided_slice %and3A_1341 {offsets = [14], sizes = [1], strides = [1]} : vector<16xi32> to vector<1xi32>
      %squeeze3A_1630 = vector.extract %slice3A_1629[0] : i32 from vector<1xi32>
      %broadcast_in_dim3A_1631 = vector.broadcast %squeeze3A_1630 : i32 to vector<16xi32>
      %add3A_1632 = arith.constant 96 : i32
      %add3A_1633 = vector.broadcast %add3A_1632 : i32 to vector<16xi32>
      %add3A_1634 = arith.addi %iota3A, %add3A_1633 : vector<16xi32>
      %gather3A_1635 = tpu.vector_load_idx %arg11[%add3A_1634, %broadcast_in_dim3A_1628] : memref<128x128xf32, #tpu.memory_space<vmem>>[vector<16xi32>, vector<16xi32>], vector<16xf32>,
      %add3A_1636 = arith.constant 96 : i32
      %add3A_1637 = vector.broadcast %add3A_1636 : i32 to vector<16xi32>
      %add3A_1638 = arith.addi %iota3A, %add3A_1637 : vector<16xi32>
      %gather3A_1639 = tpu.vector_load_idx %arg12[%add3A_1638, %broadcast_in_dim3A_1631] : memref<128x128xf32, #tpu.memory_space<vmem>>[vector<16xi32>, vector<16xi32>], vector<16xf32>,
      %mul3A_1640 = arith.mulf %gather3A_1635, %gather3A_1639 : vector<16xf32>
      %xor3A_1641 = arith.constant 8 : i32
      %xor3A_1642 = vector.broadcast %xor3A_1641 : i32 to vector<16xi32>
      %xor3A_1643 = arith.xori %iota3A, %xor3A_1642 : vector<16xi32>
      %broadcast_in_dim3A_1644 = vector.shape_cast %xor3A_1643 : vector<16xi32> to vector<16x1xi32>
      %gather3A_1645 = vector.shape_cast %broadcast_in_dim3A_1644 : vector<16x1xi32> to vector<16xi32>
      %gather3A_1646 = tpu.dynamic_gather %mul3A_1640[%gather3A_1645] in [0] : vector<16xf32>, vector<16xi32> -> vector<16xf32>
      %add3A_1647 = arith.addf %mul3A_1640, %gather3A_1646 : vector<16xf32>
      %xor3A_1648 = arith.constant 4 : i32
      %xor3A_1649 = vector.broadcast %xor3A_1648 : i32 to vector<16xi32>
      %xor3A_1650 = arith.xori %iota3A, %xor3A_1649 : vector<16xi32>
      %broadcast_in_dim3A_1651 = vector.shape_cast %xor3A_1650 : vector<16xi32> to vector<16x1xi32>
      %gather3A_1652 = vector.shape_cast %broadcast_in_dim3A_1651 : vector<16x1xi32> to vector<16xi32>
      %gather3A_1653 = tpu.dynamic_gather %add3A_1647[%gather3A_1652] in [0] : vector<16xf32>, vector<16xi32> -> vector<16xf32>
      %add3A_1654 = arith.addf %add3A_1647, %gather3A_1653 : vector<16xf32>
      %xor3A_1655 = arith.constant 2 : i32
      %xor3A_1656 = vector.broadcast %xor3A_1655 : i32 to vector<16xi32>
      %xor3A_1657 = arith.xori %iota3A, %xor3A_1656 : vector<16xi32>
      %broadcast_in_dim3A_1658 = vector.shape_cast %xor3A_1657 : vector<16xi32> to vector<16x1xi32>
      %gather3A_1659 = vector.shape_cast %broadcast_in_dim3A_1658 : vector<16x1xi32> to vector<16xi32>
      %gather3A_1660 = tpu.dynamic_gather %add3A_1654[%gather3A_1659] in [0] : vector<16xf32>, vector<16xi32> -> vector<16xf32>
      %add3A_1661 = arith.addf %add3A_1654, %gather3A_1660 : vector<16xf32>
      %xor3A_1662 = arith.constant 1 : i32
      %xor3A_1663 = vector.broadcast %xor3A_1662 : i32 to vector<16xi32>
      %xor3A_1664 = arith.xori %iota3A, %xor3A_1663 : vector<16xi32>
      %broadcast_in_dim3A_1665 = vector.shape_cast %xor3A_1664 : vector<16xi32> to vector<16x1xi32>
      %gather3A_1666 = vector.shape_cast %broadcast_in_dim3A_1665 : vector<16x1xi32> to vector<16xi32>
      %gather3A_1667 = tpu.dynamic_gather %add3A_1661[%gather3A_1666] in [0] : vector<16xf32>, vector<16xi32> -> vector<16xf32>
      %add3A_1668 = arith.addf %add3A_1661, %gather3A_1667 : vector<16xf32>
      %eq3A_1669 = arith.constant 14 : i32
      %eq3A_1670 = vector.broadcast %eq3A_1669 : i32 to vector<16xi32>
      %eq3A_1671 = arith.cmpi eq, %iota3A, %eq3A_1670 : vector<16xi32>
      %select_n3A_1672 = arith.select %eq3A_1671, %add3A_1668, %select_n3A_1625 : vector<16xi1>, vector<16xf32>
      %slice3A_1673 = vector.extract_strided_slice %and3A_1338 {offsets = [15], sizes = [1], strides = [1]} : vector<16xi32> to vector<1xi32>
      %squeeze3A_1674 = vector.extract %slice3A_1673[0] : i32 from vector<1xi32>
      %broadcast_in_dim3A_1675 = vector.broadcast %squeeze3A_1674 : i32 to vector<16xi32>
      %slice3A_1676 = vector.extract_strided_slice %and3A_1341 {offsets = [15], sizes = [1], strides = [1]} : vector<16xi32> to vector<1xi32>
      %squeeze3A_1677 = vector.extract %slice3A_1676[0] : i32 from vector<1xi32>
      %broadcast_in_dim3A_1678 = vector.broadcast %squeeze3A_1677 : i32 to vector<16xi32>
      %add3A_1679 = arith.constant 112 : i32
      %add3A_1680 = vector.broadcast %add3A_1679 : i32 to vector<16xi32>
      %add3A_1681 = arith.addi %iota3A, %add3A_1680 : vector<16xi32>
      %gather3A_1682 = tpu.vector_load_idx %arg11[%add3A_1681, %broadcast_in_dim3A_1675] : memref<128x128xf32, #tpu.memory_space<vmem>>[vector<16xi32>, vector<16xi32>], vector<16xf32>,
      %add3A_1683 = arith.constant 112 : i32
      %add3A_1684 = vector.broadcast %add3A_1683 : i32 to vector<16xi32>
      %add3A_1685 = arith.addi %iota3A, %add3A_1684 : vector<16xi32>
      %gather3A_1686 = tpu.vector_load_idx %arg12[%add3A_1685, %broadcast_in_dim3A_1678] : memref<128x128xf32, #tpu.memory_space<vmem>>[vector<16xi32>, vector<16xi32>], vector<16xf32>,
      %mul3A_1687 = arith.mulf %gather3A_1682, %gather3A_1686 : vector<16xf32>
      %xor3A_1688 = arith.constant 8 : i32
      %xor3A_1689 = vector.broadcast %xor3A_1688 : i32 to vector<16xi32>
      %xor3A_1690 = arith.xori %iota3A, %xor3A_1689 : vector<16xi32>
      %broadcast_in_dim3A_1691 = vector.shape_cast %xor3A_1690 : vector<16xi32> to vector<16x1xi32>
      %gather3A_1692 = vector.shape_cast %broadcast_in_dim3A_1691 : vector<16x1xi32> to vector<16xi32>
      %gather3A_1693 = tpu.dynamic_gather %mul3A_1687[%gather3A_1692] in [0] : vector<16xf32>, vector<16xi32> -> vector<16xf32>
      %add3A_1694 = arith.addf %mul3A_1687, %gather3A_1693 : vector<16xf32>
      %xor3A_1695 = arith.constant 4 : i32
      %xor3A_1696 = vector.broadcast %xor3A_1695 : i32 to vector<16xi32>
      %xor3A_1697 = arith.xori %iota3A, %xor3A_1696 : vector<16xi32>
      %broadcast_in_dim3A_1698 = vector.shape_cast %xor3A_1697 : vector<16xi32> to vector<16x1xi32>
      %gather3A_1699 = vector.shape_cast %broadcast_in_dim3A_1698 : vector<16x1xi32> to vector<16xi32>
      %gather3A_1700 = tpu.dynamic_gather %add3A_1694[%gather3A_1699] in [0] : vector<16xf32>, vector<16xi32> -> vector<16xf32>
      %add3A_1701 = arith.addf %add3A_1694, %gather3A_1700 : vector<16xf32>
      %xor3A_1702 = arith.constant 2 : i32
      %xor3A_1703 = vector.broadcast %xor3A_1702 : i32 to vector<16xi32>
      %xor3A_1704 = arith.xori %iota3A, %xor3A_1703 : vector<16xi32>
      %broadcast_in_dim3A_1705 = vector.shape_cast %xor3A_1704 : vector<16xi32> to vector<16x1xi32>
      %gather3A_1706 = vector.shape_cast %broadcast_in_dim3A_1705 : vector<16x1xi32> to vector<16xi32>
      %gather3A_1707 = tpu.dynamic_gather %add3A_1701[%gather3A_1706] in [0] : vector<16xf32>, vector<16xi32> -> vector<16xf32>
      %add3A_1708 = arith.addf %add3A_1701, %gather3A_1707 : vector<16xf32>
      %xor3A_1709 = arith.constant 1 : i32
      %xor3A_1710 = vector.broadcast %xor3A_1709 : i32 to vector<16xi32>
      %xor3A_1711 = arith.xori %iota3A, %xor3A_1710 : vector<16xi32>
      %broadcast_in_dim3A_1712 = vector.shape_cast %xor3A_1711 : vector<16xi32> to vector<16x1xi32>
      %gather3A_1713 = vector.shape_cast %broadcast_in_dim3A_1712 : vector<16x1xi32> to vector<16xi32>
      %gather3A_1714 = tpu.dynamic_gather %add3A_1708[%gather3A_1713] in [0] : vector<16xf32>, vector<16xi32> -> vector<16xf32>
      %add3A_1715 = arith.addf %add3A_1708, %gather3A_1714 : vector<16xf32>
      %eq3A_1716 = arith.constant 15 : i32
      %eq3A_1717 = vector.broadcast %eq3A_1716 : i32 to vector<16xi32>
      %eq3A_1718 = arith.cmpi eq, %iota3A, %eq3A_1717 : vector<16xi32>
      %select_n3A_1719 = arith.select %eq3A_1718, %add3A_1715, %select_n3A_1672 : vector<16xi1>, vector<16xf32>
      %add3A_1720 = arith.addf %select_n3A_1123, %select_n3A_1719 : vector<16xf32>
      %mul3A_1721 = arith.constant 16 : i32
      %mul3A_1722 = arith.muli %scan3A_272, %mul3A_1721 : i32
      %swap3A = arith.index_cast %mul3A_1722 : i32 to index
      %swap3A_1723 = tpu.vector_load %arg13[%swap3A] {strides = array<i32>} : memref<512xf32, #tpu.memory_space<vmem>>, vector<16xf32>,
      tpu.vector_store %arg13[%swap3A], %add3A_1720 {strides = array<i32>} : memref<512xf32, #tpu.memory_space<vmem>>, vector<16xf32>,
    }
    %scan3A_271 = arith.constant 32 : i32
    "tpu.region"() ({
      %run_scoped3A = tpu.sem_alloc : memref<!tpu.dma_semaphore, #tpu.memory_space<semaphore_mem>>
      %dma_start3A_272 = tpu.memref_slice %arg6[%mul3A_2] : memref<16384xf32, #tpu.memory_space<hbm>> -> memref<512xf32, #tpu.memory_space<hbm>>
      %dma_start3A_273 = tpu.memref_slice %arg6[%mul3A_2] : memref<16384xf32, #tpu.memory_space<hbm>> -> memref<512xf32, #tpu.memory_space<hbm>>
      tpu.enqueue_dma source(%arg13 : memref<512xf32, #tpu.memory_space<vmem>>) target(%dma_start3A_273 : memref<512xf32, #tpu.memory_space<hbm>>) target_semaphore(%run_scoped3A : memref<!tpu.dma_semaphore, #tpu.memory_space<semaphore_mem>>)
      %dma_wait3A = tpu.memref_slice %arg6[%mul3A_2] : memref<16384xf32, #tpu.memory_space<hbm>> -> memref<512xf32, #tpu.memory_space<hbm>>
      %dma_wait3A_274 = tpu.memref_slice %arg6[%mul3A_2] : memref<16384xf32, #tpu.memory_space<hbm>> -> memref<512xf32, #tpu.memory_space<hbm>>
      tpu.wait_dma2 semaphore(%run_scoped3A : memref<!tpu.dma_semaphore, #tpu.memory_space<semaphore_mem>>) src(%arg13 : memref<512xf32, #tpu.memory_space<vmem>>) dst(%dma_wait3A_274 : memref<512xf32, #tpu.memory_space<hbm>>)
      tpu.yield
    }) : () -> ()
    return
  }
}

</mosaic_0001>

<sc_bundles>
// kernel: _hete_mf.3.cloned.1.call-start
scs
__scs_entry_jumppad:
0x0: {  	(pc) =	sbr.rel $0x88, $3  }
0x1: {  	(tag) =	ssettag $0x0;
	lr =	simm.s32 $0x1  }
0x2: {  	[smem:$0x3F9D] =	sst lr;
	_ =	strace $0xD0000000  }
0x3: {  	_ = 	snop  }
0x4: {  	_ = 	snop  }
0x5: {  	_ = 	snop  }
0x6: {  	_ = 	snop  }
0x7: {  	_ = 	snop  }
__scs_overlays_trampoline_lowered:
0x8: {  	[smem:$0x3FAC] =	sst s0  }
0x9: {  	[smem:$0x3FAD] =	sst s1  }
0xa: {  	[smem:$0x3FAE] =	sst s2  }
0xb: {  	[smem:$0x3FAF] =	sst s3  }
0xc: {  	[smem:$0x3FB0] =	sst s4  }
0xd: {  	[smem:$0x3FB1] =	sst s5  }
0xe: {  	[smem:$0x3FB2] =	sst s6  }
0xf: {  	[smem:$0x3FB3] =	sst s7  }
0x10: {  	[smem:$0x3FB4] =	sst s8  }
0x11: {  	[smem:$0x3FB5] =	sst s9;
	s0 =	simm.s32 @!p0 $0x0  }
0x12: {  	s1 =	sld [smem:$0x3F9B];
	s0 =	simm.s32 @p0 $0x1  }
0x13: {  	[smem:$0x3FB6] =	sst s0;
	s0 =	simm.s32 @!p1 $0x0  }
0x14: {  	s2 =	sld [smem:$0x3F9A];
	s0 =	simm.s32 @p1 $0x1  }
0x15: {  	[smem:$0x3FB7] =	sst s0;
	s0 =	simm.s32 @!p2 $0x0  }
0x16: {  	s3 =	sld [smem:$0x3FDB];
	s0 =	simm.s32 @p2 $0x1  }
0x17: {  	s4 =	simm.s32 $0x1BF5;
	[smem:$0x3FB9] =	sst s0  }
0x18: {  	s0 =	sld [smem:$0x3F9C];
	_ =	swait.ge [sflag:s4], $0x0  }
0x19: {  	s7 =	sld [smem:$0x3F9D]  }
0x1a: {  	s8 =	sadd.s32 $0xFFFFE003, lr  }
0x1b: {  	s9 =	sadd.s32 $0xFFFFFEF7, lr;
	s5 =	simm.s32 $0xFFFFFFFF;
	p2 =	slt.u32 s8, $0xFFFFF086  }
0x1c: {  	p1 =	slt.u32 s9, $0xF7A;
	s5 =	simm.s32 @!p2 $0x0  }
0x1d: {  	s5 =	simm.s32 @p1 $0x1;
	p0 =	seq.s32 s7, s2  }
0x1e: {  	s7 =	smul.u32 @!p0 $0xF7A, s2;
	p2 =	seq.s32 @!p0 s5, $0x0  }
0x1f: {  	s9 =	smul.u32 $0xF7A, s1;
	s8 =	simm.s32 @!p0 $0x1BF5;
	p2 =	por !p2, p0  }
0x20: {  	[sflag:s8] =	ssyncset.s32 @!p0 $0xFFFFF086;
	s6 =	sadd.s32 @!p0 s3, s7;
	s7 =	simm.s32 @!p0 $0x108  }
0x21: {  	s3 =	sadd.s32 s3, s9;
	s6 =	sadd.s32 @!p0 $0x88, s6;
	s7 =	simm.s32 @p2 $0x1082  }
0x22: {  	[simem:s7], [sflag:s8] =	dma.local @!p0 [hbm:s6], $0xF7A  }
0x23: {  	s9 =	sor.u32 $0xD0000000, s2;
	s6 =	simm.s32 $0x108;
	_ =	swait.ge @!p0 [sflag:s8], $0x0  }
0x24: {  	s3 =	sadd.s32 $0x88, s3;
	s6 =	simm.s32 @!p1 $0x1082;
	[sflag:s4] =	ssyncset.s32 $0xFFFFF086  }
0x25: {  	[simem:s6], [sflag:s4] =	dma.local [hbm:s3], $0xF7A  }
0x26: {  	[smem:$0x3F9D] =	sst s1;
	(tag) =	ssettag s2;
	_ =	strace s9  }
0x27: {  	s1 =	sld [smem:$0x3FAD]  }
0x28: {  	s2 =	sld [smem:$0x3FAE]  }
0x29: {  	s4 =	sld [smem:$0x3FB0]  }
0x2a: {  	p0 =	seq.s32 s5, $0x0;
	s5 =	sld [smem:$0x3FB1]  }
0x2b: {  	s6 =	sld [smem:$0x3FB2]  }
0x2c: {  	s7 =	sld [smem:$0x3FB3]  }
0x2d: {  	s3 =	simm.s32 $0x108;
	s8 =	sld [smem:$0x3FB4]  }
0x2e: {  	s3 =	simm.s32 @!p0 $0x1082;
	s9 =	sld [smem:$0x3FB5]  }
0x2f: {  	lr =	sadd.s32 s0, s3;
	s0 =	sld [smem:$0x3FAC]  }
0x30: {  	s3 =	sld [smem:$0x3FAF]  }
0x31: {  	[smem:$0x3FB8] =	sst s10  }
0x32: {  	s10 =	sld [smem:$0x3FB6];
	_ =	sdelay $0x3  }
0x33: {  	p0 =	seq.s32 s10, $0x1;
	s10 =	sld [smem:$0x3FB8];
	_ =	sdelay $0x3  }
0x34: {  	[smem:$0x3FB8] =	sst s10  }
0x35: {  	s10 =	sld [smem:$0x3FB7];
	_ =	sdelay $0x3  }
0x36: {  	p1 =	seq.s32 s10, $0x1;
	s10 =	sld [smem:$0x3FB8];
	_ =	sdelay $0x3  }
0x37: {  	[smem:$0x3FB8] =	sst s10  }
0x38: {  	s10 =	sld [smem:$0x3FB9]  }
0x39: {  	_ = 	snop;
	(pc) =	sbr.ind lr, $3  }
0x3a: {  	_ = 	snop  }
0x3b: {  	_ = 	snop  }
0x3c: {  	p2 =	seq.s32 s10, $0x1;
	s10 =	sld [smem:$0x3FB8]  }
0x3d: {  	_ =	shalt  }
0x3e: {  	_ =	shalt  }
0x3f: {  	_ =	shalt  }
0x40: {  	_ =	shalt  }
0x41: {  	_ =	shalt  }
0x42: {  	_ =	shalt  }
0x43: {  	_ =	shalt  }
0x44: {  	_ =	shalt  }
0x45: {  	_ =	shalt  }
0x46: {  	_ =	shalt  }
0x47: {  	_ =	shalt  }
0x48: {  	_ =	shalt  }
0x49: {  	_ =	shalt  }
0x4a: {  	_ =	shalt  }
0x4b: {  	_ =	shalt  }
0x4c: {  	_ =	shalt  }
0x4d: {  	_ =	shalt  }
0x4e: {  	_ =	shalt  }
0x4f: {  	_ =	shalt  }
0x50: {  	_ =	shalt  }
0x51: {  	_ =	shalt  }
0x52: {  	_ =	shalt  }
0x53: {  	_ =	shalt  }
0x54: {  	_ =	shalt  }
0x55: {  	_ =	shalt  }
0x56: {  	_ =	shalt  }
0x57: {  	_ =	shalt  }
0x58: {  	_ =	shalt  }
0x59: {  	_ =	shalt  }
0x5a: {  	_ =	shalt  }
0x5b: {  	_ =	shalt  }
0x5c: {  	_ =	shalt  }
0x5d: {  	_ =	shalt  }
0x5e: {  	_ =	shalt  }
0x5f: {  	_ =	shalt  }
0x60: {  	_ =	shalt  }
0x61: {  	_ =	shalt  }
0x62: {  	_ =	shalt  }
0x63: {  	_ =	shalt  }
0x64: {  	_ =	shalt  }
0x65: {  	_ =	shalt  }
0x66: {  	_ =	shalt  }
0x67: {  	_ =	shalt  }
0x68: {  	_ =	shalt  }
0x69: {  	_ =	shalt  }
0x6a: {  	_ =	shalt  }
0x6b: {  	_ =	shalt  }
0x6c: {  	_ =	shalt  }
0x6d: {  	_ =	shalt  }
0x6e: {  	_ =	shalt  }
0x6f: {  	_ =	shalt  }
0x70: {  	_ =	shalt  }
0x71: {  	_ =	shalt  }
0x72: {  	_ =	shalt  }
0x73: {  	_ =	shalt  }
0x74: {  	_ =	shalt  }
0x75: {  	_ =	shalt  }
0x76: {  	_ =	shalt  }
0x77: {  	_ =	shalt  }
0x78: {  	_ =	shalt  }
0x79: {  	_ =	shalt  }
0x7a: {  	_ =	shalt  }
0x7b: {  	_ =	shalt  }
0x7c: {  	_ =	shalt  }
0x7d: {  	_ =	shalt  }
0x7e: {  	_ =	shalt  }
0x7f: {  	_ =	shalt  }
0x80: {  	_ =	shalt  }
0x81: {  	_ =	shalt  }
0x82: {  	_ =	shalt  }
0x83: {  	_ =	shalt  }
0x84: {  	_ =	shalt  }
0x85: {  	_ =	shalt  }
0x86: {  	_ =	shalt  }
0x87: {  	_ =	shalt  }
.Lfunc_end0:
.L_simem_size_0:
called_computation_lowered:
.L_overlay_start_0:
0x88: {  	s2 =	sld [smem:$0x3FD9]  }
0x89: {  	s3 =	sld [smem:$0x3FFE];
	_ =	sdelay $0x1  }
0x8a: {  	s1 =	srdreg.scid  }
0x8b: {  	s0 =	sand.u32 $0x1, s1  }
0x8c: {  	s18 =	sshll.u32 s0, $0xA;
	s2 =	sadd.s32 s3, s2  }
0x8d: {  	s2 =	sadd.s32 s2, s18  }
0x8e: {  	[smem:$0x3FC4] =	sst s2  }
0x8f: {  	_ = 	snop  }
0x90: {  	s2 =	sld [smem:$0x3FC9]  }
0x91: {  	s19 =	sld [smem:$0x3FC8]  }
0x92: {  	s4 =	sld [smem:$0x3FC7]  }
0x93: {  	s5 =	sld [smem:$0x3FC6]  }
0x94: {  	s6 =	sld [smem:$0x3FD0];
	(tm) =	ssettm $0x1  }
0x95: {  	s7 =	sld [smem:$0x3FFB];
	_ =	sdelay $0x3  }
0x96: {  	_ =	strace s7  }
0x97: {  	s7 =	sld [smem:$0x3FFC];
	_ =	sdelay $0x3  }
0x98: {  	_ =	strace s7  }
0x99: {  	s7 =	sld [smem:$0x3FFD];
	_ =	sdelay $0x3  }
0x9a: {  	_ =	strace s7  }
0x9b: {  	_ =	strace $0x8FFFFFFF  }
0x9c: {  	s20 =	sld [smem:$0x3FDB];
	_ =	sdelay $0x1  }
0x9d: {  	s8 =	simm.s32 $_scs_section_size  }
0x9e: {  	s9 =	simm.s32 $_size__tile_overlayer_lowered;
	s10 =	simm.s32 $_tile_overlayer_lowered  }
0x9f: {  	s23 =	simm.s32 $0x1BFF;
	s22 =	sshll.u32 s10, $0x1;
	s7 =	sadd.s32 s8, s20  }
0xa0: {  	s11 =	simm.s32 $0x0;
	s21 =	sshll.u32 s9, $0x1;
	s9 =	sadd.s32 s22, s7  }
0xa1: {  	[timem:s11], [sflag:s23] =	dma.local [hbm:s9], s21  }
0xa2: {  	_ =	swait.ge [sflag:s23], s21  }
0xa3: {  	s8 =	ssub.s32 $0x0, s21;
	[sflag:s23] =	ssyncset.done $0x0  }
0xa4: {  	[sflag:s23] =	ssyncadd.s32 s8;
	_ =	sdelay $0x1  }
0xa5: {  	s24 =	simm.s32 $0x1B8B  }
0xa6: {  	_ =	swait.ge [sflag:s24], $0x1  }
0xa7: {  	[sflag:s24] =	ssyncset.done $0x0  }
0xa8: {  	s25 =	simm.s32 $0x1B8E;
	[sflag:s24] =	ssyncadd.s32 $0xFFFFFFFF  }
0xa9: {  	s26 =	simm.s32 $execute0_lowered;
	[smem:$0x3FD2] =	sst s25  }
0xaa: {  	s8 =	sshll.u32 s26, $0x1;
	_ =	strace $0x80000046;
	[dreg:$0x1] =	wrdreg $0xFFFFFFFF  }
0xab: {  	s28 =	simm.s32 $_size_execute0_lowered;
	s7 =	sadd.s32 s7, s8;
	[dreg:$0x0] =	wrdreg $0x0  }
0xac: {  	s8 =	sshll.u32 s28, $0x1;
	[dreg:$0x2] =	wrdreg s7  }
0xad: {  	[dreg:$0x3] =	wrdreg s8  }
0xae: {  	[dreg:$0x4] =	wrdreg $0xC0  }
0xaf: {  	_ =	task [dreg:s11], $0x5FFFF  }
0xb0: {  	[dreg:$0x1] =	wrdreg $0xFFFFFFFF  }
0xb1: {  	[dreg:$0x0] =	wrdreg $0x60  }
0xb2: {  	[dreg:$0x2] =	wrdreg s2  }
0xb3: {  	[dreg:$0x3] =	wrdreg s19  }
0xb4: {  	[dreg:$0x4] =	wrdreg s4  }
0xb5: {  	[dreg:$0x5] =	wrdreg s5  }
0xb6: {  	[dreg:$0x6] =	wrdreg s6  }
0xb7: {  	[dreg:$0x7] =	wrdreg $0x9  }
0xb8: {  	_ =	task.clear_ibuf [dreg:s11], $0x8FFFF;
	_ =	strace $0x90000046  }
0xb9: {  	s29 =	simm.s32 $0x9;
	_ =	strace $0x80000048  }
0xba: {  	_ =	swait.ge [sflag:s29], $0x1  }
0xbb: {  	[sflag:s29] =	ssyncadd.s32 $0xFFFFFFFF  }
0xbc: {  	_ =	strace $0x90000048  }
0xbd: {  	_ =	sfence  }
0xbe: {  	s30 =	sld [smem:$0x0];
	_ =	sdelay $0x2  }
0xbf: {  	s31 =	sshll.u32 s1, $0xD;
	s1 =	sshrl.u32 s1, $0x2  }
0xc0: {  	s3 =	sand.u32 $0x4000, s31;
	s1 =	sadd.s32 s1, s30  }
0xc1: {  	s0 =	sor.u32 s3, s0;
	s1 =	sshll.u32 s1, $0x11  }
0xc2: {  	s0 =	sor.u32 s1, s0  }
0xc3: {  	s0 =	sadd.s32 $0x8F2B, s0  }
0xc4: {  	[sflag:s0] =	ssyncadd.remote.s32 $0x1  }
0xc5: {  	_ =	sfence.sel $0xFFFF  }
0xc6: {  	[dreg:$0x0] =	wrdreg $0xFFFFFFFF;
	(pc) =	sbr.abs _section_cstart, $3  }
0xc7: {  	[dreg:$0x1] =	wrdreg $0xFFFFFFFF  }
0xc8: {  	_ =	task.clear_ibuf [dreg:s11], $0x2FFFF;
	_ =	strace $0x9FFFFFFF  }
0xc9: {  	(tm) =	ssettm $0x7FFFFFFF  }
tec
execute0_lowered:
.L_overlay_start_1:
0x0: {  	(tag) =	ssettag $0x1  }
0x1: {  	s0 =	rddreg [dreg:$0x0]  }
0x2: {  	s3 =	rddreg [dreg:$0x1]  }
0x3: {  	s1 =	rddreg [dreg:$0x2];
	v0 =	vlaneseq.u32;
	v1 =	vimm.s32 $0x76543210;
	v2 =	vimm.s32 $0xFEDCBA98  }
0x4: {  	s2 =	rddreg [dreg:$0x3];
	v3 =	vimm.s32 $0xBA98FEDC;
	v4 =	vimm.s32 $0x32107654;
	v5 =	vimm.s32 $0xDCFE98BA  }
0x5: {  	s4 =	rddreg [dreg:$0x4];
	v6 =	vimm.s32 $0x54761032;
	v7 =	vimm.s32 $0xEFCDAB89;
	v8 =	vimm.s32 $0x67452301  }
0x6: {  	s20 =	simm.s32 $0x0;
	s5 =	srdreg.scid;
	s7 =	stileid.u32;
	vm0 =	vmmov $0x1;
	vm1 =	vcmask $0x320;
	vm2 =	vcmask $0x720  }
0x7: {  	s22 =	simm.s32 $0x3;
	s11 =	simm.s32 $0x7A1400;
	s12 =	simm.s32 $0x400;
	vm3 =	vcmask $0xB20;
	vm4 =	vcmask $0xF20;
	vm5 =	vcmask $0x1320  }
0x8: {  	s13 =	simm.s32 $0x4400;
	s28 =	simm.s32 $0x7C00;
	s29 =	simm.s32 $0x8400;
	vm6 =	vcmask $0x1720;
	vm7 =	vcmask $0x1B20;
	vm8 =	vmmov $0xff  }
0x9: {  	s30 =	simm.s32 $0xC400;
	s31 =	simm.s32 $0x8C00;
	s10 =	simm.s32 $0xD400;
	vm9 =	vmmov $0x1ff;
	vm10 =	vmmov $0x3ff;
	vm11 =	vmmov $0x7ff  }
0xa: {  	s14 =	simm.s32 $0xB400;
	s15 =	simm.s32 $0xF400;
	vm12 =	vmmov $0xfff;
	s16 =	simm.s32 $0xBC00;
	vm13 =	vmmov $0x1fff;
	vm14 =	vmmov $0x3fff  }
0xb: {  	s17 =	simm.s32 $0xFC00;
	s18 =	simm.s32 $0x1;
	vm15 =	vmmov $0x7fff;
	s19 =	simm.s32 $0x2;
	v1 =	vunpack.c.l.s4.s8 v1;
	v2 =	vunpack.c.l.s4.s8 v2  }
0xc: {  	s23 =	simm.s32 $0x0;
	[smem:$0x7FF] =	sst s20;
	s5 =	sand.u32 $0x1, s5;
	v3 =	vunpack.c.l.s4.s8 v3;
	v4 =	vunpack.c.l.s4.s8 v4;
	v5 =	vunpack.c.l.s4.s8 v5  }
0xd: {  	s7 =	sshll.u32 s7, $0x7;
	v6 =	vunpack.c.l.s4.s8 v6;
	v7 =	vunpack.c.l.s4.s8 v7;
	v8 =	vunpack.c.l.s4.s8 v8;
	s6 =	ssub.s32 $0x2, s5;
	s5 =	sshll.u32 s5, $0x6  }
0xe: {  	v0 =	vmul.u32 $0x80, v0;
	_ =	strace $0x80000047;
	s8 =	sshrl.u32 s6, $0x1;
	s9 =	sor.u32 s5, s7;
	v3 =	vunpack.c.0.s8.s32 v3;
	v4 =	vunpack.c.0.s8.s32 v4  }
0xf: {  	s25 =	sadd.s32 s4, s5;
	v5 =	vunpack.c.0.s8.s32 v5;
	v6 =	vunpack.c.0.s8.s32 v6;
	v2 =	vunpack.c.0.s8.s32 v2;
	s4 =	simm.s32 $0x9400;
	s5 =	simm.s32 $0x9C00  }
0x10: {  	v7 =	vunpack.c.0.s8.s32 v7;
	v8 =	vunpack.c.0.s8.s32 v8;
	v1 =	vunpack.c.0.s8.s32 v1;
	s6 =	ssub.s32 s6, s8;
	s0 =	sadd.s32 s0, s9;
	s3 =	sadd.s32 s3, s9  }
.Ltmp0:
0x11: {  	v9 =	vor.u32 $0x2800, v0;
	v10 =	vor.u32 $0x3000, v0;
	v11 =	vor.u32 $0x3800, v0;
	s8 =	simm.s32 $0xE400;
	[dreg:$0x6] =	wrdreg s0;
	(pc) =	sbr.rel .LBB2_1-.Ltmp0, $4  }
0x12: {  	s9 =	simm.s32 $0xEC00;
	[dreg:$0x7] =	wrdreg s3;
	s0 =	sadd.s32 s7, s25;
	v3 =	vcombine.low v4, v3;
	v4 =	vcombine.low v6, v5;
	v2 =	vand.u32 $0xF, v2  }
0x13: {  	s26 =	smax.u32 s6, $0x1;
	v5 =	vcombine.low v8, v7;
	s25 =	simm.s32 $0x7400;
	v6 =	vor.u32 $0x1000, v0;
	v7 =	vor.u32 $0x1800, v0;
	s6 =	simm.s32 $0xDC00  }
0x14: {  	v8 =	vor.u32 $0x2000, v0;
	s7 =	simm.s32 $0xA400;
	s3 =	simm.s32 $0xAC00;
	[dreg:$0x8] =	wrdreg s0;
	v1 =	vcombine.low v2, v1;
	v2 =	vand.u32 $0xF, v3  }
0x15: {  	[dreg:$0x9] =	wrdreg s26;
	s26 =	simm.s32 $0x3C00;
	s0 =	simm.s32 $0xCC00;
	v3 =	vand.u32 $0xF, v4;
	v4 =	vand.u32 $0xF, v5;
	v5 =	vor.u32 $0x800, v0  }
.LBB2_5:
0x16: {  	s20 =	simm.s32 $0x0;
	s21 =	rddreg [dreg:$0x8];
	s22 =	simm.s32 $0x10400  }
0x17: {  	[hbm4b:s21+s20] =	stream.linear.scatter [tilespmem:s22], [sflag:$0x3], $0x200, $0x38;
	[tilespmem:$0x10600] =	vst v63  }
0x18: {  	s22 =	simm.s32 $0x3  }
0x19: {  	_ =	swait.ge [sflag:s22], $0x200  }
0x1a: {  	s23 =	rddreg [dreg:$0xa]  }
0x1b: {  	s24 =	rddreg [dreg:$0x9];
	s23 =	sadd.s32 $0x1, s23  }
0x1c: {  	p0 =	sne.s32 s23, s24  }
.Ltmp1:
0x1d: {  	_ = 	snop;
	(pc) =	sbr.rel @!p0 .LBB2_6-.Ltmp1, $3  }
0x1e: {  	_ =	sdelay $0x1  }
0x1f: {  	[sflag:s22] =	ssyncset.done $0x0  }
0x20: {  	[sflag:s22] =	ssyncadd.s32 $0xFFFFFE00  }
.LBB2_1:
0x21: {  	[dreg:$0xa] =	wrdreg s23  }
0x22: {  	s21 =	rddreg [dreg:$0x6]  }
0x23: {  	[tilespmem:s20], [sflag:$0x3] =	stream.linear.gather [hbm4b:s21+s20], $0x200, $0x38;
	[tilespmem:$0x10600] =	vst v63  }
0x24: {  	_ =	swait.ge [sflag:s22], $0x200  }
0x25: {  	[sflag:s22] =	ssyncset.done $0x0  }
0x26: {  	s24 =	simm.s32 $0x200;
	s23 =	rddreg [dreg:$0x7];
	[sflag:s22] =	ssyncadd.s32 $0xFFFFFE00  }
0x27: {  	[tilespmem:s24], [sflag:$0x3] =	stream.linear.gather [hbm4b:s23+s20], $0x200, $0x38;
	[tilespmem:$0x10600] =	vst v63  }
0x28: {  	_ =	swait.ge [sflag:s22], $0x200  }
0x29: {  	[sflag:s22] =	ssyncset.done $0x0  }
0x2a: {  	[sflag:s22] =	ssyncadd.s32 $0xFFFFFE00  }
0x2b: {  	v12 =	vld [tilespmem:$0x0];
	_ =	sdelay $0x1  }
0x2c: {  	v13 =	vld [tilespmem:$0x200];
	_ =	sdelay $0x2  }
0x2d: {  	v12 =	vshrl.u32 v12, $0x7  }
0x2e: {  	v12 =	vshll.u32 v12, $0x7  }
0x2f: {  	v13 =	vshrl.u32 v13, $0x7;
	(v2sf) =	vpush v12, $0x0  }
0x30: {  	v13 =	vshll.u32 v13, $0x7  }
0x31: {  	(v2sf) =	vpush v13, $0x0;
	_ =	sdelay $0x2  }
0x32: {  	(v2sf) =	vpush v12, $0x1;
	_ =	sdelay $0x3  }
0x33: {  	(v2sf) =	vpush v13, $0x1;
	_ =	sdelay $0x5  }
0x34: {  	s22 =	spop (v2sf);
	(v2sf) =	vpush v12, $0x2;
	_ =	sdelay $0x1  }
0x35: {  	s24 =	spop (v2sf);
	(v2sf) =	vpush v13, $0x2;
	_ =	sdelay $0x2  }
0x36: {  	s20 =	sand.u32 $0x1FFFFF80, s22;
	s21 =	spop (v2sf);
	(v2sf) =	vpush v12, $0x3  }
0x37: {  	s20 =	sadd.s32 s1, s20  }
0x38: {  	[tilespmem:s12], [sflag:$0x1] =	stream.strided.gather [hbm4b:s20+s12], $0x800, s11, s12, $0x38;
	[tilespmem:$0x10600] =	vst v63  }
0x39: {  	s20 =	sand.u32 $0x1FFFFF80, s24  }
0x3a: {  	s22 =	spop (v2sf);
	s20 =	sadd.s32 s2, s20  }
0x3b: {  	(v2sf) =	vpush v13, $0x3;
	[tilespmem:s13], [sflag:$0x1] =	stream.strided.gather [hbm4b:s20+s12], $0x800, s11, s12, $0x38;
	[tilespmem:$0x10600] =	vst v63  }
0x3c: {  	s20 =	sand.u32 $0x1FFFFF80, s21  }
0x3d: {  	s23 =	simm.s32 $0xC00;
	s20 =	sadd.s32 s1, s20  }
0x3e: {  	[tilespmem:s23], [sflag:$0x1] =	stream.strided.gather [hbm4b:s20+s12], $0x800, s11, s12, $0x38;
	[tilespmem:$0x10600] =	vst v63  }
0x3f: {  	s20 =	sand.u32 $0x1FFFFF80, s22  }
0x40: {  	s24 =	simm.s32 $0x4C00;
	s20 =	sadd.s32 s2, s20;
	s22 =	spop (v2sf);
	(v2sf) =	vpush v12, $0x4  }
0x41: {  	[tilespmem:s24], [sflag:$0x1] =	stream.strided.gather [hbm4b:s20+s12], $0x800, s11, s12, $0x38;
	[tilespmem:$0x10600] =	vst v63  }
0x42: {  	s20 =	sand.u32 $0x1FFFFF80, s22;
	s22 =	spop (v2sf);
	(v2sf) =	vpush v13, $0x4  }
0x43: {  	s24 =	simm.s32 $0x1400;
	s20 =	sadd.s32 s1, s20  }
0x44: {  	[tilespmem:s24], [sflag:$0x1] =	stream.strided.gather [hbm4b:s20+s12], $0x800, s11, s12, $0x38;
	[tilespmem:$0x10600] =	vst v63  }
0x45: {  	s20 =	sand.u32 $0x1FFFFF80, s22;
	s22 =	spop (v2sf);
	(v2sf) =	vpush v12, $0x5;
	_ =	sdelay $0x2  }
0x46: {  	s24 =	simm.s32 $0x5400;
	s20 =	sadd.s32 s2, s20  }
0x47: {  	[tilespmem:s24], [sflag:$0x1] =	stream.strided.gather [hbm4b:s20+s12], $0x800, s11, s12, $0x38;
	[tilespmem:$0x10600] =	vst v63  }
0x48: {  	s20 =	sand.u32 $0x1FFFFF80, s22;
	s22 =	spop (v2sf);
	(v2sf) =	vpush v13, $0x5;
	_ =	sdelay $0x1  }
0x49: {  	s24 =	simm.s32 $0x1C00;
	s20 =	sadd.s32 s1, s20  }
0x4a: {  	[tilespmem:s24], [sflag:$0x1] =	stream.strided.gather [hbm4b:s20+s12], $0x800, s11, s12, $0x38;
	[tilespmem:$0x10600] =	vst v63  }
0x4b: {  	s20 =	sand.u32 $0x1FFFFF80, s22  }
0x4c: {  	s24 =	simm.s32 $0x5C00;
	s20 =	sadd.s32 s2, s20;
	s22 =	spop (v2sf);
	(v2sf) =	vpush v12, $0x6  }
0x4d: {  	[tilespmem:s24], [sflag:$0x1] =	stream.strided.gather [hbm4b:s20+s12], $0x800, s11, s12, $0x38;
	[tilespmem:$0x10600] =	vst v63  }
0x4e: {  	s20 =	sand.u32 $0x1FFFFF80, s22;
	s22 =	spop (v2sf);
	(v2sf) =	vpush v13, $0x6  }
0x4f: {  	s24 =	simm.s32 $0x2400;
	s20 =	sadd.s32 s1, s20  }
0x50: {  	[tilespmem:s24], [sflag:$0x1] =	stream.strided.gather [hbm4b:s20+s12], $0x800, s11, s12, $0x38;
	[tilespmem:$0x10600] =	vst v63  }
0x51: {  	s20 =	sand.u32 $0x1FFFFF80, s22;
	s22 =	spop (v2sf);
	(v2sf) =	vpush v12, $0x7;
	_ =	sdelay $0x1  }
0x52: {  	s24 =	simm.s32 $0x6400;
	s20 =	sadd.s32 s2, s20  }
0x53: {  	[tilespmem:s24], [sflag:$0x1] =	stream.strided.gather [hbm4b:s20+s12], $0x800, s11, s12, $0x38;
	[tilespmem:$0x10600] =	vst v63  }
0x54: {  	s20 =	sand.u32 $0x1FFFFF80, s22  }
0x55: {  	s24 =	simm.s32 $0x2C00;
	s22 =	spop (v2sf);
	(v2sf) =	vpush v13, $0x7;
	s20 =	sadd.s32 s1, s20  }
0x56: {  	[tilespmem:s24], [sflag:$0x1] =	stream.strided.gather [hbm4b:s20+s12], $0x800, s11, s12, $0x38;
	[tilespmem:$0x10600] =	vst v63  }
0x57: {  	s20 =	sand.u32 $0x1FFFFF80, s22  }
0x58: {  	s24 =	simm.s32 $0x6C00;
	s20 =	sadd.s32 s2, s20  }
0x59: {  	[tilespmem:s24], [sflag:$0x1] =	stream.strided.gather [hbm4b:s20+s12], $0x800, s11, s12, $0x38;
	[tilespmem:$0x10600] =	vst v63  }
0x5a: {  	s22 =	spop (v2sf)  }
0x5b: {  	s20 =	sand.u32 $0x1FFFFF80, s22  }
0x5c: {  	s24 =	simm.s32 $0x3400;
	s21 =	spop (v2sf);
	s20 =	sadd.s32 s1, s20  }
0x5d: {  	[tilespmem:s24], [sflag:$0x1] =	stream.strided.gather [hbm4b:s20+s12], $0x800, s11, s12, $0x38;
	[tilespmem:$0x10600] =	vst v63  }
0x5e: {  	s20 =	sand.u32 $0x1FFFFF80, s21  }
0x5f: {  	s22 =	spop (v2sf);
	s20 =	sadd.s32 s2, s20  }
0x60: {  	[tilespmem:s25], [sflag:$0x1] =	stream.strided.gather [hbm4b:s20+s12], $0x800, s11, s12, $0x38;
	[tilespmem:$0x10600] =	vst v63  }
0x61: {  	s20 =	sand.u32 $0x1FFFFF80, s22  }
0x62: {  	s20 =	sadd.s32 s1, s20  }
0x63: {  	[tilespmem:s26], [sflag:$0x1] =	stream.strided.gather [hbm4b:s20+s12], $0x800, s11, s12, $0x38;
	[tilespmem:$0x10600] =	vst v63  }
.Ltmp2:
0x64: {  	s24 =	spop (v2sf);
	(pc) =	sbr.rel .LBB2_2-.Ltmp2, $4  }
0x65: {  	s20 =	sand.u32 $0x1FFFFF80, s24  }
0x66: {  	s20 =	sadd.s32 s2, s20  }
0x67: {  	[tilespmem:s28], [sflag:$0x1] =	stream.strided.gather [hbm4b:s20+s12], $0x800, s11, s12, $0x38;
	[tilespmem:$0x10600] =	vst v63  }
0x68: {  	s20 =	simm.s32 $0x0  }
.LBB2_4:
0x69: {  	_ =	swait.ge [sflag:s19], $0x800  }
0x6a: {  	[sflag:s19] =	ssyncset.done $0x0  }
0x6b: {  	[sflag:s19] =	ssyncadd.s32 $0xFFFFF800  }
0x6c: {  	_ =	swait.ge [sflag:s19], $0x800  }
0x6d: {  	[sflag:s19] =	ssyncset.done $0x0  }
0x6e: {  	[sflag:s19] =	ssyncadd.s32 $0xFFFFF800  }
0x6f: {  	_ =	swait.ge [sflag:s19], $0x800  }
0x70: {  	[sflag:s19] =	ssyncset.done $0x0  }
0x71: {  	[sflag:s19] =	ssyncadd.s32 $0xFFFFF800  }
0x72: {  	_ =	swait.ge [sflag:s19], $0x800  }
0x73: {  	[sflag:s19] =	ssyncset.done $0x0  }
0x74: {  	[sflag:s19] =	ssyncadd.s32 $0xFFFFF800  }
0x75: {  	_ =	swait.ge [sflag:s19], $0x800  }
0x76: {  	[sflag:s19] =	ssyncset.done $0x0  }
0x77: {  	[sflag:s19] =	ssyncadd.s32 $0xFFFFF800  }
0x78: {  	_ =	swait.ge [sflag:s19], $0x800  }
0x79: {  	[sflag:s19] =	ssyncset.done $0x0  }
0x7a: {  	[sflag:s19] =	ssyncadd.s32 $0xFFFFF800  }
0x7b: {  	_ =	swait.ge [sflag:s19], $0x800  }
0x7c: {  	[sflag:s19] =	ssyncset.done $0x0  }
0x7d: {  	[sflag:s19] =	ssyncadd.s32 $0xFFFFF800  }
0x7e: {  	_ =	swait.ge [sflag:s19], $0x800  }
0x7f: {  	[sflag:s19] =	ssyncset.done $0x0  }
0x80: {  	[sflag:s19] =	ssyncadd.s32 $0xFFFFF800  }
0x81: {  	_ =	swait.ge [sflag:s19], $0x800  }
0x82: {  	[sflag:s19] =	ssyncset.done $0x0  }
0x83: {  	[sflag:s19] =	ssyncadd.s32 $0xFFFFF800  }
0x84: {  	_ =	swait.ge [sflag:s19], $0x800  }
0x85: {  	[sflag:s19] =	ssyncset.done $0x0  }
0x86: {  	[sflag:s19] =	ssyncadd.s32 $0xFFFFF800  }
0x87: {  	_ =	swait.ge [sflag:s19], $0x800  }
0x88: {  	[sflag:s19] =	ssyncset.done $0x0  }
0x89: {  	[sflag:s19] =	ssyncadd.s32 $0xFFFFF800  }
0x8a: {  	_ =	swait.ge [sflag:s19], $0x800  }
0x8b: {  	[sflag:s19] =	ssyncset.done $0x0  }
0x8c: {  	[sflag:s19] =	ssyncadd.s32 $0xFFFFF800  }
0x8d: {  	v24 =	vmul.f32 v25, v24;
	_ =	swait.ge [sflag:s19], $0x800  }
0x8e: {  	v34 =	vmul.f32 v27, v26;
	v21 =	vmul.f32 v23, v21;
	[sflag:s19] =	ssyncset.done $0x0  }
0x8f: {  	v20 =	vmul.f32 v22, v20;
	v16 =	vmul.f32 v18, v16;
	[sflag:s19] =	ssyncadd.s32 $0xFFFFF800  }
0x90: {  	v17 =	vmul.f32 v19, v17;
	v14 =	vmul.f32 v15, v14;
	_ =	swait.ge [sflag:s19], $0x800  }
0x91: {  	v12 =	vmul.f32 v13, v12;
	v35 =	vperm.xlane v24, v1;
	[sflag:s19] =	ssyncset.done $0x0  }
0x92: {  	v27 =	vperm.xlane v34, v1;
	v38 =	vperm.xlane v21, v1;
	[sflag:s19] =	ssyncadd.s32 $0xFFFFF800  }
0x93: {  	v42 =	vperm.xlane v20, v1;
	v46 =	vperm.xlane v16, v1;
	_ =	swait.ge [sflag:s19], $0x800  }
0x94: {  	v47 =	vperm.xlane v17, v1;
	v24 =	vadd.f32 v35, v24;
	v25 =	vadd.f32 v27, v34;
	[sflag:s19] =	ssyncset.done $0x0  }
0x95: {  	v60 =	vperm.xlane v14, v1;
	v21 =	vadd.f32 v38, v21;
	v20 =	vadd.f32 v42, v20;
	[sflag:s19] =	ssyncadd.s32 $0xFFFFF800  }
0x96: {  	v16 =	vadd.f32 v46, v16;
	v17 =	vadd.f32 v47, v17;
	v26 =	vperm.xlane v24, v2;
	_ =	swait.ge [sflag:s19], $0x800  }
0x97: {  	v14 =	vadd.f32 v60, v14;
	v27 =	vperm.xlane v25, v2;
	v29 =	vperm.xlane v21, v2;
	[sflag:s19] =	ssyncset.done $0x0  }
0x98: {  	v45 =	vperm.xlane v20, v2;
	v52 =	vperm.xlane v16, v2;
	v24 =	vadd.f32 v26, v24;
	[sflag:s19] =	ssyncadd.s32 $0xFFFFF800  }
0x99: {  	v30 =	vperm.xlane v17, v2;
	v25 =	vadd.f32 v27, v25;
	v21 =	vadd.f32 v29, v21;
	v40 =	vld [tilespmem:s21+$0x0]  }
0x9a: {  	v35 =	vperm.xlane v12, v1;
	v19 =	vadd.f32 v45, v20;
	v16 =	vadd.f32 v52, v16;
	v43 =	vld [tilespmem:s21+$0x200]  }
0x9b: {  	v17 =	vadd.f32 v30, v17;
	v36 =	vperm.xlane v24, v3;
	v37 =	vperm.xlane v25, v3  }
0x9c: {  	v12 =	vadd.f32 v35, v12;
	v29 =	vperm.xlane v21, v3;
	v31 =	vperm.xlane v19, v3  }
0x9d: {  	v55 =	vperm.xlane v16, v3;
	v58 =	vperm.xlane v17, v3;
	v23 =	vadd.f32 v36, v24  }
0x9e: {  	v39 =	vadd.f32 v37, v25;
	v21 =	vadd.f32 v29, v21;
	v24 =	vand.u32 $0x7F, v40  }
0x9f: {  	v19 =	vadd.f32 v31, v19;
	v26 =	vand.u32 $0x7F, v43;
	v48 =	vbroadcast v24, $0x8  }
0xa0: {  	v16 =	vadd.f32 v55, v16;
	v41 =	vperm.xlane v23, v4;
	v49 =	vbroadcast v26, $0x8  }
0xa1: {  	v28 =	vperm.xlane v39, v4;
	v51 =	vbroadcast v24, $0x9;
	v50 =	vor.u32 v0, v48  }
0xa2: {  	v23 =	vadd.f32 v41, v23;
	v53 =	vbroadcast v26, $0x9;
	v20 =	vor.u32 v0, v49  }
0xa3: {  	v44 =	vadd.f32 v28, v39;
	v37 =	vbroadcast v24, $0xA;
	v25 =	vor.u32 v5, v51  }
0xa4: {  	v23 =	vnsel vm0, $0x0, v23;
	v42 =	vbroadcast v26, $0xB;
	v54 =	vor.u32 v5, v53  }
0xa5: {  	v18 =	vsel vm1, v23, v44;
	v44 =	vbroadcast v24, $0xC;
	v39 =	vor.u32 v6, v37  }
0xa6: {  	v17 =	vadd.f32 v58, v17;
	v46 =	vbroadcast v26, $0xC;
	v45 =	vor.u32 v7, v42;
	v56 =	vld.idx.msk [tilespmem:v50+s29+$0x0], $0xffff  }
0xa7: {  	v38 =	vbroadcast v26, $0xA;
	v34 =	vbroadcast v24, $0xE;
	v47 =	vor.u32 v8, v44;
	v20 =	vld.idx.msk [tilespmem:v20+s30+$0x0], $0xffff  }
0xa8: {  	v40 =	vbroadcast v24, $0xB;
	v48 =	vbroadcast v24, $0xD;
	v28 =	vor.u32 v8, v46;
	v25 =	vld.idx.msk [tilespmem:v25+s29+$0x0], $0xffff  }
0xa9: {  	v32 =	vbroadcast v26, $0xD;
	v52 =	vor.u32 v10, v34;
	v24 =	vbroadcast v24, $0xF;
	v61 =	vld.idx.msk [tilespmem:v54+s30+$0x0], $0xffff  }
0xaa: {  	v51 =	vbroadcast v26, $0xE;
	v26 =	vbroadcast v26, $0xF;
	v30 =	vor.u32 v9, v48;
	v23 =	vld.idx.msk [tilespmem:v39+s29+$0x0], $0xffff  }
0xab: {  	v36 =	vperm.xlane v14, v2;
	v57 =	vperm.xlane v21, v4;
	v24 =	vor.u32 v11, v24;
	v27 =	vld.idx.msk [tilespmem:v45+s30+$0x0], $0xffff  }
0xac: {  	v59 =	vperm.xlane v19, v4;
	v63 =	vperm.xlane v17, v4;
	v26 =	vor.u32 v11, v26;
	v29 =	vld.idx.msk [tilespmem:v47+s29+$0x0], $0xffff  }
0xad: {  	v53 =	vperm.xlane v12, v2;
	v50 =	vor.u32 v9, v32;
	v28 =	vld.idx.msk [tilespmem:v28+s30+$0x0], $0xffff;
	v15 =	vmul.f32 v20, v56  }
0xae: {  	v19 =	vadd.f32 v59, v19;
	v32 =	vor.u32 v10, v51;
	v59 =	vld.idx.msk [tilespmem:v52+s29+$0x0], $0xffff;
	v13 =	vmul.f32 v61, v25  }
0xaf: {  	v12 =	vadd.f32 v53, v12;
	v30 =	vld.idx.msk [tilespmem:v30+s29+$0x0], $0xffff;
	v20 =	vor.u32 v6, v38;
	v41 =	vperm.xlane v15, v1  }
0xb0: {  	v17 =	vadd.f32 v63, v17;
	v63 =	vld.idx.msk [tilespmem:v24+s29+$0x0], $0xffff;
	v25 =	vor.u32 v7, v40;
	v43 =	vperm.xlane v13, v1  }
0xb1: {  	v21 =	vadd.f32 v57, v21;
	v58 =	vperm.xlane v12, v3;
	v34 =	vld.idx.msk [tilespmem:v26+s30+$0x0], $0xffff;
	v15 =	vadd.f32 v41, v15  }
0xb2: {  	v62 =	vperm.xlane v16, v4;
	v14 =	vadd.f32 v36, v14;
	v57 =	vld.idx.msk [tilespmem:v50+s30+$0x0], $0xffff;
	v13 =	vadd.f32 v43, v13  }
0xb3: {  	v18 =	vsel vm2, v18, v21;
	v12 =	vadd.f32 v58, v12;
	v61 =	vld.idx.msk [tilespmem:v32+s30+$0x0], $0xffff;
	v49 =	vperm.xlane v15, v2  }
0xb4: {  	v16 =	vadd.f32 v62, v16;
	v18 =	vsel vm3, v18, v19;
	v20 =	vld.idx.msk [tilespmem:v20+s30+$0x0], $0xffff;
	v33 =	vperm.xlane v13, v2  }
0xb5: {  	v36 =	vperm.xlane v12, v4;
	v37 =	vmul.f32 v28, v29;
	v25 =	vld.idx.msk [tilespmem:v25+s29+$0x0], $0xffff;
	v15 =	vadd.f32 v49, v15  }
0xb6: {  	v56 =	vperm.xlane v14, v3;
	v21 =	vmul.f32 v34, v63;
	v13 =	vadd.f32 v33, v13  }
0xb7: {  	v16 =	vsel vm4, v18, v16;
	v41 =	vperm.xlane v37, v1;
	v54 =	vperm.xlane v15, v3  }
0xb8: {  	v16 =	vsel vm5, v16, v17;
	v46 =	vperm.xlane v21, v1;
	v55 =	vperm.xlane v13, v3  }
0xb9: {  	v39 =	vmul.f32 v57, v30;
	v32 =	vmul.f32 v20, v23;
	v15 =	vadd.f32 v54, v15  }
0xba: {  	v19 =	vmul.f32 v61, v59;
	v35 =	vmul.f32 v27, v25;
	v13 =	vadd.f32 v55, v13  }
0xbb: {  	v14 =	vadd.f32 v56, v14;
	v38 =	vperm.xlane v32, v1;
	v60 =	vperm.xlane v15, v4  }
0xbc: {  	v21 =	vadd.f32 v46, v21;
	v40 =	vperm.xlane v35, v1;
	v62 =	vperm.xlane v13, v4  }
0xbd: {  	v42 =	vperm.xlane v39, v1;
	v18 =	vadd.f32 v38, v32;
	v15 =	vadd.f32 v60, v15  }
0xbe: {  	v44 =	vperm.xlane v19, v1;
	v17 =	vadd.f32 v40, v35;
	v13 =	vadd.f32 v62, v13  }
0xbf: {  	v25 =	vadd.f32 v41, v37;
	v43 =	vperm.xlane v18, v2;
	v15 =	vsel vm8, $0x0, v15  }
0xc0: {  	v45 =	vperm.xlane v17, v2;
	v13 =	vsel vm9, v15, v13;
	v15 =	vadd.f32 v42, v39  }
0xc1: {  	v19 =	vadd.f32 v44, v19;
	v47 =	vperm.xlane v25, v2;
	v18 =	vadd.f32 v43, v18  }
0xc2: {  	v33 =	vperm.xlane v14, v4;
	v17 =	vadd.f32 v45, v17;
	v48 =	vperm.xlane v15, v2  }
0xc3: {  	v50 =	vperm.xlane v19, v2;
	v23 =	vadd.f32 v47, v25;
	v49 =	vperm.xlane v18, v3  }
0xc4: {  	v51 =	vperm.xlane v21, v2;
	v27 =	vperm.xlane v17, v3;
	v15 =	vadd.f32 v48, v15  }
0xc5: {  	v19 =	vadd.f32 v50, v19;
	v52 =	vperm.xlane v23, v3;
	v18 =	vadd.f32 v49, v18  }
0xc6: {  	v21 =	vadd.f32 v51, v21;
	v17 =	vadd.f32 v27, v17;
	v53 =	vperm.xlane v15, v3  }
0xc7: {  	v55 =	vperm.xlane v19, v3;
	v22 =	vadd.f32 v52, v23;
	v54 =	vperm.xlane v18, v4  }
0xc8: {  	v56 =	vperm.xlane v21, v3;
	v27 =	vperm.xlane v17, v4;
	v15 =	vadd.f32 v53, v15  }
0xc9: {  	v19 =	vadd.f32 v55, v19;
	v57 =	vperm.xlane v22, v4;
	v18 =	vadd.f32 v54, v18  }
0xca: {  	v21 =	vadd.f32 v56, v21;
	v17 =	vadd.f32 v27, v17;
	v58 =	vperm.xlane v15, v4  }
0xcb: {  	v60 =	vperm.xlane v19, v4;
	v59 =	vadd.f32 v57, v22;
	v13 =	vsel vm10, v13, v18  }
0xcc: {  	v61 =	vperm.xlane v21, v4;
	v13 =	vsel vm11, v13, v17;
	v15 =	vadd.f32 v58, v15  }
0xcd: {  	s20 =	sadd.s32 $0x40, s20;
	v14 =	vadd.f32 v33, v14;
	v62 =	vadd.f32 v60, v19;
	v13 =	vsel vm12, v13, v59  }
0xce: {  	p0 =	sne.s32 s20, $0x800;
	v12 =	vadd.f32 v36, v12;
	v63 =	vadd.f32 v61, v21;
	v13 =	vsel vm13, v13, v15  }
.Ltmp3:
0xcf: {  	v14 =	vsel vm6, v16, v14;
	v13 =	vsel vm14, v13, v62;
	(pc) =	sbr.rel @!p0 .LBB2_5-.Ltmp3, $3  }
0xd0: {  	v12 =	vsel vm7, v14, v12;
	v13 =	vsel vm15, v13, v63  }
0xd1: {  	v12 =	vadd.f32 v13, v12;
	_ =	sdelay $0x1  }
0xd2: {  	[tilespmem:s21+$0x10400] =	vst v12  }
.LBB2_2:
0xd3: {  	s21 =	sshra.s32 s20, $0x2  }
0xd4: {  	v12 =	vld [tilespmem:s21+$0x0];
	_ =	sdelay $0x1  }
0xd5: {  	v13 =	vld [tilespmem:s21+$0x200];
	_ =	sdelay $0x2  }
0xd6: {  	v12 =	vshrl.u32 v12, $0x7  }
0xd7: {  	v12 =	vshll.u32 v12, $0x7  }
0xd8: {  	v13 =	vshrl.u32 v13, $0x7;
	(v2sf) =	vpush v12, $0x8  }
0xd9: {  	v13 =	vshll.u32 v13, $0x7  }
0xda: {  	(v2sf) =	vpush v13, $0x8;
	_ =	sdelay $0x2  }
0xdb: {  	(v2sf) =	vpush v12, $0x9;
	_ =	sdelay $0x2  }
0xdc: {  	(v2sf) =	vpush v13, $0x9;
	_ =	sdelay $0x6  }
0xdd: {  	s22 =	spop (v2sf);
	(v2sf) =	vpush v12, $0xA;
	_ =	sdelay $0x1  }
0xde: {  	s22 =	sand.u32 $0x1FFFFF80, s22;
	s24 =	spop (v2sf);
	(v2sf) =	vpush v13, $0xA  }
0xdf: {  	s22 =	sadd.s32 s1, s22  }
0xe0: {  	[tilespmem:s29], [sflag:$0x2] =	stream.strided.gather [hbm4b:s22+s12], $0x800, s11, s12, $0x38;
	[tilespmem:$0x10600] =	vst v63  }
0xe1: {  	s22 =	sand.u32 $0x1FFFFF80, s24;
	s24 =	spop (v2sf);
	(v2sf) =	vpush v12, $0xB  }
0xe2: {  	s22 =	sadd.s32 s2, s22  }
0xe3: {  	[tilespmem:s30], [sflag:$0x2] =	stream.strided.gather [hbm4b:s22+s12], $0x800, s11, s12, $0x38;
	[tilespmem:$0x10600] =	vst v63  }
0xe4: {  	s22 =	sand.u32 $0x1FFFFF80, s24;
	s24 =	spop (v2sf);
	(v2sf) =	vpush v13, $0xB;
	_ =	sdelay $0x3  }
0xe5: {  	s22 =	sadd.s32 s1, s22  }
0xe6: {  	[tilespmem:s31], [sflag:$0x2] =	stream.strided.gather [hbm4b:s22+s12], $0x800, s11, s12, $0x38;
	[tilespmem:$0x10600] =	vst v63  }
0xe7: {  	s22 =	sand.u32 $0x1FFFFF80, s24  }
0xe8: {  	s22 =	sadd.s32 s2, s22;
	s24 =	spop (v2sf);
	(v2sf) =	vpush v12, $0xC  }
0xe9: {  	[tilespmem:s0], [sflag:$0x2] =	stream.strided.gather [hbm4b:s22+s12], $0x800, s11, s12, $0x38;
	[tilespmem:$0x10600] =	vst v63  }
0xea: {  	s22 =	sand.u32 $0x1FFFFF80, s24;
	s24 =	spop (v2sf);
	(v2sf) =	vpush v13, $0xC  }
0xeb: {  	s22 =	sadd.s32 s1, s22  }
0xec: {  	[tilespmem:s4], [sflag:$0x2] =	stream.strided.gather [hbm4b:s22+s12], $0x800, s11, s12, $0x38;
	[tilespmem:$0x10600] =	vst v63  }
0xed: {  	s22 =	sand.u32 $0x1FFFFF80, s24;
	s24 =	spop (v2sf);
	(v2sf) =	vpush v12, $0xD  }
0xee: {  	s22 =	sadd.s32 s2, s22  }
0xef: {  	[tilespmem:s10], [sflag:$0x2] =	stream.strided.gather [hbm4b:s22+s12], $0x800, s11, s12, $0x38;
	[tilespmem:$0x10600] =	vst v63  }
0xf0: {  	s22 =	sand.u32 $0x1FFFFF80, s24;
	s24 =	spop (v2sf);
	(v2sf) =	vpush v13, $0xD;
	_ =	sdelay $0x3  }
0xf1: {  	s22 =	sadd.s32 s1, s22  }
0xf2: {  	[tilespmem:s5], [sflag:$0x2] =	stream.strided.gather [hbm4b:s22+s12], $0x800, s11, s12, $0x38;
	[tilespmem:$0x10600] =	vst v63  }
0xf3: {  	s22 =	sand.u32 $0x1FFFFF80, s24  }
0xf4: {  	s22 =	sadd.s32 s2, s22;
	s24 =	spop (v2sf);
	(v2sf) =	vpush v12, $0xE  }
0xf5: {  	[tilespmem:s6], [sflag:$0x2] =	stream.strided.gather [hbm4b:s22+s12], $0x800, s11, s12, $0x38;
	[tilespmem:$0x10600] =	vst v63  }
0xf6: {  	s22 =	sand.u32 $0x1FFFFF80, s24;
	s24 =	spop (v2sf);
	(v2sf) =	vpush v13, $0xE  }
0xf7: {  	s22 =	sadd.s32 s1, s22  }
0xf8: {  	[tilespmem:s7], [sflag:$0x2] =	stream.strided.gather [hbm4b:s22+s12], $0x800, s11, s12, $0x38;
	[tilespmem:$0x10600] =	vst v63  }
0xf9: {  	s22 =	sand.u32 $0x1FFFFF80, s24;
	s24 =	spop (v2sf);
	(v2sf) =	vpush v12, $0xF  }
0xfa: {  	s22 =	sadd.s32 s2, s22  }
0xfb: {  	[tilespmem:s8], [sflag:$0x2] =	stream.strided.gather [hbm4b:s22+s12], $0x800, s11, s12, $0x38;
	[tilespmem:$0x10600] =	vst v63  }
0xfc: {  	s22 =	sand.u32 $0x1FFFFF80, s24;
	s24 =	spop (v2sf);
	(v2sf) =	vpush v13, $0xF;
	_ =	sdelay $0x1  }
0xfd: {  	s22 =	sadd.s32 s1, s22  }
0xfe: {  	[tilespmem:s3], [sflag:$0x2] =	stream.strided.gather [hbm4b:s22+s12], $0x800, s11, s12, $0x38;
	[tilespmem:$0x10600] =	vst v63  }
0xff: {  	s22 =	sand.u32 $0x1FFFFF80, s24  }
0x100: {  	s22 =	sadd.s32 s2, s22  }
0x101: {  	[tilespmem:s9], [sflag:$0x2] =	stream.strided.gather [hbm4b:s22+s12], $0x800, s11, s12, $0x38;
	[tilespmem:$0x10600] =	vst v63  }
0x102: {  	s24 =	spop (v2sf)  }
0x103: {  	s22 =	sand.u32 $0x1FFFFF80, s24  }
0x104: {  	s24 =	spop (v2sf);
	s22 =	sadd.s32 s1, s22  }
0x105: {  	[tilespmem:s14], [sflag:$0x2] =	stream.strided.gather [hbm4b:s22+s12], $0x800, s11, s12, $0x38;
	[tilespmem:$0x10600] =	vst v63  }
0x106: {  	s22 =	sand.u32 $0x1FFFFF80, s24  }
0x107: {  	s24 =	spop (v2sf);
	s22 =	sadd.s32 s2, s22  }
0x108: {  	[tilespmem:s15], [sflag:$0x2] =	stream.strided.gather [hbm4b:s22+s12], $0x800, s11, s12, $0x38;
	[tilespmem:$0x10600] =	vst v63  }
0x109: {  	s22 =	sand.u32 $0x1FFFFF80, s24  }
0x10a: {  	s24 =	spop (v2sf);
	s22 =	sadd.s32 s1, s22  }
0x10b: {  	[tilespmem:s16], [sflag:$0x2] =	stream.strided.gather [hbm4b:s22+s12], $0x800, s11, s12, $0x38;
	[tilespmem:$0x10600] =	vst v63  }
0x10c: {  	s22 =	sand.u32 $0x1FFFFF80, s24  }
0x10d: {  	s22 =	sadd.s32 s2, s22  }
0x10e: {  	[tilespmem:s17], [sflag:$0x2] =	stream.strided.gather [hbm4b:s22+s12], $0x800, s11, s12, $0x38;
	[tilespmem:$0x10600] =	vst v63  }
0x10f: {  	_ =	swait.ge [sflag:s18], $0x800  }
0x110: {  	[sflag:s18] =	ssyncset.done $0x0  }
0x111: {  	[sflag:s18] =	ssyncadd.s32 $0xFFFFF800  }
0x112: {  	_ =	swait.ge [sflag:s18], $0x800  }
0x113: {  	[sflag:s18] =	ssyncset.done $0x0  }
0x114: {  	[sflag:s18] =	ssyncadd.s32 $0xFFFFF800  }
0x115: {  	_ =	swait.ge [sflag:s18], $0x800  }
0x116: {  	[sflag:s18] =	ssyncset.done $0x0  }
0x117: {  	[sflag:s18] =	ssyncadd.s32 $0xFFFFF800  }
0x118: {  	_ =	swait.ge [sflag:s18], $0x800  }
0x119: {  	[sflag:s18] =	ssyncset.done $0x0  }
0x11a: {  	[sflag:s18] =	ssyncadd.s32 $0xFFFFF800  }
0x11b: {  	_ =	swait.ge [sflag:s18], $0x800  }
0x11c: {  	[sflag:s18] =	ssyncset.done $0x0  }
0x11d: {  	[sflag:s18] =	ssyncadd.s32 $0xFFFFF800  }
0x11e: {  	_ =	swait.ge [sflag:s18], $0x800  }
0x11f: {  	[sflag:s18] =	ssyncset.done $0x0  }
0x120: {  	[sflag:s18] =	ssyncadd.s32 $0xFFFFF800  }
0x121: {  	_ =	swait.ge [sflag:s18], $0x800  }
0x122: {  	[sflag:s18] =	ssyncset.done $0x0  }
0x123: {  	[sflag:s18] =	ssyncadd.s32 $0xFFFFF800  }
0x124: {  	_ =	swait.ge [sflag:s18], $0x800  }
0x125: {  	[sflag:s18] =	ssyncset.done $0x0  }
0x126: {  	[sflag:s18] =	ssyncadd.s32 $0xFFFFF800  }
0x127: {  	_ =	swait.ge [sflag:s18], $0x800  }
0x128: {  	[sflag:s18] =	ssyncset.done $0x0  }
0x129: {  	[sflag:s18] =	ssyncadd.s32 $0xFFFFF800  }
0x12a: {  	_ =	swait.ge [sflag:s18], $0x800  }
0x12b: {  	[sflag:s18] =	ssyncset.done $0x0  }
0x12c: {  	[sflag:s18] =	ssyncadd.s32 $0xFFFFF800  }
0x12d: {  	_ =	swait.ge [sflag:s18], $0x800  }
0x12e: {  	[sflag:s18] =	ssyncset.done $0x0  }
0x12f: {  	[sflag:s18] =	ssyncadd.s32 $0xFFFFF800  }
0x130: {  	_ =	swait.ge [sflag:s18], $0x800  }
0x131: {  	[sflag:s18] =	ssyncset.done $0x0  }
0x132: {  	[sflag:s18] =	ssyncadd.s32 $0xFFFFF800  }
0x133: {  	_ =	swait.ge [sflag:s18], $0x800  }
0x134: {  	[sflag:s18] =	ssyncset.done $0x0  }
0x135: {  	[sflag:s18] =	ssyncadd.s32 $0xFFFFF800  }
0x136: {  	_ =	swait.ge [sflag:s18], $0x800  }
0x137: {  	[sflag:s18] =	ssyncset.done $0x0  }
0x138: {  	[sflag:s18] =	ssyncadd.s32 $0xFFFFF800  }
0x139: {  	_ =	swait.ge [sflag:s18], $0x800  }
0x13a: {  	[sflag:s18] =	ssyncset.done $0x0  }
0x13b: {  	[sflag:s18] =	ssyncadd.s32 $0xFFFFF800  }
0x13c: {  	_ =	swait.ge [sflag:s18], $0x800  }
0x13d: {  	[sflag:s18] =	ssyncset.done $0x0  }
0x13e: {  	[sflag:s18] =	ssyncadd.s32 $0xFFFFF800  }
0x13f: {  	v12 =	vld [tilespmem:s21+$0x0]  }
0x140: {  	v13 =	vld [tilespmem:s21+$0x200];
	_ =	sdelay $0x3  }
0x141: {  	v12 =	vand.u32 $0x7F, v12  }
0x142: {  	v13 =	vand.u32 $0x7F, v13;
	v14 =	vbroadcast v12, $0x0  }
0x143: {  	v15 =	vbroadcast v13, $0x0  }
0x144: {  	v16 =	vbroadcast v12, $0x1;
	v14 =	vor.u32 v0, v14  }
0x145: {  	v17 =	vbroadcast v13, $0x1;
	v15 =	vor.u32 v0, v15  }
0x146: {  	v18 =	vbroadcast v12, $0x2;
	v16 =	vor.u32 v5, v16  }
0x147: {  	v19 =	vbroadcast v13, $0x2;
	v17 =	vor.u32 v5, v17  }
0x148: {  	v20 =	vbroadcast v12, $0x3;
	v18 =	vor.u32 v6, v18  }
0x149: {  	v24 =	vld.idx.msk [tilespmem:v14+s12+$0x0], $0xffff;
	v14 =	vor.u32 v6, v19;
	v19 =	vbroadcast v13, $0x3  }
0x14a: {  	v25 =	vld.idx.msk [tilespmem:v15+s13+$0x0], $0xffff;
	v15 =	vor.u32 v7, v20;
	v20 =	vbroadcast v12, $0x4  }
0x14b: {  	v28 =	vbroadcast v12, $0x6;
	v26 =	vld.idx.msk [tilespmem:v16+s12+$0x0], $0xffff;
	v16 =	vor.u32 v7, v19;
	v19 =	vbroadcast v13, $0x4  }
0x14c: {  	v27 =	vld.idx.msk [tilespmem:v17+s13+$0x0], $0xffff;
	v17 =	vor.u32 v8, v20;
	v20 =	vbroadcast v12, $0x5;
	v12 =	vbroadcast v12, $0x7  }
0x14d: {  	v21 =	vld.idx.msk [tilespmem:v18+s12+$0x0], $0xffff;
	v18 =	vor.u32 v8, v19  }
0x14e: {  	v19 =	vbroadcast v13, $0x5;
	v12 =	vor.u32 v11, v12;
	v23 =	vld.idx.msk [tilespmem:v14+s13+$0x0], $0xffff  }
0x14f: {  	v14 =	vor.u32 v9, v20;
	v20 =	vld.idx.msk [tilespmem:v15+s12+$0x0], $0xffff  }
0x150: {  	v28 =	vor.u32 v10, v28;
	v15 =	vor.u32 v9, v19;
	v19 =	vbroadcast v13, $0x6;
	v22 =	vld.idx.msk [tilespmem:v16+s13+$0x0], $0xffff  }
0x151: {  	v13 =	vbroadcast v13, $0x7;
	v16 =	vld.idx.msk [tilespmem:v17+s12+$0x0], $0xffff  }
0x152: {  	v29 =	vor.u32 v10, v19;
	v18 =	vld.idx.msk [tilespmem:v18+s13+$0x0], $0xffff  }
0x153: {  	p0 =	seq.s32 s20, $0x7C0;
	v13 =	vor.u32 v11, v13;
	v12 =	vld.idx.msk [tilespmem:v12+s12+$0x0], $0xffff  }
.Ltmp4:
0x154: {  	v17 =	vld.idx.msk [tilespmem:v14+s12+$0x0], $0xffff;
	(pc) =	sbr.rel @p0 .LBB2_4-.Ltmp4, $4  }
0x155: {  	v14 =	vld.idx.msk [tilespmem:v28+s12+$0x0], $0xffff  }
0x156: {  	v19 =	vld.idx.msk [tilespmem:v15+s13+$0x0], $0xffff  }
0x157: {  	v15 =	vld.idx.msk [tilespmem:v29+s13+$0x0], $0xffff  }
0x158: {  	v13 =	vld.idx.msk [tilespmem:v13+s13+$0x0], $0xffff  }
0x159: {  	v28 =	vld [tilespmem:s21+$0x10];
	_ =	sdelay $0x3  }
0x15a: {  	v29 =	vld [tilespmem:s21+$0x210]  }
0x15b: {  	v28 =	vshrl.u32 v28, $0x7  }
0x15c: {  	v28 =	vshll.u32 v28, $0x7  }
0x15d: {  	(v2sf) =	vpush v28, $0x0;
	_ =	sdelay $0x1  }
0x15e: {  	v29 =	vshrl.u32 v29, $0x7  }
0x15f: {  	v29 =	vshll.u32 v29, $0x7  }
0x160: {  	(v2sf) =	vpush v29, $0x0;
	_ =	sdelay $0x2  }
0x161: {  	(v2sf) =	vpush v28, $0x1;
	_ =	sdelay $0x2  }
0x162: {  	(v2sf) =	vpush v29, $0x1;
	_ =	sdelay $0x4  }
0x163: {  	s22 =	spop (v2sf);
	(v2sf) =	vpush v28, $0x2;
	_ =	sdelay $0x2  }
0x164: {  	s22 =	sand.u32 $0x1FFFFF80, s22  }
0x165: {  	s24 =	spop (v2sf);
	(v2sf) =	vpush v29, $0x2;
	s22 =	sadd.s32 s1, s22  }
0x166: {  	[tilespmem:s12], [sflag:$0x1] =	stream.strided.gather [hbm4b:s22+s12], $0x800, s11, s12, $0x38;
	[tilespmem:$0x10600] =	vst v63  }
0x167: {  	s22 =	sand.u32 $0x1FFFFF80, s24  }
0x168: {  	s24 =	spop (v2sf);
	s22 =	sadd.s32 s2, s22  }
0x169: {  	(v2sf) =	vpush v28, $0x3;
	[tilespmem:s13], [sflag:$0x1] =	stream.strided.gather [hbm4b:s22+s12], $0x800, s11, s12, $0x38;
	[tilespmem:$0x10600] =	vst v63  }
0x16a: {  	s22 =	sand.u32 $0x1FFFFF80, s24  }
0x16b: {  	s24 =	spop (v2sf);
	s22 =	sadd.s32 s1, s22  }
0x16c: {  	[tilespmem:s23], [sflag:$0x1] =	stream.strided.gather [hbm4b:s22+s12], $0x800, s11, s12, $0x38;
	[tilespmem:$0x10600] =	vst v63  }
0x16d: {  	(v2sf) =	vpush v29, $0x3;
	s22 =	sand.u32 $0x1FFFFF80, s24  }
0x16e: {  	s24 =	simm.s32 $0x4C00;
	s22 =	sadd.s32 s2, s22  }
0x16f: {  	[tilespmem:s24], [sflag:$0x1] =	stream.strided.gather [hbm4b:s22+s12], $0x800, s11, s12, $0x38;
	[tilespmem:$0x10600] =	vst v63  }
0x170: {  	s24 =	spop (v2sf)  }
0x171: {  	(v2sf) =	vpush v28, $0x4;
	s22 =	sand.u32 $0x1FFFFF80, s24  }
0x172: {  	s24 =	simm.s32 $0x1400;
	s22 =	sadd.s32 s1, s22  }
0x173: {  	[tilespmem:s24], [sflag:$0x1] =	stream.strided.gather [hbm4b:s22+s12], $0x800, s11, s12, $0x38;
	[tilespmem:$0x10600] =	vst v63  }
0x174: {  	s24 =	spop (v2sf)  }
0x175: {  	(v2sf) =	vpush v29, $0x4;
	s22 =	sand.u32 $0x1FFFFF80, s24  }
0x176: {  	s24 =	simm.s32 $0x5400;
	s22 =	sadd.s32 s2, s22  }
0x177: {  	[tilespmem:s24], [sflag:$0x1] =	stream.strided.gather [hbm4b:s22+s12], $0x800, s11, s12, $0x38;
	[tilespmem:$0x10600] =	vst v63  }
0x178: {  	s24 =	spop (v2sf)  }
0x179: {  	(v2sf) =	vpush v28, $0x5;
	s22 =	sand.u32 $0x1FFFFF80, s24  }
0x17a: {  	s24 =	simm.s32 $0x1C00;
	s22 =	sadd.s32 s1, s22  }
0x17b: {  	[tilespmem:s24], [sflag:$0x1] =	stream.strided.gather [hbm4b:s22+s12], $0x800, s11, s12, $0x38;
	[tilespmem:$0x10600] =	vst v63  }
0x17c: {  	s24 =	spop (v2sf)  }
0x17d: {  	(v2sf) =	vpush v29, $0x5;
	s22 =	sand.u32 $0x1FFFFF80, s24  }
0x17e: {  	s24 =	simm.s32 $0x5C00;
	s22 =	sadd.s32 s2, s22  }
0x17f: {  	[tilespmem:s24], [sflag:$0x1] =	stream.strided.gather [hbm4b:s22+s12], $0x800, s11, s12, $0x38;
	[tilespmem:$0x10600] =	vst v63  }
0x180: {  	s24 =	spop (v2sf)  }
0x181: {  	(v2sf) =	vpush v28, $0x6;
	s22 =	sand.u32 $0x1FFFFF80, s24  }
0x182: {  	s24 =	simm.s32 $0x2400;
	s22 =	sadd.s32 s1, s22  }
0x183: {  	[tilespmem:s24], [sflag:$0x1] =	stream.strided.gather [hbm4b:s22+s12], $0x800, s11, s12, $0x38;
	[tilespmem:$0x10600] =	vst v63  }
0x184: {  	s24 =	spop (v2sf)  }
0x185: {  	(v2sf) =	vpush v29, $0x6;
	s22 =	sand.u32 $0x1FFFFF80, s24  }
0x186: {  	s24 =	simm.s32 $0x6400;
	s22 =	sadd.s32 s2, s22  }
0x187: {  	[tilespmem:s24], [sflag:$0x1] =	stream.strided.gather [hbm4b:s22+s12], $0x800, s11, s12, $0x38;
	[tilespmem:$0x10600] =	vst v63  }
0x188: {  	s24 =	spop (v2sf)  }
0x189: {  	(v2sf) =	vpush v28, $0x7;
	s22 =	sand.u32 $0x1FFFFF80, s24  }
0x18a: {  	s24 =	simm.s32 $0x2C00;
	s22 =	sadd.s32 s1, s22  }
0x18b: {  	[tilespmem:s24], [sflag:$0x1] =	stream.strided.gather [hbm4b:s22+s12], $0x800, s11, s12, $0x38;
	[tilespmem:$0x10600] =	vst v63  }
0x18c: {  	s24 =	spop (v2sf)  }
0x18d: {  	s22 =	sand.u32 $0x1FFFFF80, s24  }
0x18e: {  	(v2sf) =	vpush v29, $0x7;
	s24 =	simm.s32 $0x6C00;
	s22 =	sadd.s32 s2, s22  }
0x18f: {  	[tilespmem:s24], [sflag:$0x1] =	stream.strided.gather [hbm4b:s22+s12], $0x800, s11, s12, $0x38;
	[tilespmem:$0x10600] =	vst v63  }
0x190: {  	s24 =	spop (v2sf)  }
0x191: {  	s22 =	sand.u32 $0x1FFFFF80, s24  }
0x192: {  	s24 =	simm.s32 $0x3400;
	s22 =	sadd.s32 s1, s22  }
0x193: {  	[tilespmem:s24], [sflag:$0x1] =	stream.strided.gather [hbm4b:s22+s12], $0x800, s11, s12, $0x38;
	[tilespmem:$0x10600] =	vst v63  }
0x194: {  	s24 =	spop (v2sf)  }
0x195: {  	s22 =	sand.u32 $0x1FFFFF80, s24  }
0x196: {  	s22 =	sadd.s32 s2, s22  }
0x197: {  	[tilespmem:s25], [sflag:$0x1] =	stream.strided.gather [hbm4b:s22+s12], $0x800, s11, s12, $0x38;
	[tilespmem:$0x10600] =	vst v63  }
0x198: {  	s24 =	spop (v2sf)  }
0x199: {  	s22 =	sand.u32 $0x1FFFFF80, s24  }
0x19a: {  	s22 =	sadd.s32 s1, s22  }
0x19b: {  	[tilespmem:s26], [sflag:$0x1] =	stream.strided.gather [hbm4b:s22+s12], $0x800, s11, s12, $0x38;
	[tilespmem:$0x10600] =	vst v63  }
.Ltmp5:
0x19c: {  	_ = 	snop;
	(pc) =	sbr.rel .LBB2_4-.Ltmp5, $4  }
0x19d: {  	s24 =	spop (v2sf)  }
0x19e: {  	s22 =	sand.u32 $0x1FFFFF80, s24  }
0x19f: {  	s22 =	sadd.s32 s2, s22  }
0x1a0: {  	[tilespmem:s28], [sflag:$0x1] =	stream.strided.gather [hbm4b:s22+s12], $0x800, s11, s12, $0x38;
	[tilespmem:$0x10600] =	vst v63  }
.LBB2_6:
0x1a1: {  	_ =	sfence.sel $0x180000  }
0x1a2: {  	[bflag:$0x0] =	sbarrier.arrive $0xFFFF  }
0x1a3: {  	_ =	strace $0x90000047  }
0x1a4: {  	s0 =	stileid.u32;
	[bflag:$0x2] =	sbarrier.arrive $0xFFFF  }
0x1a5: {  	p0 =	sne.s32 s0, $0x0;
	s0 =	rddreg [dreg:$0x5]  }
0x1a6: {  	s0 =	sadd.s32 @!p0 $0x100000, s0  }
0x1a7: {  	[sflag:s0] =	ssyncadd.tile.s32 @!p0 $0x1;
	_ =	shalt  }
.Lfunc_end2:
_tile_overlayer_lowered:
.L_overlay_start_2:
0x1a8: {  	(tag) =	ssettag $0x2  }
0x1a9: {  	s0 =	rddreg [dreg:$0x0];
	s2 =	stileid.u32  }
0x1aa: {  	s1 =	rddreg [dreg:$0x1];
	p0 =	sne.s32 s2, $0x0  }
0x1ab: {  	s3 =	rddreg [dreg:$0x2];
	[bflag:$0x3] =	sbarrier.arrive $0xFFFF;
	s2 =	simm.s32 @!p0 $0x1C03  }
0x1ac: {  	[timem:s3], [sflag:s2] =	dma.local @!p0 [hbm:s0], s1  }
0x1ad: {  	s0 =	simm.s32 @!p0 $0x3  }
0x1ae: {  	_ =	swait.ge @!p0 [sflag:s0], s1  }
0x1af: {  	s1 =	ssub.s32 @!p0 $0x0, s1;
	[sflag:s0] =	ssyncset.done @!p0 $0x0  }
0x1b0: {  	[sflag:s0] =	ssyncadd.s32 @!p0 s1  }
0x1b1: {  	[bflag:$0x3] =	sbarrier.arrive $0xFFFF  }
0x1b2: {  	_ =	shalt  }

</sc_bundles>
